<compile_context>
chip_gen: v7x
topology: tpu7x:2x2x1
jax: 0.10.2.dev20260603
libtpu: 0.0.44.dev20260713+nightly
codegen_flags: <defaults>
</compile_context>

<pallas_src>
import jax
import jax.numpy as jnp
from jax.experimental import pallas as pl
from jax.experimental.pallas import tpu as pltpu

_PRE = 2000
_POST = 1000
_PAD = 2048
_OUTPAD = 1024
_THRESH = 0.7
_BLK = 128
_NBLK = _PAD // _BLK


def _nms_kernel(bt_ref, d_ref, o_ref, mcol_ref, kv_ref, cs_ref):
    f32 = jnp.float32
    bf16 = jnp.bfloat16

    x1i = d_ref[:, 0:1]
    y1i = d_ref[:, 1:2]
    x2i = d_ref[:, 2:3]
    y2i = d_ref[:, 3:4]
    area_i = (x2i - x1i) * (y2i - y1i)
    jidx = jax.lax.broadcasted_iota(jnp.int32, (1, _PAD), 1)

    kv_ref[...] = jnp.ones((1, _PAD), f32)

    for b in range(_NBLK):
        c0 = b * _BLK
        h = c0 + _BLK
        x1j = bt_ref[0:1, c0:h]
        y1j = bt_ref[1:2, c0:h]
        x2j = bt_ref[2:3, c0:h]
        y2j = bt_ref[3:4, c0:h]
        area_j = (x2j - x1j) * (y2j - y1j)
        wx = jnp.maximum(
            jnp.minimum(x2i[0:h], x2j) - jnp.maximum(x1i[0:h], x1j), 0.0
        )
        wy = jnp.maximum(
            jnp.minimum(y2i[0:h], y2j) - jnp.maximum(y1i[0:h], y1j), 0.0
        )
        inter = wx * wy
        union = area_i[0:h] + area_j - inter
        iou = inter / jnp.maximum(union, 1e-9)
        iidx = jax.lax.broadcasted_iota(jnp.int32, (h, 1), 0)
        jidx_b = c0 + jax.lax.broadcasted_iota(jnp.int32, (1, _BLK), 1)
        mcol_ref[0:h, :] = ((iou > _THRESH) & (iidx < jidx_b)).astype(bf16)

        if b == 0:
            allowed = jnp.ones((1, _BLK), f32)
        else:
            kp = kv_ref[0:1, 0:c0].astype(bf16)
            supb = jax.lax.dot_general(
                kp,
                mcol_ref[0:c0, :],
                (((1,), (0,)), ((), ())),
                preferred_element_type=f32,
            )
            allowed = (supb <= 0.0).astype(f32)

        mbb = mcol_ref[c0:h, :]

        def cond(c):
            return c[1]

        def body(c, allowed=allowed, mbb=mbb):
            kb, _ = c
            sl = jax.lax.dot_general(
                kb.astype(bf16),
                mbb,
                (((1,), (0,)), ((), ())),
                preferred_element_type=f32,
            )
            nkb = allowed * (sl <= 0.0).astype(f32)
            return (nkb, jnp.any(nkb != kb))

        kb, _ = jax.lax.while_loop(cond, body, (allowed, jnp.bool_(True)))
        kv_ref[0:1, c0:h] = kb

    k = kv_ref[...] * (jidx < _PRE).astype(f32)
    kv_ref[...] = k

    u_tri = (
        jax.lax.broadcasted_iota(jnp.int32, (_BLK, _BLK), 0)
        <= jax.lax.broadcasted_iota(jnp.int32, (_BLK, _BLK), 1)
    ).astype(bf16)
    carry = jnp.zeros((1, 1), f32)
    for b in range(_NBLK):
        c0 = b * _BLK
        kb = kv_ref[0:1, c0 : c0 + _BLK].astype(bf16)
        cb = (
            jax.lax.dot_general(
                kb,
                u_tri,
                (((1,), (0,)), ((), ())),
                preferred_element_type=f32,
            )
            + carry
        )
        cs_ref[0:1, c0 : c0 + _BLK] = cb
        carry = cb[0:1, _BLK - 1 : _BLK]

    csum = cs_ref[...]
    n_kept = cs_ref[0:1, _PAD - 1 : _PAD]
    csup = (jidx + 1).astype(f32) - csum
    dest = jnp.where(k > 0.0, csum - 1.0, n_kept + csup - 1.0)
    dest_i = dest.astype(jnp.int32)

    d_f32 = d_ref[...]
    d_hi = d_f32.astype(bf16)
    r1 = d_f32 - d_hi.astype(f32)
    d_lo = r1.astype(bf16)
    d_lolo = (r1 - d_lo.astype(f32)).astype(bf16)
    for ob in range(_OUTPAD // _BLK):
        ridx = ob * _BLK + jax.lax.broadcasted_iota(jnp.int32, (_BLK, 1), 0)
        p = (dest_i == ridx).astype(bf16)
        acc = jnp.zeros((_BLK, 8), f32)
        for part in (d_hi, d_lo, d_lolo):
            acc = acc + jax.lax.dot_general(
                p,
                part,
                (((1,), (0,)), ((), ())),
                preferred_element_type=f32,
            )
        o_ref[ob * _BLK : (ob + 1) * _BLK, :] = acc


def kernel(boxes, scores):
    f32 = jnp.float32
    w = boxes[:, 2] - boxes[:, 0]
    h = boxes[:, 3] - boxes[:, 1]
    valid = (w >= 0.0) & (h >= 0.0)
    scores_f = jnp.where(valid, scores, -jnp.inf)

    top_scores, top_idx = jax.lax.top_k(scores_f, _PRE)
    b = boxes[top_idx]

    pad = _PAD - _PRE
    b_p = jnp.pad(b, ((0, pad), (0, 0)))
    s_p = jnp.pad(top_scores, (0, pad))
    bt = b_p.T
    d = jnp.concatenate(
        [b_p, s_p[:, None], jnp.zeros((_PAD, 3), f32)], axis=1
    )

    out = pl.pallas_call(
        _nms_kernel,
        out_shape=jax.ShapeDtypeStruct((_OUTPAD, 8), f32),
        scratch_shapes=[
            pltpu.VMEM((_PAD, _BLK), jnp.bfloat16),
            pltpu.VMEM((1, _PAD), f32),
            pltpu.VMEM((1, _PAD), f32),
        ],
    )(bt, d)
    return out[:_POST, :5]

# --- scband reference (transcript-rebuilt; emitter-appended) ---
"""Pipeline reference for scband-cls-free-rpn-18090402250922 (READ-ONLY COPY).

The authoritative reference and input builder live on the scoring server;
editing this copy changes nothing except your own understanding.
"""

import jax, jax.numpy as jnp
import numpy as np

PRE_NMS_TOPK = 2000
POST_NMS_TOPK = 1000
NMS_THRESH = 0.7
MIN_BOX_SIZE = 0.0
N = 20000


def setup_inputs(seed: int = 0) -> dict:
    key = jax.random.key(seed)
    k1, k2, k3 = jax.random.split(key, 3)
    # well-formed xyxy boxes in a ~1024px image
    xy = jax.random.uniform(k1, (N, 2), dtype=jnp.float32) * 1024.0
    wh = jax.random.uniform(k2, (N, 2), dtype=jnp.float32) * 256.0 + 1.0
    boxes = jnp.concatenate([xy, xy + wh], axis=-1)
    scores = jax.random.normal(k3, (N,), dtype=jnp.float32)
    return {"boxes": boxes, "scores": scores}


def pairwise_iou(a, b):
    # a: [M,4], b: [K,4] in xyxy
    area_a = (a[:, 2] - a[:, 0]) * (a[:, 3] - a[:, 1])
    area_b = (b[:, 2] - b[:, 0]) * (b[:, 3] - b[:, 1])
    lt = jnp.maximum(a[:, None, :2], b[None, :, :2])
    rb = jnp.minimum(a[:, None, 2:], b[None, :, 2:])
    wh = jnp.clip(rb - lt, 0.0)
    inter = wh[..., 0] * wh[..., 1]
    union = area_a[:, None] + area_b[None, :] - inter
    return inter / jnp.maximum(union, 1e-9)


def reference(boxes, scores):
    # RPN proposal selection path: min-size filter -> pre-NMS topk -> NMS -> post-NMS topk
    w = boxes[:, 2] - boxes[:, 0]
    h = boxes[:, 3] - boxes[:, 1]
    valid = (w >= MIN_BOX_SIZE) & (h >= MIN_BOX_SIZE)
    scores_f = jnp.where(valid, scores, -jnp.inf)

    top_scores, top_idx = jax.lax.top_k(scores_f, PRE_NMS_TOPK)  # sorted desc
    b = boxes[top_idx]

    iou = pairwise_iou(b, b)
    n = PRE_NMS_TOPK
    idxs = jnp.arange(n)

    def body(i, keep):
        suppressed = jnp.any((iou[i] > NMS_THRESH) & keep & (idxs < i))
        return keep.at[i].set(keep[i] & jnp.logical_not(suppressed))

    keep = jax.lax.fori_loop(0, n, body, jnp.ones((n,), dtype=bool))

    kept_scores = jnp.where(keep, top_scores, -jnp.inf)
    _, sel = jax.lax.top_k(kept_scores, POST_NMS_TOPK)
    out_boxes = b[sel]
    out_scores = top_scores[sel]
    return jnp.concatenate([out_boxes, out_scores[:, None]], axis=-1)

if __name__ == "__main__":
    import jax
    _d = setup_inputs()
    print(jax.jit(kernel)(*tuple(_d.values())))

</pallas_src>

<mosaic_0001>
module attributes {stable_mosaic.version = 14 : i64} {
  func.func @_nms_kernel(%arg0: memref<4x2048xf32, #tpu.memory_space<vmem>>, %arg1: memref<2048x8xf32, #tpu.memory_space<vmem>>, %arg2: memref<1024x8xf32, #tpu.memory_space<vmem>>, %arg3: memref<2048x128xbf16, #tpu.memory_space<vmem>>, %arg4: memref<1x2048xf32, #tpu.memory_space<vmem>>, %arg5: memref<1x2048xf32, #tpu.memory_space<vmem>>) attributes {dimension_semantics = [], scalar_prefetch = 0 : i64, scratch_operands = 3 : i64, tpu.core_type = #tpu.core_type<tc>} {
    %get3A = arith.constant 0 : index
    %get3A_0 = arith.constant 0 : index
    %get3A_1 = vector.load %arg1[%get3A, %get3A_0] : memref<2048x8xf32, #tpu.memory_space<vmem>>, vector<2048x1xf32>
    %get3A_2 = arith.constant 0 : index
    %get3A_3 = arith.constant 1 : index
    %get3A_4 = vector.load %arg1[%get3A_2, %get3A_3] : memref<2048x8xf32, #tpu.memory_space<vmem>>, vector<2048x1xf32>
    %get3A_5 = arith.constant 0 : index
    %get3A_6 = arith.constant 2 : index
    %get3A_7 = vector.load %arg1[%get3A_5, %get3A_6] : memref<2048x8xf32, #tpu.memory_space<vmem>>, vector<2048x1xf32>
    %get3A_8 = arith.constant 0 : index
    %get3A_9 = arith.constant 3 : index
    %get3A_10 = vector.load %arg1[%get3A_8, %get3A_9] : memref<2048x8xf32, #tpu.memory_space<vmem>>, vector<2048x1xf32>
    %sub3A = arith.subf %get3A_7, %get3A_1 : vector<2048x1xf32>
    %sub3A_11 = arith.subf %get3A_10, %get3A_4 : vector<2048x1xf32>
    %mul3A = arith.mulf %sub3A, %sub3A_11 : vector<2048x1xf32>
    %iota3A = tpu.iota {dimensions = array<i32: 1>} : vector<1x2048xi32>
    %broadcast_in_dim3A = arith.constant 1.000000e+00 : f32
    %broadcast_in_dim3A_12 = vector.broadcast %broadcast_in_dim3A : f32 to vector<1x2048xf32>
    %swap3A = arith.constant 0 : index
    %swap3A_13 = arith.constant 0 : index
    %swap3A_14 = vector.load %arg4[%swap3A, %swap3A_13] : memref<1x2048xf32, #tpu.memory_space<vmem>>, vector<1x2048xf32>
    tpu.vector_store %arg4[%swap3A, %swap3A_13], %broadcast_in_dim3A_12 {strides = array<i32>} : memref<1x2048xf32, #tpu.memory_space<vmem>>, vector<1x2048xf32>,
    %get3A_15 = arith.constant 0 : index
    %get3A_16 = arith.constant 0 : index
    %get3A_17 = vector.load %arg0[%get3A_15, %get3A_16] : memref<4x2048xf32, #tpu.memory_space<vmem>>, vector<1x128xf32>
    %get3A_18 = arith.constant 1 : index
    %get3A_19 = arith.constant 0 : index
    %get3A_20 = vector.load %arg0[%get3A_18, %get3A_19] : memref<4x2048xf32, #tpu.memory_space<vmem>>, vector<1x128xf32>
    %get3A_21 = arith.constant 2 : index
    %get3A_22 = arith.constant 0 : index
    %get3A_23 = vector.load %arg0[%get3A_21, %get3A_22] : memref<4x2048xf32, #tpu.memory_space<vmem>>, vector<1x128xf32>
    %get3A_24 = arith.constant 3 : index
    %get3A_25 = arith.constant 0 : index
    %get3A_26 = vector.load %arg0[%get3A_24, %get3A_25] : memref<4x2048xf32, #tpu.memory_space<vmem>>, vector<1x128xf32>
    %sub3A_27 = arith.subf %get3A_23, %get3A_17 : vector<1x128xf32>
    %sub3A_28 = arith.subf %get3A_26, %get3A_20 : vector<1x128xf32>
    %mul3A_29 = arith.mulf %sub3A_27, %sub3A_28 : vector<1x128xf32>
    %slice3A = vector.extract_strided_slice %get3A_7 {offsets = [0, 0], sizes = [128, 1], strides = [1, 1]} : vector<2048x1xf32> to vector<128x1xf32>
    %min3A = vector.broadcast %slice3A : vector<128x1xf32> to vector<128x128xf32>
    %min3A_30 = vector.broadcast %get3A_23 : vector<1x128xf32> to vector<128x128xf32>
    %min3A_31 = arith.minimumf %min3A, %min3A_30 : vector<128x128xf32>
    %slice3A_32 = vector.extract_strided_slice %get3A_1 {offsets = [0, 0], sizes = [128, 1], strides = [1, 1]} : vector<2048x1xf32> to vector<128x1xf32>
    %max3A = vector.broadcast %slice3A_32 : vector<128x1xf32> to vector<128x128xf32>
    %max3A_33 = vector.broadcast %get3A_17 : vector<1x128xf32> to vector<128x128xf32>
    %max3A_34 = arith.maximumf %max3A, %max3A_33 : vector<128x128xf32>
    %sub3A_35 = arith.subf %min3A_31, %max3A_34 : vector<128x128xf32>
    %max3A_36 = arith.constant 0.000000e+00 : f32
    %max3A_37 = vector.broadcast %max3A_36 : f32 to vector<128x128xf32>
    %max3A_38 = arith.maximumf %sub3A_35, %max3A_37 : vector<128x128xf32>
    %slice3A_39 = vector.extract_strided_slice %get3A_10 {offsets = [0, 0], sizes = [128, 1], strides = [1, 1]} : vector<2048x1xf32> to vector<128x1xf32>
    %min3A_40 = vector.broadcast %slice3A_39 : vector<128x1xf32> to vector<128x128xf32>
    %min3A_41 = vector.broadcast %get3A_26 : vector<1x128xf32> to vector<128x128xf32>
    %min3A_42 = arith.minimumf %min3A_40, %min3A_41 : vector<128x128xf32>
    %slice3A_43 = vector.extract_strided_slice %get3A_4 {offsets = [0, 0], sizes = [128, 1], strides = [1, 1]} : vector<2048x1xf32> to vector<128x1xf32>
    %max3A_44 = vector.broadcast %slice3A_43 : vector<128x1xf32> to vector<128x128xf32>
    %max3A_45 = vector.broadcast %get3A_20 : vector<1x128xf32> to vector<128x128xf32>
    %max3A_46 = arith.maximumf %max3A_44, %max3A_45 : vector<128x128xf32>
    %sub3A_47 = arith.subf %min3A_42, %max3A_46 : vector<128x128xf32>
    %max3A_48 = arith.constant 0.000000e+00 : f32
    %max3A_49 = vector.broadcast %max3A_48 : f32 to vector<128x128xf32>
    %max3A_50 = arith.maximumf %sub3A_47, %max3A_49 : vector<128x128xf32>
    %mul3A_51 = arith.mulf %max3A_38, %max3A_50 : vector<128x128xf32>
    %slice3A_52 = vector.extract_strided_slice %mul3A {offsets = [0, 0], sizes = [128, 1], strides = [1, 1]} : vector<2048x1xf32> to vector<128x1xf32>
    %add3A = vector.broadcast %slice3A_52 : vector<128x1xf32> to vector<128x128xf32>
    %add3A_53 = vector.broadcast %mul3A_29 : vector<1x128xf32> to vector<128x128xf32>
    %add3A_54 = arith.addf %add3A, %add3A_53 : vector<128x128xf32>
    %sub3A_55 = arith.subf %add3A_54, %mul3A_51 : vector<128x128xf32>
    %max3A_56 = arith.constant 9.99999971E-10 : f32
    %max3A_57 = vector.broadcast %max3A_56 : f32 to vector<128x128xf32>
    %max3A_58 = arith.maximumf %sub3A_55, %max3A_57 : vector<128x128xf32>
    %div3A = arith.divf %mul3A_51, %max3A_58 : vector<128x128xf32>
    %iota3A_59 = tpu.iota {dimensions = array<i32: 0>} : vector<128x1xi32>
    %iota3A_60 = tpu.iota {dimensions = array<i32: 1>} : vector<1x128xi32>
    %add3A_61 = arith.constant 0 : i32
    %add3A_62 = vector.broadcast %add3A_61 : i32 to vector<1x128xi32>
    %add3A_63 = arith.addi %add3A_62, %iota3A_60 : vector<1x128xi32>
    %gt3A = arith.constant 0.699999988 : f32
    %gt3A_64 = vector.broadcast %gt3A : f32 to vector<128x128xf32>
    %gt3A_65 = arith.cmpf ogt, %div3A, %gt3A_64 : vector<128x128xf32>
    %lt3A = vector.broadcast %iota3A_59 : vector<128x1xi32> to vector<128x128xi32>
    %lt3A_66 = vector.broadcast %add3A_63 : vector<1x128xi32> to vector<128x128xi32>
    %lt3A_67 = arith.cmpi slt, %lt3A, %lt3A_66 : vector<128x128xi32>
    %and3A = arith.andi %gt3A_65, %lt3A_67 : vector<128x128xi1>
    %convert_element_type3A = arith.extui %and3A : vector<128x128xi1> to vector<128x128xi32>
    %convert_element_type3A_68 = arith.sitofp %convert_element_type3A : vector<128x128xi32> to vector<128x128xf32>
    %convert_element_type3A_69 = arith.truncf %convert_element_type3A_68 : vector<128x128xf32> to vector<128x128xbf16>
    %swap3A_70 = arith.constant 0 : index
    %swap3A_71 = arith.constant 0 : index
    %swap3A_72 = vector.load %arg3[%swap3A_70, %swap3A_71] : memref<2048x128xbf16, #tpu.memory_space<vmem>>, vector<128x128xbf16>
    tpu.vector_store %arg3[%swap3A_70, %swap3A_71], %convert_element_type3A_69 {strides = array<i32>} : memref<2048x128xbf16, #tpu.memory_space<vmem>>, vector<128x128xbf16>,
    %broadcast_in_dim3A_73 = arith.constant 1.000000e+00 : f32
    %broadcast_in_dim3A_74 = vector.broadcast %broadcast_in_dim3A_73 : f32 to vector<1x128xf32>
    %get3A_75 = arith.constant 0 : index
    %get3A_76 = arith.constant 0 : index
    %get3A_77 = vector.load %arg3[%get3A_75, %get3A_76] : memref<2048x128xbf16, #tpu.memory_space<vmem>>, vector<128x128xbf16>
    %while3A = arith.constant true
    %while3A_78:2 = scf.while (%while3A_1845 = %broadcast_in_dim3A_74, %while3A_1846 = %while3A) : (vector<1x128xf32>, i1) -> (vector<1x128xf32>, i1) {
      scf.condition(%while3A_1846) %while3A_1845, %while3A_1846 : vector<1x128xf32>, i1
    } do {
    ^bb0(%while3A_1845: vector<1x128xf32>, %while3A_1846: i1):
      %convert_element_type3A_1847 = arith.truncf %while3A_1845 : vector<1x128xf32> to vector<1x128xbf16>
      %dot_general3A_1848 = arith.constant dense<0.000000e+00> : vector<1x128xf32>
      %dot_general3A_1849 = tpu.matmul %convert_element_type3A_1847, %get3A_77, %dot_general3A_1848 {dimension_numbers = #tpu.dot_dimension_numbers<[1], [0], [0], [1], [0, 0, 1, 1], [], []>, transpose_lhs_hint = false} : vector<1x128xbf16>, vector<128x128xbf16>, vector<1x128xf32> -> vector<1x128xf32>
      %le3A_1850 = arith.constant 0.000000e+00 : f32
      %le3A_1851 = vector.broadcast %le3A_1850 : f32 to vector<1x128xf32>
      %le3A_1852 = arith.cmpf ole, %dot_general3A_1849, %le3A_1851 : vector<1x128xf32>
      %convert_element_type3A_1853 = arith.extui %le3A_1852 : vector<1x128xi1> to vector<1x128xi32>
      %convert_element_type3A_1854 = arith.sitofp %convert_element_type3A_1853 : vector<1x128xi32> to vector<1x128xf32>
      %mul3A_1855 = arith.mulf %broadcast_in_dim3A_74, %convert_element_type3A_1854 : vector<1x128xf32>
      %ne3A = arith.cmpf one, %mul3A_1855, %while3A_1845 : vector<1x128xf32>
      %reduce_or3A = arith.constant 1.000000e+00 : f32
      %reduce_or3A_1856 = arith.constant 0.000000e+00 : f32
      %reduce_or3A_1857 = vector.broadcast %reduce_or3A : f32 to vector<1x128xf32>
      %reduce_or3A_1858 = vector.broadcast %reduce_or3A_1856 : f32 to vector<1x128xf32>
      %reduce_or3A_1859 = arith.select %ne3A, %reduce_or3A_1857, %reduce_or3A_1858 : vector<1x128xi1>, vector<1x128xf32>
      %reduce_or3A_1860 = vector.shape_cast %reduce_or3A_1859 : vector<1x128xf32> to vector<1x1x128xf32>
      %reduce_or3A_1861 = arith.constant dense<0xFF800000> : vector<1xf32>
      %reduce_or3A_1862 = vector.multi_reduction <maximumf>, %reduce_or3A_1860, %reduce_or3A_1861 [1, 2] : vector<1x1x128xf32> to vector<1xf32>
      %reduce_or3A_1863 = vector.shape_cast %reduce_or3A_1862 : vector<1xf32> to vector<1x1x1xf32>
      %reduce_or3A_1864 = vector.extract %reduce_or3A_1863[0, 0, 0] : f32 from vector<1x1x1xf32>
      %reduce_or3A_1865 = arith.constant 0.000000e+00 : f32
      %reduce_or3A_1866 = arith.cmpf ogt, %reduce_or3A_1864, %reduce_or3A_1865 : f32
      scf.yield %mul3A_1855, %reduce_or3A_1866 : vector<1x128xf32>, i1
    }
    %swap3A_79 = arith.constant 0 : index
    %swap3A_80 = arith.constant 0 : index
    %swap3A_81 = vector.load %arg4[%swap3A_79, %swap3A_80] : memref<1x2048xf32, #tpu.memory_space<vmem>>, vector<1x128xf32>
    tpu.vector_store %arg4[%swap3A_79, %swap3A_80], %while3A_78#0 {strides = array<i32>} : memref<1x2048xf32, #tpu.memory_space<vmem>>, vector<1x128xf32>,
    %get3A_82 = arith.constant 0 : index
    %get3A_83 = arith.constant 128 : index
    %get3A_84 = vector.load %arg0[%get3A_82, %get3A_83] : memref<4x2048xf32, #tpu.memory_space<vmem>>, vector<1x128xf32>
    %get3A_85 = arith.constant 1 : index
    %get3A_86 = arith.constant 128 : index
    %get3A_87 = vector.load %arg0[%get3A_85, %get3A_86] : memref<4x2048xf32, #tpu.memory_space<vmem>>, vector<1x128xf32>
    %get3A_88 = arith.constant 2 : index
    %get3A_89 = arith.constant 128 : index
    %get3A_90 = vector.load %arg0[%get3A_88, %get3A_89] : memref<4x2048xf32, #tpu.memory_space<vmem>>, vector<1x128xf32>
    %get3A_91 = arith.constant 3 : index
    %get3A_92 = arith.constant 128 : index
    %get3A_93 = vector.load %arg0[%get3A_91, %get3A_92] : memref<4x2048xf32, #tpu.memory_space<vmem>>, vector<1x128xf32>
    %sub3A_94 = arith.subf %get3A_90, %get3A_84 : vector<1x128xf32>
    %sub3A_95 = arith.subf %get3A_93, %get3A_87 : vector<1x128xf32>
    %mul3A_96 = arith.mulf %sub3A_94, %sub3A_95 : vector<1x128xf32>
    %slice3A_97 = vector.extract_strided_slice %get3A_7 {offsets = [0, 0], sizes = [256, 1], strides = [1, 1]} : vector<2048x1xf32> to vector<256x1xf32>
    %min3A_98 = vector.broadcast %slice3A_97 : vector<256x1xf32> to vector<256x128xf32>
    %min3A_99 = vector.broadcast %get3A_90 : vector<1x128xf32> to vector<256x128xf32>
    %min3A_100 = arith.minimumf %min3A_98, %min3A_99 : vector<256x128xf32>
    %slice3A_101 = vector.extract_strided_slice %get3A_1 {offsets = [0, 0], sizes = [256, 1], strides = [1, 1]} : vector<2048x1xf32> to vector<256x1xf32>
    %max3A_102 = vector.broadcast %slice3A_101 : vector<256x1xf32> to vector<256x128xf32>
    %max3A_103 = vector.broadcast %get3A_84 : vector<1x128xf32> to vector<256x128xf32>
    %max3A_104 = arith.maximumf %max3A_102, %max3A_103 : vector<256x128xf32>
    %sub3A_105 = arith.subf %min3A_100, %max3A_104 : vector<256x128xf32>
    %max3A_106 = arith.constant 0.000000e+00 : f32
    %max3A_107 = vector.broadcast %max3A_106 : f32 to vector<256x128xf32>
    %max3A_108 = arith.maximumf %sub3A_105, %max3A_107 : vector<256x128xf32>
    %slice3A_109 = vector.extract_strided_slice %get3A_10 {offsets = [0, 0], sizes = [256, 1], strides = [1, 1]} : vector<2048x1xf32> to vector<256x1xf32>
    %min3A_110 = vector.broadcast %slice3A_109 : vector<256x1xf32> to vector<256x128xf32>
    %min3A_111 = vector.broadcast %get3A_93 : vector<1x128xf32> to vector<256x128xf32>
    %min3A_112 = arith.minimumf %min3A_110, %min3A_111 : vector<256x128xf32>
    %slice3A_113 = vector.extract_strided_slice %get3A_4 {offsets = [0, 0], sizes = [256, 1], strides = [1, 1]} : vector<2048x1xf32> to vector<256x1xf32>
    %max3A_114 = vector.broadcast %slice3A_113 : vector<256x1xf32> to vector<256x128xf32>
    %max3A_115 = vector.broadcast %get3A_87 : vector<1x128xf32> to vector<256x128xf32>
    %max3A_116 = arith.maximumf %max3A_114, %max3A_115 : vector<256x128xf32>
    %sub3A_117 = arith.subf %min3A_112, %max3A_116 : vector<256x128xf32>
    %max3A_118 = arith.constant 0.000000e+00 : f32
    %max3A_119 = vector.broadcast %max3A_118 : f32 to vector<256x128xf32>
    %max3A_120 = arith.maximumf %sub3A_117, %max3A_119 : vector<256x128xf32>
    %mul3A_121 = arith.mulf %max3A_108, %max3A_120 : vector<256x128xf32>
    %slice3A_122 = vector.extract_strided_slice %mul3A {offsets = [0, 0], sizes = [256, 1], strides = [1, 1]} : vector<2048x1xf32> to vector<256x1xf32>
    %add3A_123 = vector.broadcast %slice3A_122 : vector<256x1xf32> to vector<256x128xf32>
    %add3A_124 = vector.broadcast %mul3A_96 : vector<1x128xf32> to vector<256x128xf32>
    %add3A_125 = arith.addf %add3A_123, %add3A_124 : vector<256x128xf32>
    %sub3A_126 = arith.subf %add3A_125, %mul3A_121 : vector<256x128xf32>
    %max3A_127 = arith.constant 9.99999971E-10 : f32
    %max3A_128 = vector.broadcast %max3A_127 : f32 to vector<256x128xf32>
    %max3A_129 = arith.maximumf %sub3A_126, %max3A_128 : vector<256x128xf32>
    %div3A_130 = arith.divf %mul3A_121, %max3A_129 : vector<256x128xf32>
    %iota3A_131 = tpu.iota {dimensions = array<i32: 0>} : vector<256x1xi32>
    %iota3A_132 = tpu.iota {dimensions = array<i32: 1>} : vector<1x128xi32>
    %add3A_133 = arith.constant 128 : i32
    %add3A_134 = vector.broadcast %add3A_133 : i32 to vector<1x128xi32>
    %add3A_135 = arith.addi %add3A_134, %iota3A_132 : vector<1x128xi32>
    %gt3A_136 = arith.constant 0.699999988 : f32
    %gt3A_137 = vector.broadcast %gt3A_136 : f32 to vector<256x128xf32>
    %gt3A_138 = arith.cmpf ogt, %div3A_130, %gt3A_137 : vector<256x128xf32>
    %lt3A_139 = vector.broadcast %iota3A_131 : vector<256x1xi32> to vector<256x128xi32>
    %lt3A_140 = vector.broadcast %add3A_135 : vector<1x128xi32> to vector<256x128xi32>
    %lt3A_141 = arith.cmpi slt, %lt3A_139, %lt3A_140 : vector<256x128xi32>
    %and3A_142 = arith.andi %gt3A_138, %lt3A_141 : vector<256x128xi1>
    %convert_element_type3A_143 = arith.extui %and3A_142 : vector<256x128xi1> to vector<256x128xi32>
    %convert_element_type3A_144 = arith.sitofp %convert_element_type3A_143 : vector<256x128xi32> to vector<256x128xf32>
    %convert_element_type3A_145 = arith.truncf %convert_element_type3A_144 : vector<256x128xf32> to vector<256x128xbf16>
    %swap3A_146 = arith.constant 0 : index
    %swap3A_147 = arith.constant 0 : index
    %swap3A_148 = vector.load %arg3[%swap3A_146, %swap3A_147] : memref<2048x128xbf16, #tpu.memory_space<vmem>>, vector<256x128xbf16>
    tpu.vector_store %arg3[%swap3A_146, %swap3A_147], %convert_element_type3A_145 {strides = array<i32>} : memref<2048x128xbf16, #tpu.memory_space<vmem>>, vector<256x128xbf16>,
    %get3A_149 = arith.constant 0 : index
    %get3A_150 = arith.constant 0 : index
    %get3A_151 = vector.load %arg4[%get3A_149, %get3A_150] : memref<1x2048xf32, #tpu.memory_space<vmem>>, vector<1x128xf32>
    %convert_element_type3A_152 = arith.truncf %get3A_151 : vector<1x128xf32> to vector<1x128xbf16>
    %get3A_153 = arith.constant 0 : index
    %get3A_154 = arith.constant 0 : index
    %get3A_155 = vector.load %arg3[%get3A_153, %get3A_154] : memref<2048x128xbf16, #tpu.memory_space<vmem>>, vector<128x128xbf16>
    %dot_general3A = arith.constant dense<0.000000e+00> : vector<1x128xf32>
    %dot_general3A_156 = tpu.matmul %convert_element_type3A_152, %get3A_155, %dot_general3A {dimension_numbers = #tpu.dot_dimension_numbers<[1], [0], [0], [1], [0, 0, 1, 1], [], []>, transpose_lhs_hint = false} : vector<1x128xbf16>, vector<128x128xbf16>, vector<1x128xf32> -> vector<1x128xf32>
    %le3A = arith.constant 0.000000e+00 : f32
    %le3A_157 = vector.broadcast %le3A : f32 to vector<1x128xf32>
    %le3A_158 = arith.cmpf ole, %dot_general3A_156, %le3A_157 : vector<1x128xf32>
    %convert_element_type3A_159 = arith.extui %le3A_158 : vector<1x128xi1> to vector<1x128xi32>
    %convert_element_type3A_160 = arith.sitofp %convert_element_type3A_159 : vector<1x128xi32> to vector<1x128xf32>
    %get3A_161 = arith.constant 128 : index
    %get3A_162 = arith.constant 0 : index
    %get3A_163 = vector.load %arg3[%get3A_161, %get3A_162] : memref<2048x128xbf16, #tpu.memory_space<vmem>>, vector<128x128xbf16>
    %while3A_164 = arith.constant true
    %while3A_165:2 = scf.while (%while3A_1845 = %convert_element_type3A_160, %while3A_1846 = %while3A_164) : (vector<1x128xf32>, i1) -> (vector<1x128xf32>, i1) {
      scf.condition(%while3A_1846) %while3A_1845, %while3A_1846 : vector<1x128xf32>, i1
    } do {
    ^bb0(%while3A_1845: vector<1x128xf32>, %while3A_1846: i1):
      %convert_element_type3A_1847 = arith.truncf %while3A_1845 : vector<1x128xf32> to vector<1x128xbf16>
      %dot_general3A_1848 = arith.constant dense<0.000000e+00> : vector<1x128xf32>
      %dot_general3A_1849 = tpu.matmul %convert_element_type3A_1847, %get3A_163, %dot_general3A_1848 {dimension_numbers = #tpu.dot_dimension_numbers<[1], [0], [0], [1], [0, 0, 1, 1], [], []>, transpose_lhs_hint = false} : vector<1x128xbf16>, vector<128x128xbf16>, vector<1x128xf32> -> vector<1x128xf32>
      %le3A_1850 = arith.constant 0.000000e+00 : f32
      %le3A_1851 = vector.broadcast %le3A_1850 : f32 to vector<1x128xf32>
      %le3A_1852 = arith.cmpf ole, %dot_general3A_1849, %le3A_1851 : vector<1x128xf32>
      %convert_element_type3A_1853 = arith.extui %le3A_1852 : vector<1x128xi1> to vector<1x128xi32>
      %convert_element_type3A_1854 = arith.sitofp %convert_element_type3A_1853 : vector<1x128xi32> to vector<1x128xf32>
      %mul3A_1855 = arith.mulf %convert_element_type3A_160, %convert_element_type3A_1854 : vector<1x128xf32>
      %ne3A = arith.cmpf one, %mul3A_1855, %while3A_1845 : vector<1x128xf32>
      %reduce_or3A = arith.constant 1.000000e+00 : f32
      %reduce_or3A_1856 = arith.constant 0.000000e+00 : f32
      %reduce_or3A_1857 = vector.broadcast %reduce_or3A : f32 to vector<1x128xf32>
      %reduce_or3A_1858 = vector.broadcast %reduce_or3A_1856 : f32 to vector<1x128xf32>
      %reduce_or3A_1859 = arith.select %ne3A, %reduce_or3A_1857, %reduce_or3A_1858 : vector<1x128xi1>, vector<1x128xf32>
      %reduce_or3A_1860 = vector.shape_cast %reduce_or3A_1859 : vector<1x128xf32> to vector<1x1x128xf32>
      %reduce_or3A_1861 = arith.constant dense<0xFF800000> : vector<1xf32>
      %reduce_or3A_1862 = vector.multi_reduction <maximumf>, %reduce_or3A_1860, %reduce_or3A_1861 [1, 2] : vector<1x1x128xf32> to vector<1xf32>
      %reduce_or3A_1863 = vector.shape_cast %reduce_or3A_1862 : vector<1xf32> to vector<1x1x1xf32>
      %reduce_or3A_1864 = vector.extract %reduce_or3A_1863[0, 0, 0] : f32 from vector<1x1x1xf32>
      %reduce_or3A_1865 = arith.constant 0.000000e+00 : f32
      %reduce_or3A_1866 = arith.cmpf ogt, %reduce_or3A_1864, %reduce_or3A_1865 : f32
      scf.yield %mul3A_1855, %reduce_or3A_1866 : vector<1x128xf32>, i1
    }
    %swap3A_166 = arith.constant 0 : index
    %swap3A_167 = arith.constant 128 : index
    %swap3A_168 = vector.load %arg4[%swap3A_166, %swap3A_167] : memref<1x2048xf32, #tpu.memory_space<vmem>>, vector<1x128xf32>
    tpu.vector_store %arg4[%swap3A_166, %swap3A_167], %while3A_165#0 {strides = array<i32>} : memref<1x2048xf32, #tpu.memory_space<vmem>>, vector<1x128xf32>,
    %get3A_169 = arith.constant 0 : index
    %get3A_170 = arith.constant 256 : index
    %get3A_171 = vector.load %arg0[%get3A_169, %get3A_170] : memref<4x2048xf32, #tpu.memory_space<vmem>>, vector<1x128xf32>
    %get3A_172 = arith.constant 1 : index
    %get3A_173 = arith.constant 256 : index
    %get3A_174 = vector.load %arg0[%get3A_172, %get3A_173] : memref<4x2048xf32, #tpu.memory_space<vmem>>, vector<1x128xf32>
    %get3A_175 = arith.constant 2 : index
    %get3A_176 = arith.constant 256 : index
    %get3A_177 = vector.load %arg0[%get3A_175, %get3A_176] : memref<4x2048xf32, #tpu.memory_space<vmem>>, vector<1x128xf32>
    %get3A_178 = arith.constant 3 : index
    %get3A_179 = arith.constant 256 : index
    %get3A_180 = vector.load %arg0[%get3A_178, %get3A_179] : memref<4x2048xf32, #tpu.memory_space<vmem>>, vector<1x128xf32>
    %sub3A_181 = arith.subf %get3A_177, %get3A_171 : vector<1x128xf32>
    %sub3A_182 = arith.subf %get3A_180, %get3A_174 : vector<1x128xf32>
    %mul3A_183 = arith.mulf %sub3A_181, %sub3A_182 : vector<1x128xf32>
    %slice3A_184 = vector.extract_strided_slice %get3A_7 {offsets = [0, 0], sizes = [384, 1], strides = [1, 1]} : vector<2048x1xf32> to vector<384x1xf32>
    %min3A_185 = vector.broadcast %slice3A_184 : vector<384x1xf32> to vector<384x128xf32>
    %min3A_186 = vector.broadcast %get3A_177 : vector<1x128xf32> to vector<384x128xf32>
    %min3A_187 = arith.minimumf %min3A_185, %min3A_186 : vector<384x128xf32>
    %slice3A_188 = vector.extract_strided_slice %get3A_1 {offsets = [0, 0], sizes = [384, 1], strides = [1, 1]} : vector<2048x1xf32> to vector<384x1xf32>
    %max3A_189 = vector.broadcast %slice3A_188 : vector<384x1xf32> to vector<384x128xf32>
    %max3A_190 = vector.broadcast %get3A_171 : vector<1x128xf32> to vector<384x128xf32>
    %max3A_191 = arith.maximumf %max3A_189, %max3A_190 : vector<384x128xf32>
    %sub3A_192 = arith.subf %min3A_187, %max3A_191 : vector<384x128xf32>
    %max3A_193 = arith.constant 0.000000e+00 : f32
    %max3A_194 = vector.broadcast %max3A_193 : f32 to vector<384x128xf32>
    %max3A_195 = arith.maximumf %sub3A_192, %max3A_194 : vector<384x128xf32>
    %slice3A_196 = vector.extract_strided_slice %get3A_10 {offsets = [0, 0], sizes = [384, 1], strides = [1, 1]} : vector<2048x1xf32> to vector<384x1xf32>
    %min3A_197 = vector.broadcast %slice3A_196 : vector<384x1xf32> to vector<384x128xf32>
    %min3A_198 = vector.broadcast %get3A_180 : vector<1x128xf32> to vector<384x128xf32>
    %min3A_199 = arith.minimumf %min3A_197, %min3A_198 : vector<384x128xf32>
    %slice3A_200 = vector.extract_strided_slice %get3A_4 {offsets = [0, 0], sizes = [384, 1], strides = [1, 1]} : vector<2048x1xf32> to vector<384x1xf32>
    %max3A_201 = vector.broadcast %slice3A_200 : vector<384x1xf32> to vector<384x128xf32>
    %max3A_202 = vector.broadcast %get3A_174 : vector<1x128xf32> to vector<384x128xf32>
    %max3A_203 = arith.maximumf %max3A_201, %max3A_202 : vector<384x128xf32>
    %sub3A_204 = arith.subf %min3A_199, %max3A_203 : vector<384x128xf32>
    %max3A_205 = arith.constant 0.000000e+00 : f32
    %max3A_206 = vector.broadcast %max3A_205 : f32 to vector<384x128xf32>
    %max3A_207 = arith.maximumf %sub3A_204, %max3A_206 : vector<384x128xf32>
    %mul3A_208 = arith.mulf %max3A_195, %max3A_207 : vector<384x128xf32>
    %slice3A_209 = vector.extract_strided_slice %mul3A {offsets = [0, 0], sizes = [384, 1], strides = [1, 1]} : vector<2048x1xf32> to vector<384x1xf32>
    %add3A_210 = vector.broadcast %slice3A_209 : vector<384x1xf32> to vector<384x128xf32>
    %add3A_211 = vector.broadcast %mul3A_183 : vector<1x128xf32> to vector<384x128xf32>
    %add3A_212 = arith.addf %add3A_210, %add3A_211 : vector<384x128xf32>
    %sub3A_213 = arith.subf %add3A_212, %mul3A_208 : vector<384x128xf32>
    %max3A_214 = arith.constant 9.99999971E-10 : f32
    %max3A_215 = vector.broadcast %max3A_214 : f32 to vector<384x128xf32>
    %max3A_216 = arith.maximumf %sub3A_213, %max3A_215 : vector<384x128xf32>
    %div3A_217 = arith.divf %mul3A_208, %max3A_216 : vector<384x128xf32>
    %iota3A_218 = tpu.iota {dimensions = array<i32: 0>} : vector<384x1xi32>
    %iota3A_219 = tpu.iota {dimensions = array<i32: 1>} : vector<1x128xi32>
    %add3A_220 = arith.constant 256 : i32
    %add3A_221 = vector.broadcast %add3A_220 : i32 to vector<1x128xi32>
    %add3A_222 = arith.addi %add3A_221, %iota3A_219 : vector<1x128xi32>
    %gt3A_223 = arith.constant 0.699999988 : f32
    %gt3A_224 = vector.broadcast %gt3A_223 : f32 to vector<384x128xf32>
    %gt3A_225 = arith.cmpf ogt, %div3A_217, %gt3A_224 : vector<384x128xf32>
    %lt3A_226 = vector.broadcast %iota3A_218 : vector<384x1xi32> to vector<384x128xi32>
    %lt3A_227 = vector.broadcast %add3A_222 : vector<1x128xi32> to vector<384x128xi32>
    %lt3A_228 = arith.cmpi slt, %lt3A_226, %lt3A_227 : vector<384x128xi32>
    %and3A_229 = arith.andi %gt3A_225, %lt3A_228 : vector<384x128xi1>
    %convert_element_type3A_230 = arith.extui %and3A_229 : vector<384x128xi1> to vector<384x128xi32>
    %convert_element_type3A_231 = arith.sitofp %convert_element_type3A_230 : vector<384x128xi32> to vector<384x128xf32>
    %convert_element_type3A_232 = arith.truncf %convert_element_type3A_231 : vector<384x128xf32> to vector<384x128xbf16>
    %swap3A_233 = arith.constant 0 : index
    %swap3A_234 = arith.constant 0 : index
    %swap3A_235 = vector.load %arg3[%swap3A_233, %swap3A_234] : memref<2048x128xbf16, #tpu.memory_space<vmem>>, vector<384x128xbf16>
    tpu.vector_store %arg3[%swap3A_233, %swap3A_234], %convert_element_type3A_232 {strides = array<i32>} : memref<2048x128xbf16, #tpu.memory_space<vmem>>, vector<384x128xbf16>,
    %get3A_236 = arith.constant 0 : index
    %get3A_237 = arith.constant 0 : index
    %get3A_238 = vector.load %arg4[%get3A_236, %get3A_237] : memref<1x2048xf32, #tpu.memory_space<vmem>>, vector<1x256xf32>
    %convert_element_type3A_239 = arith.truncf %get3A_238 : vector<1x256xf32> to vector<1x256xbf16>
    %get3A_240 = arith.constant 0 : index
    %get3A_241 = arith.constant 0 : index
    %get3A_242 = vector.load %arg3[%get3A_240, %get3A_241] : memref<2048x128xbf16, #tpu.memory_space<vmem>>, vector<256x128xbf16>
    %dot_general3A_243 = arith.constant dense<0.000000e+00> : vector<1x128xf32>
    %dot_general3A_244 = tpu.matmul %convert_element_type3A_239, %get3A_242, %dot_general3A_243 {dimension_numbers = #tpu.dot_dimension_numbers<[1], [0], [0], [1], [0, 0, 1, 1], [], []>, transpose_lhs_hint = false} : vector<1x256xbf16>, vector<256x128xbf16>, vector<1x128xf32> -> vector<1x128xf32>
    %le3A_245 = arith.constant 0.000000e+00 : f32
    %le3A_246 = vector.broadcast %le3A_245 : f32 to vector<1x128xf32>
    %le3A_247 = arith.cmpf ole, %dot_general3A_244, %le3A_246 : vector<1x128xf32>
    %convert_element_type3A_248 = arith.extui %le3A_247 : vector<1x128xi1> to vector<1x128xi32>
    %convert_element_type3A_249 = arith.sitofp %convert_element_type3A_248 : vector<1x128xi32> to vector<1x128xf32>
    %get3A_250 = arith.constant 256 : index
    %get3A_251 = arith.constant 0 : index
    %get3A_252 = vector.load %arg3[%get3A_250, %get3A_251] : memref<2048x128xbf16, #tpu.memory_space<vmem>>, vector<128x128xbf16>
    %while3A_253 = arith.constant true
    %while3A_254:2 = scf.while (%while3A_1845 = %convert_element_type3A_249, %while3A_1846 = %while3A_253) : (vector<1x128xf32>, i1) -> (vector<1x128xf32>, i1) {
      scf.condition(%while3A_1846) %while3A_1845, %while3A_1846 : vector<1x128xf32>, i1
    } do {
    ^bb0(%while3A_1845: vector<1x128xf32>, %while3A_1846: i1):
      %convert_element_type3A_1847 = arith.truncf %while3A_1845 : vector<1x128xf32> to vector<1x128xbf16>
      %dot_general3A_1848 = arith.constant dense<0.000000e+00> : vector<1x128xf32>
      %dot_general3A_1849 = tpu.matmul %convert_element_type3A_1847, %get3A_252, %dot_general3A_1848 {dimension_numbers = #tpu.dot_dimension_numbers<[1], [0], [0], [1], [0, 0, 1, 1], [], []>, transpose_lhs_hint = false} : vector<1x128xbf16>, vector<128x128xbf16>, vector<1x128xf32> -> vector<1x128xf32>
      %le3A_1850 = arith.constant 0.000000e+00 : f32
      %le3A_1851 = vector.broadcast %le3A_1850 : f32 to vector<1x128xf32>
      %le3A_1852 = arith.cmpf ole, %dot_general3A_1849, %le3A_1851 : vector<1x128xf32>
      %convert_element_type3A_1853 = arith.extui %le3A_1852 : vector<1x128xi1> to vector<1x128xi32>
      %convert_element_type3A_1854 = arith.sitofp %convert_element_type3A_1853 : vector<1x128xi32> to vector<1x128xf32>
      %mul3A_1855 = arith.mulf %convert_element_type3A_249, %convert_element_type3A_1854 : vector<1x128xf32>
      %ne3A = arith.cmpf one, %mul3A_1855, %while3A_1845 : vector<1x128xf32>
      %reduce_or3A = arith.constant 1.000000e+00 : f32
      %reduce_or3A_1856 = arith.constant 0.000000e+00 : f32
      %reduce_or3A_1857 = vector.broadcast %reduce_or3A : f32 to vector<1x128xf32>
      %reduce_or3A_1858 = vector.broadcast %reduce_or3A_1856 : f32 to vector<1x128xf32>
      %reduce_or3A_1859 = arith.select %ne3A, %reduce_or3A_1857, %reduce_or3A_1858 : vector<1x128xi1>, vector<1x128xf32>
      %reduce_or3A_1860 = vector.shape_cast %reduce_or3A_1859 : vector<1x128xf32> to vector<1x1x128xf32>
      %reduce_or3A_1861 = arith.constant dense<0xFF800000> : vector<1xf32>
      %reduce_or3A_1862 = vector.multi_reduction <maximumf>, %reduce_or3A_1860, %reduce_or3A_1861 [1, 2] : vector<1x1x128xf32> to vector<1xf32>
      %reduce_or3A_1863 = vector.shape_cast %reduce_or3A_1862 : vector<1xf32> to vector<1x1x1xf32>
      %reduce_or3A_1864 = vector.extract %reduce_or3A_1863[0, 0, 0] : f32 from vector<1x1x1xf32>
      %reduce_or3A_1865 = arith.constant 0.000000e+00 : f32
      %reduce_or3A_1866 = arith.cmpf ogt, %reduce_or3A_1864, %reduce_or3A_1865 : f32
      scf.yield %mul3A_1855, %reduce_or3A_1866 : vector<1x128xf32>, i1
    }
    %swap3A_255 = arith.constant 0 : index
    %swap3A_256 = arith.constant 256 : index
    %swap3A_257 = vector.load %arg4[%swap3A_255, %swap3A_256] : memref<1x2048xf32, #tpu.memory_space<vmem>>, vector<1x128xf32>
    tpu.vector_store %arg4[%swap3A_255, %swap3A_256], %while3A_254#0 {strides = array<i32>} : memref<1x2048xf32, #tpu.memory_space<vmem>>, vector<1x128xf32>,
    %get3A_258 = arith.constant 0 : index
    %get3A_259 = arith.constant 384 : index
    %get3A_260 = vector.load %arg0[%get3A_258, %get3A_259] : memref<4x2048xf32, #tpu.memory_space<vmem>>, vector<1x128xf32>
    %get3A_261 = arith.constant 1 : index
    %get3A_262 = arith.constant 384 : index
    %get3A_263 = vector.load %arg0[%get3A_261, %get3A_262] : memref<4x2048xf32, #tpu.memory_space<vmem>>, vector<1x128xf32>
    %get3A_264 = arith.constant 2 : index
    %get3A_265 = arith.constant 384 : index
    %get3A_266 = vector.load %arg0[%get3A_264, %get3A_265] : memref<4x2048xf32, #tpu.memory_space<vmem>>, vector<1x128xf32>
    %get3A_267 = arith.constant 3 : index
    %get3A_268 = arith.constant 384 : index
    %get3A_269 = vector.load %arg0[%get3A_267, %get3A_268] : memref<4x2048xf32, #tpu.memory_space<vmem>>, vector<1x128xf32>
    %sub3A_270 = arith.subf %get3A_266, %get3A_260 : vector<1x128xf32>
    %sub3A_271 = arith.subf %get3A_269, %get3A_263 : vector<1x128xf32>
    %mul3A_272 = arith.mulf %sub3A_270, %sub3A_271 : vector<1x128xf32>
    %slice3A_273 = vector.extract_strided_slice %get3A_7 {offsets = [0, 0], sizes = [512, 1], strides = [1, 1]} : vector<2048x1xf32> to vector<512x1xf32>
    %min3A_274 = vector.broadcast %slice3A_273 : vector<512x1xf32> to vector<512x128xf32>
    %min3A_275 = vector.broadcast %get3A_266 : vector<1x128xf32> to vector<512x128xf32>
    %min3A_276 = arith.minimumf %min3A_274, %min3A_275 : vector<512x128xf32>
    %slice3A_277 = vector.extract_strided_slice %get3A_1 {offsets = [0, 0], sizes = [512, 1], strides = [1, 1]} : vector<2048x1xf32> to vector<512x1xf32>
    %max3A_278 = vector.broadcast %slice3A_277 : vector<512x1xf32> to vector<512x128xf32>
    %max3A_279 = vector.broadcast %get3A_260 : vector<1x128xf32> to vector<512x128xf32>
    %max3A_280 = arith.maximumf %max3A_278, %max3A_279 : vector<512x128xf32>
    %sub3A_281 = arith.subf %min3A_276, %max3A_280 : vector<512x128xf32>
    %max3A_282 = arith.constant 0.000000e+00 : f32
    %max3A_283 = vector.broadcast %max3A_282 : f32 to vector<512x128xf32>
    %max3A_284 = arith.maximumf %sub3A_281, %max3A_283 : vector<512x128xf32>
    %slice3A_285 = vector.extract_strided_slice %get3A_10 {offsets = [0, 0], sizes = [512, 1], strides = [1, 1]} : vector<2048x1xf32> to vector<512x1xf32>
    %min3A_286 = vector.broadcast %slice3A_285 : vector<512x1xf32> to vector<512x128xf32>
    %min3A_287 = vector.broadcast %get3A_269 : vector<1x128xf32> to vector<512x128xf32>
    %min3A_288 = arith.minimumf %min3A_286, %min3A_287 : vector<512x128xf32>
    %slice3A_289 = vector.extract_strided_slice %get3A_4 {offsets = [0, 0], sizes = [512, 1], strides = [1, 1]} : vector<2048x1xf32> to vector<512x1xf32>
    %max3A_290 = vector.broadcast %slice3A_289 : vector<512x1xf32> to vector<512x128xf32>
    %max3A_291 = vector.broadcast %get3A_263 : vector<1x128xf32> to vector<512x128xf32>
    %max3A_292 = arith.maximumf %max3A_290, %max3A_291 : vector<512x128xf32>
    %sub3A_293 = arith.subf %min3A_288, %max3A_292 : vector<512x128xf32>
    %max3A_294 = arith.constant 0.000000e+00 : f32
    %max3A_295 = vector.broadcast %max3A_294 : f32 to vector<512x128xf32>
    %max3A_296 = arith.maximumf %sub3A_293, %max3A_295 : vector<512x128xf32>
    %mul3A_297 = arith.mulf %max3A_284, %max3A_296 : vector<512x128xf32>
    %slice3A_298 = vector.extract_strided_slice %mul3A {offsets = [0, 0], sizes = [512, 1], strides = [1, 1]} : vector<2048x1xf32> to vector<512x1xf32>
    %add3A_299 = vector.broadcast %slice3A_298 : vector<512x1xf32> to vector<512x128xf32>
    %add3A_300 = vector.broadcast %mul3A_272 : vector<1x128xf32> to vector<512x128xf32>
    %add3A_301 = arith.addf %add3A_299, %add3A_300 : vector<512x128xf32>
    %sub3A_302 = arith.subf %add3A_301, %mul3A_297 : vector<512x128xf32>
    %max3A_303 = arith.constant 9.99999971E-10 : f32
    %max3A_304 = vector.broadcast %max3A_303 : f32 to vector<512x128xf32>
    %max3A_305 = arith.maximumf %sub3A_302, %max3A_304 : vector<512x128xf32>
    %div3A_306 = arith.divf %mul3A_297, %max3A_305 : vector<512x128xf32>
    %iota3A_307 = tpu.iota {dimensions = array<i32: 0>} : vector<512x1xi32>
    %iota3A_308 = tpu.iota {dimensions = array<i32: 1>} : vector<1x128xi32>
    %add3A_309 = arith.constant 384 : i32
    %add3A_310 = vector.broadcast %add3A_309 : i32 to vector<1x128xi32>
    %add3A_311 = arith.addi %add3A_310, %iota3A_308 : vector<1x128xi32>
    %gt3A_312 = arith.constant 0.699999988 : f32
    %gt3A_313 = vector.broadcast %gt3A_312 : f32 to vector<512x128xf32>
    %gt3A_314 = arith.cmpf ogt, %div3A_306, %gt3A_313 : vector<512x128xf32>
    %lt3A_315 = vector.broadcast %iota3A_307 : vector<512x1xi32> to vector<512x128xi32>
    %lt3A_316 = vector.broadcast %add3A_311 : vector<1x128xi32> to vector<512x128xi32>
    %lt3A_317 = arith.cmpi slt, %lt3A_315, %lt3A_316 : vector<512x128xi32>
    %and3A_318 = arith.andi %gt3A_314, %lt3A_317 : vector<512x128xi1>
    %convert_element_type3A_319 = arith.extui %and3A_318 : vector<512x128xi1> to vector<512x128xi32>
    %convert_element_type3A_320 = arith.sitofp %convert_element_type3A_319 : vector<512x128xi32> to vector<512x128xf32>
    %convert_element_type3A_321 = arith.truncf %convert_element_type3A_320 : vector<512x128xf32> to vector<512x128xbf16>
    %swap3A_322 = arith.constant 0 : index
    %swap3A_323 = arith.constant 0 : index
    %swap3A_324 = vector.load %arg3[%swap3A_322, %swap3A_323] : memref<2048x128xbf16, #tpu.memory_space<vmem>>, vector<512x128xbf16>
    tpu.vector_store %arg3[%swap3A_322, %swap3A_323], %convert_element_type3A_321 {strides = array<i32>} : memref<2048x128xbf16, #tpu.memory_space<vmem>>, vector<512x128xbf16>,
    %get3A_325 = arith.constant 0 : index
    %get3A_326 = arith.constant 0 : index
    %get3A_327 = vector.load %arg4[%get3A_325, %get3A_326] : memref<1x2048xf32, #tpu.memory_space<vmem>>, vector<1x384xf32>
    %convert_element_type3A_328 = arith.truncf %get3A_327 : vector<1x384xf32> to vector<1x384xbf16>
    %get3A_329 = arith.constant 0 : index
    %get3A_330 = arith.constant 0 : index
    %get3A_331 = vector.load %arg3[%get3A_329, %get3A_330] : memref<2048x128xbf16, #tpu.memory_space<vmem>>, vector<384x128xbf16>
    %dot_general3A_332 = arith.constant dense<0.000000e+00> : vector<1x128xf32>
    %dot_general3A_333 = tpu.matmul %convert_element_type3A_328, %get3A_331, %dot_general3A_332 {dimension_numbers = #tpu.dot_dimension_numbers<[1], [0], [0], [1], [0, 0, 1, 1], [], []>, transpose_lhs_hint = false} : vector<1x384xbf16>, vector<384x128xbf16>, vector<1x128xf32> -> vector<1x128xf32>
    %le3A_334 = arith.constant 0.000000e+00 : f32
    %le3A_335 = vector.broadcast %le3A_334 : f32 to vector<1x128xf32>
    %le3A_336 = arith.cmpf ole, %dot_general3A_333, %le3A_335 : vector<1x128xf32>
    %convert_element_type3A_337 = arith.extui %le3A_336 : vector<1x128xi1> to vector<1x128xi32>
    %convert_element_type3A_338 = arith.sitofp %convert_element_type3A_337 : vector<1x128xi32> to vector<1x128xf32>
    %get3A_339 = arith.constant 384 : index
    %get3A_340 = arith.constant 0 : index
    %get3A_341 = vector.load %arg3[%get3A_339, %get3A_340] : memref<2048x128xbf16, #tpu.memory_space<vmem>>, vector<128x128xbf16>
    %while3A_342 = arith.constant true
    %while3A_343:2 = scf.while (%while3A_1845 = %convert_element_type3A_338, %while3A_1846 = %while3A_342) : (vector<1x128xf32>, i1) -> (vector<1x128xf32>, i1) {
      scf.condition(%while3A_1846) %while3A_1845, %while3A_1846 : vector<1x128xf32>, i1
    } do {
    ^bb0(%while3A_1845: vector<1x128xf32>, %while3A_1846: i1):
      %convert_element_type3A_1847 = arith.truncf %while3A_1845 : vector<1x128xf32> to vector<1x128xbf16>
      %dot_general3A_1848 = arith.constant dense<0.000000e+00> : vector<1x128xf32>
      %dot_general3A_1849 = tpu.matmul %convert_element_type3A_1847, %get3A_341, %dot_general3A_1848 {dimension_numbers = #tpu.dot_dimension_numbers<[1], [0], [0], [1], [0, 0, 1, 1], [], []>, transpose_lhs_hint = false} : vector<1x128xbf16>, vector<128x128xbf16>, vector<1x128xf32> -> vector<1x128xf32>
      %le3A_1850 = arith.constant 0.000000e+00 : f32
      %le3A_1851 = vector.broadcast %le3A_1850 : f32 to vector<1x128xf32>
      %le3A_1852 = arith.cmpf ole, %dot_general3A_1849, %le3A_1851 : vector<1x128xf32>
      %convert_element_type3A_1853 = arith.extui %le3A_1852 : vector<1x128xi1> to vector<1x128xi32>
      %convert_element_type3A_1854 = arith.sitofp %convert_element_type3A_1853 : vector<1x128xi32> to vector<1x128xf32>
      %mul3A_1855 = arith.mulf %convert_element_type3A_338, %convert_element_type3A_1854 : vector<1x128xf32>
      %ne3A = arith.cmpf one, %mul3A_1855, %while3A_1845 : vector<1x128xf32>
      %reduce_or3A = arith.constant 1.000000e+00 : f32
      %reduce_or3A_1856 = arith.constant 0.000000e+00 : f32
      %reduce_or3A_1857 = vector.broadcast %reduce_or3A : f32 to vector<1x128xf32>
      %reduce_or3A_1858 = vector.broadcast %reduce_or3A_1856 : f32 to vector<1x128xf32>
      %reduce_or3A_1859 = arith.select %ne3A, %reduce_or3A_1857, %reduce_or3A_1858 : vector<1x128xi1>, vector<1x128xf32>
      %reduce_or3A_1860 = vector.shape_cast %reduce_or3A_1859 : vector<1x128xf32> to vector<1x1x128xf32>
      %reduce_or3A_1861 = arith.constant dense<0xFF800000> : vector<1xf32>
      %reduce_or3A_1862 = vector.multi_reduction <maximumf>, %reduce_or3A_1860, %reduce_or3A_1861 [1, 2] : vector<1x1x128xf32> to vector<1xf32>
      %reduce_or3A_1863 = vector.shape_cast %reduce_or3A_1862 : vector<1xf32> to vector<1x1x1xf32>
      %reduce_or3A_1864 = vector.extract %reduce_or3A_1863[0, 0, 0] : f32 from vector<1x1x1xf32>
      %reduce_or3A_1865 = arith.constant 0.000000e+00 : f32
      %reduce_or3A_1866 = arith.cmpf ogt, %reduce_or3A_1864, %reduce_or3A_1865 : f32
      scf.yield %mul3A_1855, %reduce_or3A_1866 : vector<1x128xf32>, i1
    }
    %swap3A_344 = arith.constant 0 : index
    %swap3A_345 = arith.constant 384 : index
    %swap3A_346 = vector.load %arg4[%swap3A_344, %swap3A_345] : memref<1x2048xf32, #tpu.memory_space<vmem>>, vector<1x128xf32>
    tpu.vector_store %arg4[%swap3A_344, %swap3A_345], %while3A_343#0 {strides = array<i32>} : memref<1x2048xf32, #tpu.memory_space<vmem>>, vector<1x128xf32>,
    %get3A_347 = arith.constant 0 : index
    %get3A_348 = arith.constant 512 : index
    %get3A_349 = vector.load %arg0[%get3A_347, %get3A_348] : memref<4x2048xf32, #tpu.memory_space<vmem>>, vector<1x128xf32>
    %get3A_350 = arith.constant 1 : index
    %get3A_351 = arith.constant 512 : index
    %get3A_352 = vector.load %arg0[%get3A_350, %get3A_351] : memref<4x2048xf32, #tpu.memory_space<vmem>>, vector<1x128xf32>
    %get3A_353 = arith.constant 2 : index
    %get3A_354 = arith.constant 512 : index
    %get3A_355 = vector.load %arg0[%get3A_353, %get3A_354] : memref<4x2048xf32, #tpu.memory_space<vmem>>, vector<1x128xf32>
    %get3A_356 = arith.constant 3 : index
    %get3A_357 = arith.constant 512 : index
    %get3A_358 = vector.load %arg0[%get3A_356, %get3A_357] : memref<4x2048xf32, #tpu.memory_space<vmem>>, vector<1x128xf32>
    %sub3A_359 = arith.subf %get3A_355, %get3A_349 : vector<1x128xf32>
    %sub3A_360 = arith.subf %get3A_358, %get3A_352 : vector<1x128xf32>
    %mul3A_361 = arith.mulf %sub3A_359, %sub3A_360 : vector<1x128xf32>
    %slice3A_362 = vector.extract_strided_slice %get3A_7 {offsets = [0, 0], sizes = [640, 1], strides = [1, 1]} : vector<2048x1xf32> to vector<640x1xf32>
    %min3A_363 = vector.broadcast %slice3A_362 : vector<640x1xf32> to vector<640x128xf32>
    %min3A_364 = vector.broadcast %get3A_355 : vector<1x128xf32> to vector<640x128xf32>
    %min3A_365 = arith.minimumf %min3A_363, %min3A_364 : vector<640x128xf32>
    %slice3A_366 = vector.extract_strided_slice %get3A_1 {offsets = [0, 0], sizes = [640, 1], strides = [1, 1]} : vector<2048x1xf32> to vector<640x1xf32>
    %max3A_367 = vector.broadcast %slice3A_366 : vector<640x1xf32> to vector<640x128xf32>
    %max3A_368 = vector.broadcast %get3A_349 : vector<1x128xf32> to vector<640x128xf32>
    %max3A_369 = arith.maximumf %max3A_367, %max3A_368 : vector<640x128xf32>
    %sub3A_370 = arith.subf %min3A_365, %max3A_369 : vector<640x128xf32>
    %max3A_371 = arith.constant 0.000000e+00 : f32
    %max3A_372 = vector.broadcast %max3A_371 : f32 to vector<640x128xf32>
    %max3A_373 = arith.maximumf %sub3A_370, %max3A_372 : vector<640x128xf32>
    %slice3A_374 = vector.extract_strided_slice %get3A_10 {offsets = [0, 0], sizes = [640, 1], strides = [1, 1]} : vector<2048x1xf32> to vector<640x1xf32>
    %min3A_375 = vector.broadcast %slice3A_374 : vector<640x1xf32> to vector<640x128xf32>
    %min3A_376 = vector.broadcast %get3A_358 : vector<1x128xf32> to vector<640x128xf32>
    %min3A_377 = arith.minimumf %min3A_375, %min3A_376 : vector<640x128xf32>
    %slice3A_378 = vector.extract_strided_slice %get3A_4 {offsets = [0, 0], sizes = [640, 1], strides = [1, 1]} : vector<2048x1xf32> to vector<640x1xf32>
    %max3A_379 = vector.broadcast %slice3A_378 : vector<640x1xf32> to vector<640x128xf32>
    %max3A_380 = vector.broadcast %get3A_352 : vector<1x128xf32> to vector<640x128xf32>
    %max3A_381 = arith.maximumf %max3A_379, %max3A_380 : vector<640x128xf32>
    %sub3A_382 = arith.subf %min3A_377, %max3A_381 : vector<640x128xf32>
    %max3A_383 = arith.constant 0.000000e+00 : f32
    %max3A_384 = vector.broadcast %max3A_383 : f32 to vector<640x128xf32>
    %max3A_385 = arith.maximumf %sub3A_382, %max3A_384 : vector<640x128xf32>
    %mul3A_386 = arith.mulf %max3A_373, %max3A_385 : vector<640x128xf32>
    %slice3A_387 = vector.extract_strided_slice %mul3A {offsets = [0, 0], sizes = [640, 1], strides = [1, 1]} : vector<2048x1xf32> to vector<640x1xf32>
    %add3A_388 = vector.broadcast %slice3A_387 : vector<640x1xf32> to vector<640x128xf32>
    %add3A_389 = vector.broadcast %mul3A_361 : vector<1x128xf32> to vector<640x128xf32>
    %add3A_390 = arith.addf %add3A_388, %add3A_389 : vector<640x128xf32>
    %sub3A_391 = arith.subf %add3A_390, %mul3A_386 : vector<640x128xf32>
    %max3A_392 = arith.constant 9.99999971E-10 : f32
    %max3A_393 = vector.broadcast %max3A_392 : f32 to vector<640x128xf32>
    %max3A_394 = arith.maximumf %sub3A_391, %max3A_393 : vector<640x128xf32>
    %div3A_395 = arith.divf %mul3A_386, %max3A_394 : vector<640x128xf32>
    %iota3A_396 = tpu.iota {dimensions = array<i32: 0>} : vector<640x1xi32>
    %iota3A_397 = tpu.iota {dimensions = array<i32: 1>} : vector<1x128xi32>
    %add3A_398 = arith.constant 512 : i32
    %add3A_399 = vector.broadcast %add3A_398 : i32 to vector<1x128xi32>
    %add3A_400 = arith.addi %add3A_399, %iota3A_397 : vector<1x128xi32>
    %gt3A_401 = arith.constant 0.699999988 : f32
    %gt3A_402 = vector.broadcast %gt3A_401 : f32 to vector<640x128xf32>
    %gt3A_403 = arith.cmpf ogt, %div3A_395, %gt3A_402 : vector<640x128xf32>
    %lt3A_404 = vector.broadcast %iota3A_396 : vector<640x1xi32> to vector<640x128xi32>
    %lt3A_405 = vector.broadcast %add3A_400 : vector<1x128xi32> to vector<640x128xi32>
    %lt3A_406 = arith.cmpi slt, %lt3A_404, %lt3A_405 : vector<640x128xi32>
    %and3A_407 = arith.andi %gt3A_403, %lt3A_406 : vector<640x128xi1>
    %convert_element_type3A_408 = arith.extui %and3A_407 : vector<640x128xi1> to vector<640x128xi32>
    %convert_element_type3A_409 = arith.sitofp %convert_element_type3A_408 : vector<640x128xi32> to vector<640x128xf32>
    %convert_element_type3A_410 = arith.truncf %convert_element_type3A_409 : vector<640x128xf32> to vector<640x128xbf16>
    %swap3A_411 = arith.constant 0 : index
    %swap3A_412 = arith.constant 0 : index
    %swap3A_413 = vector.load %arg3[%swap3A_411, %swap3A_412] : memref<2048x128xbf16, #tpu.memory_space<vmem>>, vector<640x128xbf16>
    tpu.vector_store %arg3[%swap3A_411, %swap3A_412], %convert_element_type3A_410 {strides = array<i32>} : memref<2048x128xbf16, #tpu.memory_space<vmem>>, vector<640x128xbf16>,
    %get3A_414 = arith.constant 0 : index
    %get3A_415 = arith.constant 0 : index
    %get3A_416 = vector.load %arg4[%get3A_414, %get3A_415] : memref<1x2048xf32, #tpu.memory_space<vmem>>, vector<1x512xf32>
    %convert_element_type3A_417 = arith.truncf %get3A_416 : vector<1x512xf32> to vector<1x512xbf16>
    %get3A_418 = arith.constant 0 : index
    %get3A_419 = arith.constant 0 : index
    %get3A_420 = vector.load %arg3[%get3A_418, %get3A_419] : memref<2048x128xbf16, #tpu.memory_space<vmem>>, vector<512x128xbf16>
    %dot_general3A_421 = arith.constant dense<0.000000e+00> : vector<1x128xf32>
    %dot_general3A_422 = tpu.matmul %convert_element_type3A_417, %get3A_420, %dot_general3A_421 {dimension_numbers = #tpu.dot_dimension_numbers<[1], [0], [0], [1], [0, 0, 1, 1], [], []>, transpose_lhs_hint = false} : vector<1x512xbf16>, vector<512x128xbf16>, vector<1x128xf32> -> vector<1x128xf32>
    %le3A_423 = arith.constant 0.000000e+00 : f32
    %le3A_424 = vector.broadcast %le3A_423 : f32 to vector<1x128xf32>
    %le3A_425 = arith.cmpf ole, %dot_general3A_422, %le3A_424 : vector<1x128xf32>
    %convert_element_type3A_426 = arith.extui %le3A_425 : vector<1x128xi1> to vector<1x128xi32>
    %convert_element_type3A_427 = arith.sitofp %convert_element_type3A_426 : vector<1x128xi32> to vector<1x128xf32>
    %get3A_428 = arith.constant 512 : index
    %get3A_429 = arith.constant 0 : index
    %get3A_430 = vector.load %arg3[%get3A_428, %get3A_429] : memref<2048x128xbf16, #tpu.memory_space<vmem>>, vector<128x128xbf16>
    %while3A_431 = arith.constant true
    %while3A_432:2 = scf.while (%while3A_1845 = %convert_element_type3A_427, %while3A_1846 = %while3A_431) : (vector<1x128xf32>, i1) -> (vector<1x128xf32>, i1) {
      scf.condition(%while3A_1846) %while3A_1845, %while3A_1846 : vector<1x128xf32>, i1
    } do {
    ^bb0(%while3A_1845: vector<1x128xf32>, %while3A_1846: i1):
      %convert_element_type3A_1847 = arith.truncf %while3A_1845 : vector<1x128xf32> to vector<1x128xbf16>
      %dot_general3A_1848 = arith.constant dense<0.000000e+00> : vector<1x128xf32>
      %dot_general3A_1849 = tpu.matmul %convert_element_type3A_1847, %get3A_430, %dot_general3A_1848 {dimension_numbers = #tpu.dot_dimension_numbers<[1], [0], [0], [1], [0, 0, 1, 1], [], []>, transpose_lhs_hint = false} : vector<1x128xbf16>, vector<128x128xbf16>, vector<1x128xf32> -> vector<1x128xf32>
      %le3A_1850 = arith.constant 0.000000e+00 : f32
      %le3A_1851 = vector.broadcast %le3A_1850 : f32 to vector<1x128xf32>
      %le3A_1852 = arith.cmpf ole, %dot_general3A_1849, %le3A_1851 : vector<1x128xf32>
      %convert_element_type3A_1853 = arith.extui %le3A_1852 : vector<1x128xi1> to vector<1x128xi32>
      %convert_element_type3A_1854 = arith.sitofp %convert_element_type3A_1853 : vector<1x128xi32> to vector<1x128xf32>
      %mul3A_1855 = arith.mulf %convert_element_type3A_427, %convert_element_type3A_1854 : vector<1x128xf32>
      %ne3A = arith.cmpf one, %mul3A_1855, %while3A_1845 : vector<1x128xf32>
      %reduce_or3A = arith.constant 1.000000e+00 : f32
      %reduce_or3A_1856 = arith.constant 0.000000e+00 : f32
      %reduce_or3A_1857 = vector.broadcast %reduce_or3A : f32 to vector<1x128xf32>
      %reduce_or3A_1858 = vector.broadcast %reduce_or3A_1856 : f32 to vector<1x128xf32>
      %reduce_or3A_1859 = arith.select %ne3A, %reduce_or3A_1857, %reduce_or3A_1858 : vector<1x128xi1>, vector<1x128xf32>
      %reduce_or3A_1860 = vector.shape_cast %reduce_or3A_1859 : vector<1x128xf32> to vector<1x1x128xf32>
      %reduce_or3A_1861 = arith.constant dense<0xFF800000> : vector<1xf32>
      %reduce_or3A_1862 = vector.multi_reduction <maximumf>, %reduce_or3A_1860, %reduce_or3A_1861 [1, 2] : vector<1x1x128xf32> to vector<1xf32>
      %reduce_or3A_1863 = vector.shape_cast %reduce_or3A_1862 : vector<1xf32> to vector<1x1x1xf32>
      %reduce_or3A_1864 = vector.extract %reduce_or3A_1863[0, 0, 0] : f32 from vector<1x1x1xf32>
      %reduce_or3A_1865 = arith.constant 0.000000e+00 : f32
      %reduce_or3A_1866 = arith.cmpf ogt, %reduce_or3A_1864, %reduce_or3A_1865 : f32
      scf.yield %mul3A_1855, %reduce_or3A_1866 : vector<1x128xf32>, i1
    }
    %swap3A_433 = arith.constant 0 : index
    %swap3A_434 = arith.constant 512 : index
    %swap3A_435 = vector.load %arg4[%swap3A_433, %swap3A_434] : memref<1x2048xf32, #tpu.memory_space<vmem>>, vector<1x128xf32>
    tpu.vector_store %arg4[%swap3A_433, %swap3A_434], %while3A_432#0 {strides = array<i32>} : memref<1x2048xf32, #tpu.memory_space<vmem>>, vector<1x128xf32>,
    %get3A_436 = arith.constant 0 : index
    %get3A_437 = arith.constant 640 : index
    %get3A_438 = vector.load %arg0[%get3A_436, %get3A_437] : memref<4x2048xf32, #tpu.memory_space<vmem>>, vector<1x128xf32>
    %get3A_439 = arith.constant 1 : index
    %get3A_440 = arith.constant 640 : index
    %get3A_441 = vector.load %arg0[%get3A_439, %get3A_440] : memref<4x2048xf32, #tpu.memory_space<vmem>>, vector<1x128xf32>
    %get3A_442 = arith.constant 2 : index
    %get3A_443 = arith.constant 640 : index
    %get3A_444 = vector.load %arg0[%get3A_442, %get3A_443] : memref<4x2048xf32, #tpu.memory_space<vmem>>, vector<1x128xf32>
    %get3A_445 = arith.constant 3 : index
    %get3A_446 = arith.constant 640 : index
    %get3A_447 = vector.load %arg0[%get3A_445, %get3A_446] : memref<4x2048xf32, #tpu.memory_space<vmem>>, vector<1x128xf32>
    %sub3A_448 = arith.subf %get3A_444, %get3A_438 : vector<1x128xf32>
    %sub3A_449 = arith.subf %get3A_447, %get3A_441 : vector<1x128xf32>
    %mul3A_450 = arith.mulf %sub3A_448, %sub3A_449 : vector<1x128xf32>
    %slice3A_451 = vector.extract_strided_slice %get3A_7 {offsets = [0, 0], sizes = [768, 1], strides = [1, 1]} : vector<2048x1xf32> to vector<768x1xf32>
    %min3A_452 = vector.broadcast %slice3A_451 : vector<768x1xf32> to vector<768x128xf32>
    %min3A_453 = vector.broadcast %get3A_444 : vector<1x128xf32> to vector<768x128xf32>
    %min3A_454 = arith.minimumf %min3A_452, %min3A_453 : vector<768x128xf32>
    %slice3A_455 = vector.extract_strided_slice %get3A_1 {offsets = [0, 0], sizes = [768, 1], strides = [1, 1]} : vector<2048x1xf32> to vector<768x1xf32>
    %max3A_456 = vector.broadcast %slice3A_455 : vector<768x1xf32> to vector<768x128xf32>
    %max3A_457 = vector.broadcast %get3A_438 : vector<1x128xf32> to vector<768x128xf32>
    %max3A_458 = arith.maximumf %max3A_456, %max3A_457 : vector<768x128xf32>
    %sub3A_459 = arith.subf %min3A_454, %max3A_458 : vector<768x128xf32>
    %max3A_460 = arith.constant 0.000000e+00 : f32
    %max3A_461 = vector.broadcast %max3A_460 : f32 to vector<768x128xf32>
    %max3A_462 = arith.maximumf %sub3A_459, %max3A_461 : vector<768x128xf32>
    %slice3A_463 = vector.extract_strided_slice %get3A_10 {offsets = [0, 0], sizes = [768, 1], strides = [1, 1]} : vector<2048x1xf32> to vector<768x1xf32>
    %min3A_464 = vector.broadcast %slice3A_463 : vector<768x1xf32> to vector<768x128xf32>
    %min3A_465 = vector.broadcast %get3A_447 : vector<1x128xf32> to vector<768x128xf32>
    %min3A_466 = arith.minimumf %min3A_464, %min3A_465 : vector<768x128xf32>
    %slice3A_467 = vector.extract_strided_slice %get3A_4 {offsets = [0, 0], sizes = [768, 1], strides = [1, 1]} : vector<2048x1xf32> to vector<768x1xf32>
    %max3A_468 = vector.broadcast %slice3A_467 : vector<768x1xf32> to vector<768x128xf32>
    %max3A_469 = vector.broadcast %get3A_441 : vector<1x128xf32> to vector<768x128xf32>
    %max3A_470 = arith.maximumf %max3A_468, %max3A_469 : vector<768x128xf32>
    %sub3A_471 = arith.subf %min3A_466, %max3A_470 : vector<768x128xf32>
    %max3A_472 = arith.constant 0.000000e+00 : f32
    %max3A_473 = vector.broadcast %max3A_472 : f32 to vector<768x128xf32>
    %max3A_474 = arith.maximumf %sub3A_471, %max3A_473 : vector<768x128xf32>
    %mul3A_475 = arith.mulf %max3A_462, %max3A_474 : vector<768x128xf32>
    %slice3A_476 = vector.extract_strided_slice %mul3A {offsets = [0, 0], sizes = [768, 1], strides = [1, 1]} : vector<2048x1xf32> to vector<768x1xf32>
    %add3A_477 = vector.broadcast %slice3A_476 : vector<768x1xf32> to vector<768x128xf32>
    %add3A_478 = vector.broadcast %mul3A_450 : vector<1x128xf32> to vector<768x128xf32>
    %add3A_479 = arith.addf %add3A_477, %add3A_478 : vector<768x128xf32>
    %sub3A_480 = arith.subf %add3A_479, %mul3A_475 : vector<768x128xf32>
    %max3A_481 = arith.constant 9.99999971E-10 : f32
    %max3A_482 = vector.broadcast %max3A_481 : f32 to vector<768x128xf32>
    %max3A_483 = arith.maximumf %sub3A_480, %max3A_482 : vector<768x128xf32>
    %div3A_484 = arith.divf %mul3A_475, %max3A_483 : vector<768x128xf32>
    %iota3A_485 = tpu.iota {dimensions = array<i32: 0>} : vector<768x1xi32>
    %iota3A_486 = tpu.iota {dimensions = array<i32: 1>} : vector<1x128xi32>
    %add3A_487 = arith.constant 640 : i32
    %add3A_488 = vector.broadcast %add3A_487 : i32 to vector<1x128xi32>
    %add3A_489 = arith.addi %add3A_488, %iota3A_486 : vector<1x128xi32>
    %gt3A_490 = arith.constant 0.699999988 : f32
    %gt3A_491 = vector.broadcast %gt3A_490 : f32 to vector<768x128xf32>
    %gt3A_492 = arith.cmpf ogt, %div3A_484, %gt3A_491 : vector<768x128xf32>
    %lt3A_493 = vector.broadcast %iota3A_485 : vector<768x1xi32> to vector<768x128xi32>
    %lt3A_494 = vector.broadcast %add3A_489 : vector<1x128xi32> to vector<768x128xi32>
    %lt3A_495 = arith.cmpi slt, %lt3A_493, %lt3A_494 : vector<768x128xi32>
    %and3A_496 = arith.andi %gt3A_492, %lt3A_495 : vector<768x128xi1>
    %convert_element_type3A_497 = arith.extui %and3A_496 : vector<768x128xi1> to vector<768x128xi32>
    %convert_element_type3A_498 = arith.sitofp %convert_element_type3A_497 : vector<768x128xi32> to vector<768x128xf32>
    %convert_element_type3A_499 = arith.truncf %convert_element_type3A_498 : vector<768x128xf32> to vector<768x128xbf16>
    %swap3A_500 = arith.constant 0 : index
    %swap3A_501 = arith.constant 0 : index
    %swap3A_502 = vector.load %arg3[%swap3A_500, %swap3A_501] : memref<2048x128xbf16, #tpu.memory_space<vmem>>, vector<768x128xbf16>
    tpu.vector_store %arg3[%swap3A_500, %swap3A_501], %convert_element_type3A_499 {strides = array<i32>} : memref<2048x128xbf16, #tpu.memory_space<vmem>>, vector<768x128xbf16>,
    %get3A_503 = arith.constant 0 : index
    %get3A_504 = arith.constant 0 : index
    %get3A_505 = vector.load %arg4[%get3A_503, %get3A_504] : memref<1x2048xf32, #tpu.memory_space<vmem>>, vector<1x640xf32>
    %convert_element_type3A_506 = arith.truncf %get3A_505 : vector<1x640xf32> to vector<1x640xbf16>
    %get3A_507 = arith.constant 0 : index
    %get3A_508 = arith.constant 0 : index
    %get3A_509 = vector.load %arg3[%get3A_507, %get3A_508] : memref<2048x128xbf16, #tpu.memory_space<vmem>>, vector<640x128xbf16>
    %dot_general3A_510 = arith.constant dense<0.000000e+00> : vector<1x128xf32>
    %dot_general3A_511 = tpu.matmul %convert_element_type3A_506, %get3A_509, %dot_general3A_510 {dimension_numbers = #tpu.dot_dimension_numbers<[1], [0], [0], [1], [0, 0, 1, 1], [], []>, transpose_lhs_hint = false} : vector<1x640xbf16>, vector<640x128xbf16>, vector<1x128xf32> -> vector<1x128xf32>
    %le3A_512 = arith.constant 0.000000e+00 : f32
    %le3A_513 = vector.broadcast %le3A_512 : f32 to vector<1x128xf32>
    %le3A_514 = arith.cmpf ole, %dot_general3A_511, %le3A_513 : vector<1x128xf32>
    %convert_element_type3A_515 = arith.extui %le3A_514 : vector<1x128xi1> to vector<1x128xi32>
    %convert_element_type3A_516 = arith.sitofp %convert_element_type3A_515 : vector<1x128xi32> to vector<1x128xf32>
    %get3A_517 = arith.constant 640 : index
    %get3A_518 = arith.constant 0 : index
    %get3A_519 = vector.load %arg3[%get3A_517, %get3A_518] : memref<2048x128xbf16, #tpu.memory_space<vmem>>, vector<128x128xbf16>
    %while3A_520 = arith.constant true
    %while3A_521:2 = scf.while (%while3A_1845 = %convert_element_type3A_516, %while3A_1846 = %while3A_520) : (vector<1x128xf32>, i1) -> (vector<1x128xf32>, i1) {
      scf.condition(%while3A_1846) %while3A_1845, %while3A_1846 : vector<1x128xf32>, i1
    } do {
    ^bb0(%while3A_1845: vector<1x128xf32>, %while3A_1846: i1):
      %convert_element_type3A_1847 = arith.truncf %while3A_1845 : vector<1x128xf32> to vector<1x128xbf16>
      %dot_general3A_1848 = arith.constant dense<0.000000e+00> : vector<1x128xf32>
      %dot_general3A_1849 = tpu.matmul %convert_element_type3A_1847, %get3A_519, %dot_general3A_1848 {dimension_numbers = #tpu.dot_dimension_numbers<[1], [0], [0], [1], [0, 0, 1, 1], [], []>, transpose_lhs_hint = false} : vector<1x128xbf16>, vector<128x128xbf16>, vector<1x128xf32> -> vector<1x128xf32>
      %le3A_1850 = arith.constant 0.000000e+00 : f32
      %le3A_1851 = vector.broadcast %le3A_1850 : f32 to vector<1x128xf32>
      %le3A_1852 = arith.cmpf ole, %dot_general3A_1849, %le3A_1851 : vector<1x128xf32>
      %convert_element_type3A_1853 = arith.extui %le3A_1852 : vector<1x128xi1> to vector<1x128xi32>
      %convert_element_type3A_1854 = arith.sitofp %convert_element_type3A_1853 : vector<1x128xi32> to vector<1x128xf32>
      %mul3A_1855 = arith.mulf %convert_element_type3A_516, %convert_element_type3A_1854 : vector<1x128xf32>
      %ne3A = arith.cmpf one, %mul3A_1855, %while3A_1845 : vector<1x128xf32>
      %reduce_or3A = arith.constant 1.000000e+00 : f32
      %reduce_or3A_1856 = arith.constant 0.000000e+00 : f32
      %reduce_or3A_1857 = vector.broadcast %reduce_or3A : f32 to vector<1x128xf32>
      %reduce_or3A_1858 = vector.broadcast %reduce_or3A_1856 : f32 to vector<1x128xf32>
      %reduce_or3A_1859 = arith.select %ne3A, %reduce_or3A_1857, %reduce_or3A_1858 : vector<1x128xi1>, vector<1x128xf32>
      %reduce_or3A_1860 = vector.shape_cast %reduce_or3A_1859 : vector<1x128xf32> to vector<1x1x128xf32>
      %reduce_or3A_1861 = arith.constant dense<0xFF800000> : vector<1xf32>
      %reduce_or3A_1862 = vector.multi_reduction <maximumf>, %reduce_or3A_1860, %reduce_or3A_1861 [1, 2] : vector<1x1x128xf32> to vector<1xf32>
      %reduce_or3A_1863 = vector.shape_cast %reduce_or3A_1862 : vector<1xf32> to vector<1x1x1xf32>
      %reduce_or3A_1864 = vector.extract %reduce_or3A_1863[0, 0, 0] : f32 from vector<1x1x1xf32>
      %reduce_or3A_1865 = arith.constant 0.000000e+00 : f32
      %reduce_or3A_1866 = arith.cmpf ogt, %reduce_or3A_1864, %reduce_or3A_1865 : f32
      scf.yield %mul3A_1855, %reduce_or3A_1866 : vector<1x128xf32>, i1
    }
    %swap3A_522 = arith.constant 0 : index
    %swap3A_523 = arith.constant 640 : index
    %swap3A_524 = vector.load %arg4[%swap3A_522, %swap3A_523] : memref<1x2048xf32, #tpu.memory_space<vmem>>, vector<1x128xf32>
    tpu.vector_store %arg4[%swap3A_522, %swap3A_523], %while3A_521#0 {strides = array<i32>} : memref<1x2048xf32, #tpu.memory_space<vmem>>, vector<1x128xf32>,
    %get3A_525 = arith.constant 0 : index
    %get3A_526 = arith.constant 768 : index
    %get3A_527 = vector.load %arg0[%get3A_525, %get3A_526] : memref<4x2048xf32, #tpu.memory_space<vmem>>, vector<1x128xf32>
    %get3A_528 = arith.constant 1 : index
    %get3A_529 = arith.constant 768 : index
    %get3A_530 = vector.load %arg0[%get3A_528, %get3A_529] : memref<4x2048xf32, #tpu.memory_space<vmem>>, vector<1x128xf32>
    %get3A_531 = arith.constant 2 : index
    %get3A_532 = arith.constant 768 : index
    %get3A_533 = vector.load %arg0[%get3A_531, %get3A_532] : memref<4x2048xf32, #tpu.memory_space<vmem>>, vector<1x128xf32>
    %get3A_534 = arith.constant 3 : index
    %get3A_535 = arith.constant 768 : index
    %get3A_536 = vector.load %arg0[%get3A_534, %get3A_535] : memref<4x2048xf32, #tpu.memory_space<vmem>>, vector<1x128xf32>
    %sub3A_537 = arith.subf %get3A_533, %get3A_527 : vector<1x128xf32>
    %sub3A_538 = arith.subf %get3A_536, %get3A_530 : vector<1x128xf32>
    %mul3A_539 = arith.mulf %sub3A_537, %sub3A_538 : vector<1x128xf32>
    %slice3A_540 = vector.extract_strided_slice %get3A_7 {offsets = [0, 0], sizes = [896, 1], strides = [1, 1]} : vector<2048x1xf32> to vector<896x1xf32>
    %min3A_541 = vector.broadcast %slice3A_540 : vector<896x1xf32> to vector<896x128xf32>
    %min3A_542 = vector.broadcast %get3A_533 : vector<1x128xf32> to vector<896x128xf32>
    %min3A_543 = arith.minimumf %min3A_541, %min3A_542 : vector<896x128xf32>
    %slice3A_544 = vector.extract_strided_slice %get3A_1 {offsets = [0, 0], sizes = [896, 1], strides = [1, 1]} : vector<2048x1xf32> to vector<896x1xf32>
    %max3A_545 = vector.broadcast %slice3A_544 : vector<896x1xf32> to vector<896x128xf32>
    %max3A_546 = vector.broadcast %get3A_527 : vector<1x128xf32> to vector<896x128xf32>
    %max3A_547 = arith.maximumf %max3A_545, %max3A_546 : vector<896x128xf32>
    %sub3A_548 = arith.subf %min3A_543, %max3A_547 : vector<896x128xf32>
    %max3A_549 = arith.constant 0.000000e+00 : f32
    %max3A_550 = vector.broadcast %max3A_549 : f32 to vector<896x128xf32>
    %max3A_551 = arith.maximumf %sub3A_548, %max3A_550 : vector<896x128xf32>
    %slice3A_552 = vector.extract_strided_slice %get3A_10 {offsets = [0, 0], sizes = [896, 1], strides = [1, 1]} : vector<2048x1xf32> to vector<896x1xf32>
    %min3A_553 = vector.broadcast %slice3A_552 : vector<896x1xf32> to vector<896x128xf32>
    %min3A_554 = vector.broadcast %get3A_536 : vector<1x128xf32> to vector<896x128xf32>
    %min3A_555 = arith.minimumf %min3A_553, %min3A_554 : vector<896x128xf32>
    %slice3A_556 = vector.extract_strided_slice %get3A_4 {offsets = [0, 0], sizes = [896, 1], strides = [1, 1]} : vector<2048x1xf32> to vector<896x1xf32>
    %max3A_557 = vector.broadcast %slice3A_556 : vector<896x1xf32> to vector<896x128xf32>
    %max3A_558 = vector.broadcast %get3A_530 : vector<1x128xf32> to vector<896x128xf32>
    %max3A_559 = arith.maximumf %max3A_557, %max3A_558 : vector<896x128xf32>
    %sub3A_560 = arith.subf %min3A_555, %max3A_559 : vector<896x128xf32>
    %max3A_561 = arith.constant 0.000000e+00 : f32
    %max3A_562 = vector.broadcast %max3A_561 : f32 to vector<896x128xf32>
    %max3A_563 = arith.maximumf %sub3A_560, %max3A_562 : vector<896x128xf32>
    %mul3A_564 = arith.mulf %max3A_551, %max3A_563 : vector<896x128xf32>
    %slice3A_565 = vector.extract_strided_slice %mul3A {offsets = [0, 0], sizes = [896, 1], strides = [1, 1]} : vector<2048x1xf32> to vector<896x1xf32>
    %add3A_566 = vector.broadcast %slice3A_565 : vector<896x1xf32> to vector<896x128xf32>
    %add3A_567 = vector.broadcast %mul3A_539 : vector<1x128xf32> to vector<896x128xf32>
    %add3A_568 = arith.addf %add3A_566, %add3A_567 : vector<896x128xf32>
    %sub3A_569 = arith.subf %add3A_568, %mul3A_564 : vector<896x128xf32>
    %max3A_570 = arith.constant 9.99999971E-10 : f32
    %max3A_571 = vector.broadcast %max3A_570 : f32 to vector<896x128xf32>
    %max3A_572 = arith.maximumf %sub3A_569, %max3A_571 : vector<896x128xf32>
    %div3A_573 = arith.divf %mul3A_564, %max3A_572 : vector<896x128xf32>
    %iota3A_574 = tpu.iota {dimensions = array<i32: 0>} : vector<896x1xi32>
    %iota3A_575 = tpu.iota {dimensions = array<i32: 1>} : vector<1x128xi32>
    %add3A_576 = arith.constant 768 : i32
    %add3A_577 = vector.broadcast %add3A_576 : i32 to vector<1x128xi32>
    %add3A_578 = arith.addi %add3A_577, %iota3A_575 : vector<1x128xi32>
    %gt3A_579 = arith.constant 0.699999988 : f32
    %gt3A_580 = vector.broadcast %gt3A_579 : f32 to vector<896x128xf32>
    %gt3A_581 = arith.cmpf ogt, %div3A_573, %gt3A_580 : vector<896x128xf32>
    %lt3A_582 = vector.broadcast %iota3A_574 : vector<896x1xi32> to vector<896x128xi32>
    %lt3A_583 = vector.broadcast %add3A_578 : vector<1x128xi32> to vector<896x128xi32>
    %lt3A_584 = arith.cmpi slt, %lt3A_582, %lt3A_583 : vector<896x128xi32>
    %and3A_585 = arith.andi %gt3A_581, %lt3A_584 : vector<896x128xi1>
    %convert_element_type3A_586 = arith.extui %and3A_585 : vector<896x128xi1> to vector<896x128xi32>
    %convert_element_type3A_587 = arith.sitofp %convert_element_type3A_586 : vector<896x128xi32> to vector<896x128xf32>
    %convert_element_type3A_588 = arith.truncf %convert_element_type3A_587 : vector<896x128xf32> to vector<896x128xbf16>
    %swap3A_589 = arith.constant 0 : index
    %swap3A_590 = arith.constant 0 : index
    %swap3A_591 = vector.load %arg3[%swap3A_589, %swap3A_590] : memref<2048x128xbf16, #tpu.memory_space<vmem>>, vector<896x128xbf16>
    tpu.vector_store %arg3[%swap3A_589, %swap3A_590], %convert_element_type3A_588 {strides = array<i32>} : memref<2048x128xbf16, #tpu.memory_space<vmem>>, vector<896x128xbf16>,
    %get3A_592 = arith.constant 0 : index
    %get3A_593 = arith.constant 0 : index
    %get3A_594 = vector.load %arg4[%get3A_592, %get3A_593] : memref<1x2048xf32, #tpu.memory_space<vmem>>, vector<1x768xf32>
    %convert_element_type3A_595 = arith.truncf %get3A_594 : vector<1x768xf32> to vector<1x768xbf16>
    %get3A_596 = arith.constant 0 : index
    %get3A_597 = arith.constant 0 : index
    %get3A_598 = vector.load %arg3[%get3A_596, %get3A_597] : memref<2048x128xbf16, #tpu.memory_space<vmem>>, vector<768x128xbf16>
    %dot_general3A_599 = arith.constant dense<0.000000e+00> : vector<1x128xf32>
    %dot_general3A_600 = tpu.matmul %convert_element_type3A_595, %get3A_598, %dot_general3A_599 {dimension_numbers = #tpu.dot_dimension_numbers<[1], [0], [0], [1], [0, 0, 1, 1], [], []>, transpose_lhs_hint = false} : vector<1x768xbf16>, vector<768x128xbf16>, vector<1x128xf32> -> vector<1x128xf32>
    %le3A_601 = arith.constant 0.000000e+00 : f32
    %le3A_602 = vector.broadcast %le3A_601 : f32 to vector<1x128xf32>
    %le3A_603 = arith.cmpf ole, %dot_general3A_600, %le3A_602 : vector<1x128xf32>
    %convert_element_type3A_604 = arith.extui %le3A_603 : vector<1x128xi1> to vector<1x128xi32>
    %convert_element_type3A_605 = arith.sitofp %convert_element_type3A_604 : vector<1x128xi32> to vector<1x128xf32>
    %get3A_606 = arith.constant 768 : index
    %get3A_607 = arith.constant 0 : index
    %get3A_608 = vector.load %arg3[%get3A_606, %get3A_607] : memref<2048x128xbf16, #tpu.memory_space<vmem>>, vector<128x128xbf16>
    %while3A_609 = arith.constant true
    %while3A_610:2 = scf.while (%while3A_1845 = %convert_element_type3A_605, %while3A_1846 = %while3A_609) : (vector<1x128xf32>, i1) -> (vector<1x128xf32>, i1) {
      scf.condition(%while3A_1846) %while3A_1845, %while3A_1846 : vector<1x128xf32>, i1
    } do {
    ^bb0(%while3A_1845: vector<1x128xf32>, %while3A_1846: i1):
      %convert_element_type3A_1847 = arith.truncf %while3A_1845 : vector<1x128xf32> to vector<1x128xbf16>
      %dot_general3A_1848 = arith.constant dense<0.000000e+00> : vector<1x128xf32>
      %dot_general3A_1849 = tpu.matmul %convert_element_type3A_1847, %get3A_608, %dot_general3A_1848 {dimension_numbers = #tpu.dot_dimension_numbers<[1], [0], [0], [1], [0, 0, 1, 1], [], []>, transpose_lhs_hint = false} : vector<1x128xbf16>, vector<128x128xbf16>, vector<1x128xf32> -> vector<1x128xf32>
      %le3A_1850 = arith.constant 0.000000e+00 : f32
      %le3A_1851 = vector.broadcast %le3A_1850 : f32 to vector<1x128xf32>
      %le3A_1852 = arith.cmpf ole, %dot_general3A_1849, %le3A_1851 : vector<1x128xf32>
      %convert_element_type3A_1853 = arith.extui %le3A_1852 : vector<1x128xi1> to vector<1x128xi32>
      %convert_element_type3A_1854 = arith.sitofp %convert_element_type3A_1853 : vector<1x128xi32> to vector<1x128xf32>
      %mul3A_1855 = arith.mulf %convert_element_type3A_605, %convert_element_type3A_1854 : vector<1x128xf32>
      %ne3A = arith.cmpf one, %mul3A_1855, %while3A_1845 : vector<1x128xf32>
      %reduce_or3A = arith.constant 1.000000e+00 : f32
      %reduce_or3A_1856 = arith.constant 0.000000e+00 : f32
      %reduce_or3A_1857 = vector.broadcast %reduce_or3A : f32 to vector<1x128xf32>
      %reduce_or3A_1858 = vector.broadcast %reduce_or3A_1856 : f32 to vector<1x128xf32>
      %reduce_or3A_1859 = arith.select %ne3A, %reduce_or3A_1857, %reduce_or3A_1858 : vector<1x128xi1>, vector<1x128xf32>
      %reduce_or3A_1860 = vector.shape_cast %reduce_or3A_1859 : vector<1x128xf32> to vector<1x1x128xf32>
      %reduce_or3A_1861 = arith.constant dense<0xFF800000> : vector<1xf32>
      %reduce_or3A_1862 = vector.multi_reduction <maximumf>, %reduce_or3A_1860, %reduce_or3A_1861 [1, 2] : vector<1x1x128xf32> to vector<1xf32>
      %reduce_or3A_1863 = vector.shape_cast %reduce_or3A_1862 : vector<1xf32> to vector<1x1x1xf32>
      %reduce_or3A_1864 = vector.extract %reduce_or3A_1863[0, 0, 0] : f32 from vector<1x1x1xf32>
      %reduce_or3A_1865 = arith.constant 0.000000e+00 : f32
      %reduce_or3A_1866 = arith.cmpf ogt, %reduce_or3A_1864, %reduce_or3A_1865 : f32
      scf.yield %mul3A_1855, %reduce_or3A_1866 : vector<1x128xf32>, i1
    }
    %swap3A_611 = arith.constant 0 : index
    %swap3A_612 = arith.constant 768 : index
    %swap3A_613 = vector.load %arg4[%swap3A_611, %swap3A_612] : memref<1x2048xf32, #tpu.memory_space<vmem>>, vector<1x128xf32>
    tpu.vector_store %arg4[%swap3A_611, %swap3A_612], %while3A_610#0 {strides = array<i32>} : memref<1x2048xf32, #tpu.memory_space<vmem>>, vector<1x128xf32>,
    %get3A_614 = arith.constant 0 : index
    %get3A_615 = arith.constant 896 : index
    %get3A_616 = vector.load %arg0[%get3A_614, %get3A_615] : memref<4x2048xf32, #tpu.memory_space<vmem>>, vector<1x128xf32>
    %get3A_617 = arith.constant 1 : index
    %get3A_618 = arith.constant 896 : index
    %get3A_619 = vector.load %arg0[%get3A_617, %get3A_618] : memref<4x2048xf32, #tpu.memory_space<vmem>>, vector<1x128xf32>
    %get3A_620 = arith.constant 2 : index
    %get3A_621 = arith.constant 896 : index
    %get3A_622 = vector.load %arg0[%get3A_620, %get3A_621] : memref<4x2048xf32, #tpu.memory_space<vmem>>, vector<1x128xf32>
    %get3A_623 = arith.constant 3 : index
    %get3A_624 = arith.constant 896 : index
    %get3A_625 = vector.load %arg0[%get3A_623, %get3A_624] : memref<4x2048xf32, #tpu.memory_space<vmem>>, vector<1x128xf32>
    %sub3A_626 = arith.subf %get3A_622, %get3A_616 : vector<1x128xf32>
    %sub3A_627 = arith.subf %get3A_625, %get3A_619 : vector<1x128xf32>
    %mul3A_628 = arith.mulf %sub3A_626, %sub3A_627 : vector<1x128xf32>
    %slice3A_629 = vector.extract_strided_slice %get3A_7 {offsets = [0, 0], sizes = [1024, 1], strides = [1, 1]} : vector<2048x1xf32> to vector<1024x1xf32>
    %min3A_630 = vector.broadcast %slice3A_629 : vector<1024x1xf32> to vector<1024x128xf32>
    %min3A_631 = vector.broadcast %get3A_622 : vector<1x128xf32> to vector<1024x128xf32>
    %min3A_632 = arith.minimumf %min3A_630, %min3A_631 : vector<1024x128xf32>
    %slice3A_633 = vector.extract_strided_slice %get3A_1 {offsets = [0, 0], sizes = [1024, 1], strides = [1, 1]} : vector<2048x1xf32> to vector<1024x1xf32>
    %max3A_634 = vector.broadcast %slice3A_633 : vector<1024x1xf32> to vector<1024x128xf32>
    %max3A_635 = vector.broadcast %get3A_616 : vector<1x128xf32> to vector<1024x128xf32>
    %max3A_636 = arith.maximumf %max3A_634, %max3A_635 : vector<1024x128xf32>
    %sub3A_637 = arith.subf %min3A_632, %max3A_636 : vector<1024x128xf32>
    %max3A_638 = arith.constant 0.000000e+00 : f32
    %max3A_639 = vector.broadcast %max3A_638 : f32 to vector<1024x128xf32>
    %max3A_640 = arith.maximumf %sub3A_637, %max3A_639 : vector<1024x128xf32>
    %slice3A_641 = vector.extract_strided_slice %get3A_10 {offsets = [0, 0], sizes = [1024, 1], strides = [1, 1]} : vector<2048x1xf32> to vector<1024x1xf32>
    %min3A_642 = vector.broadcast %slice3A_641 : vector<1024x1xf32> to vector<1024x128xf32>
    %min3A_643 = vector.broadcast %get3A_625 : vector<1x128xf32> to vector<1024x128xf32>
    %min3A_644 = arith.minimumf %min3A_642, %min3A_643 : vector<1024x128xf32>
    %slice3A_645 = vector.extract_strided_slice %get3A_4 {offsets = [0, 0], sizes = [1024, 1], strides = [1, 1]} : vector<2048x1xf32> to vector<1024x1xf32>
    %max3A_646 = vector.broadcast %slice3A_645 : vector<1024x1xf32> to vector<1024x128xf32>
    %max3A_647 = vector.broadcast %get3A_619 : vector<1x128xf32> to vector<1024x128xf32>
    %max3A_648 = arith.maximumf %max3A_646, %max3A_647 : vector<1024x128xf32>
    %sub3A_649 = arith.subf %min3A_644, %max3A_648 : vector<1024x128xf32>
    %max3A_650 = arith.constant 0.000000e+00 : f32
    %max3A_651 = vector.broadcast %max3A_650 : f32 to vector<1024x128xf32>
    %max3A_652 = arith.maximumf %sub3A_649, %max3A_651 : vector<1024x128xf32>
    %mul3A_653 = arith.mulf %max3A_640, %max3A_652 : vector<1024x128xf32>
    %slice3A_654 = vector.extract_strided_slice %mul3A {offsets = [0, 0], sizes = [1024, 1], strides = [1, 1]} : vector<2048x1xf32> to vector<1024x1xf32>
    %add3A_655 = vector.broadcast %slice3A_654 : vector<1024x1xf32> to vector<1024x128xf32>
    %add3A_656 = vector.broadcast %mul3A_628 : vector<1x128xf32> to vector<1024x128xf32>
    %add3A_657 = arith.addf %add3A_655, %add3A_656 : vector<1024x128xf32>
    %sub3A_658 = arith.subf %add3A_657, %mul3A_653 : vector<1024x128xf32>
    %max3A_659 = arith.constant 9.99999971E-10 : f32
    %max3A_660 = vector.broadcast %max3A_659 : f32 to vector<1024x128xf32>
    %max3A_661 = arith.maximumf %sub3A_658, %max3A_660 : vector<1024x128xf32>
    %div3A_662 = arith.divf %mul3A_653, %max3A_661 : vector<1024x128xf32>
    %iota3A_663 = tpu.iota {dimensions = array<i32: 0>} : vector<1024x1xi32>
    %iota3A_664 = tpu.iota {dimensions = array<i32: 1>} : vector<1x128xi32>
    %add3A_665 = arith.constant 896 : i32
    %add3A_666 = vector.broadcast %add3A_665 : i32 to vector<1x128xi32>
    %add3A_667 = arith.addi %add3A_666, %iota3A_664 : vector<1x128xi32>
    %gt3A_668 = arith.constant 0.699999988 : f32
    %gt3A_669 = vector.broadcast %gt3A_668 : f32 to vector<1024x128xf32>
    %gt3A_670 = arith.cmpf ogt, %div3A_662, %gt3A_669 : vector<1024x128xf32>
    %lt3A_671 = vector.broadcast %iota3A_663 : vector<1024x1xi32> to vector<1024x128xi32>
    %lt3A_672 = vector.broadcast %add3A_667 : vector<1x128xi32> to vector<1024x128xi32>
    %lt3A_673 = arith.cmpi slt, %lt3A_671, %lt3A_672 : vector<1024x128xi32>
    %and3A_674 = arith.andi %gt3A_670, %lt3A_673 : vector<1024x128xi1>
    %convert_element_type3A_675 = arith.extui %and3A_674 : vector<1024x128xi1> to vector<1024x128xi32>
    %convert_element_type3A_676 = arith.sitofp %convert_element_type3A_675 : vector<1024x128xi32> to vector<1024x128xf32>
    %convert_element_type3A_677 = arith.truncf %convert_element_type3A_676 : vector<1024x128xf32> to vector<1024x128xbf16>
    %swap3A_678 = arith.constant 0 : index
    %swap3A_679 = arith.constant 0 : index
    %swap3A_680 = vector.load %arg3[%swap3A_678, %swap3A_679] : memref<2048x128xbf16, #tpu.memory_space<vmem>>, vector<1024x128xbf16>
    tpu.vector_store %arg3[%swap3A_678, %swap3A_679], %convert_element_type3A_677 {strides = array<i32>} : memref<2048x128xbf16, #tpu.memory_space<vmem>>, vector<1024x128xbf16>,
    %get3A_681 = arith.constant 0 : index
    %get3A_682 = arith.constant 0 : index
    %get3A_683 = vector.load %arg4[%get3A_681, %get3A_682] : memref<1x2048xf32, #tpu.memory_space<vmem>>, vector<1x896xf32>
    %convert_element_type3A_684 = arith.truncf %get3A_683 : vector<1x896xf32> to vector<1x896xbf16>
    %get3A_685 = arith.constant 0 : index
    %get3A_686 = arith.constant 0 : index
    %get3A_687 = vector.load %arg3[%get3A_685, %get3A_686] : memref<2048x128xbf16, #tpu.memory_space<vmem>>, vector<896x128xbf16>
    %dot_general3A_688 = arith.constant dense<0.000000e+00> : vector<1x128xf32>
    %dot_general3A_689 = tpu.matmul %convert_element_type3A_684, %get3A_687, %dot_general3A_688 {dimension_numbers = #tpu.dot_dimension_numbers<[1], [0], [0], [1], [0, 0, 1, 1], [], []>, transpose_lhs_hint = false} : vector<1x896xbf16>, vector<896x128xbf16>, vector<1x128xf32> -> vector<1x128xf32>
    %le3A_690 = arith.constant 0.000000e+00 : f32
    %le3A_691 = vector.broadcast %le3A_690 : f32 to vector<1x128xf32>
    %le3A_692 = arith.cmpf ole, %dot_general3A_689, %le3A_691 : vector<1x128xf32>
    %convert_element_type3A_693 = arith.extui %le3A_692 : vector<1x128xi1> to vector<1x128xi32>
    %convert_element_type3A_694 = arith.sitofp %convert_element_type3A_693 : vector<1x128xi32> to vector<1x128xf32>
    %get3A_695 = arith.constant 896 : index
    %get3A_696 = arith.constant 0 : index
    %get3A_697 = vector.load %arg3[%get3A_695, %get3A_696] : memref<2048x128xbf16, #tpu.memory_space<vmem>>, vector<128x128xbf16>
    %while3A_698 = arith.constant true
    %while3A_699:2 = scf.while (%while3A_1845 = %convert_element_type3A_694, %while3A_1846 = %while3A_698) : (vector<1x128xf32>, i1) -> (vector<1x128xf32>, i1) {
      scf.condition(%while3A_1846) %while3A_1845, %while3A_1846 : vector<1x128xf32>, i1
    } do {
    ^bb0(%while3A_1845: vector<1x128xf32>, %while3A_1846: i1):
      %convert_element_type3A_1847 = arith.truncf %while3A_1845 : vector<1x128xf32> to vector<1x128xbf16>
      %dot_general3A_1848 = arith.constant dense<0.000000e+00> : vector<1x128xf32>
      %dot_general3A_1849 = tpu.matmul %convert_element_type3A_1847, %get3A_697, %dot_general3A_1848 {dimension_numbers = #tpu.dot_dimension_numbers<[1], [0], [0], [1], [0, 0, 1, 1], [], []>, transpose_lhs_hint = false} : vector<1x128xbf16>, vector<128x128xbf16>, vector<1x128xf32> -> vector<1x128xf32>
      %le3A_1850 = arith.constant 0.000000e+00 : f32
      %le3A_1851 = vector.broadcast %le3A_1850 : f32 to vector<1x128xf32>
      %le3A_1852 = arith.cmpf ole, %dot_general3A_1849, %le3A_1851 : vector<1x128xf32>
      %convert_element_type3A_1853 = arith.extui %le3A_1852 : vector<1x128xi1> to vector<1x128xi32>
      %convert_element_type3A_1854 = arith.sitofp %convert_element_type3A_1853 : vector<1x128xi32> to vector<1x128xf32>
      %mul3A_1855 = arith.mulf %convert_element_type3A_694, %convert_element_type3A_1854 : vector<1x128xf32>
      %ne3A = arith.cmpf one, %mul3A_1855, %while3A_1845 : vector<1x128xf32>
      %reduce_or3A = arith.constant 1.000000e+00 : f32
      %reduce_or3A_1856 = arith.constant 0.000000e+00 : f32
      %reduce_or3A_1857 = vector.broadcast %reduce_or3A : f32 to vector<1x128xf32>
      %reduce_or3A_1858 = vector.broadcast %reduce_or3A_1856 : f32 to vector<1x128xf32>
      %reduce_or3A_1859 = arith.select %ne3A, %reduce_or3A_1857, %reduce_or3A_1858 : vector<1x128xi1>, vector<1x128xf32>
      %reduce_or3A_1860 = vector.shape_cast %reduce_or3A_1859 : vector<1x128xf32> to vector<1x1x128xf32>
      %reduce_or3A_1861 = arith.constant dense<0xFF800000> : vector<1xf32>
      %reduce_or3A_1862 = vector.multi_reduction <maximumf>, %reduce_or3A_1860, %reduce_or3A_1861 [1, 2] : vector<1x1x128xf32> to vector<1xf32>
      %reduce_or3A_1863 = vector.shape_cast %reduce_or3A_1862 : vector<1xf32> to vector<1x1x1xf32>
      %reduce_or3A_1864 = vector.extract %reduce_or3A_1863[0, 0, 0] : f32 from vector<1x1x1xf32>
      %reduce_or3A_1865 = arith.constant 0.000000e+00 : f32
      %reduce_or3A_1866 = arith.cmpf ogt, %reduce_or3A_1864, %reduce_or3A_1865 : f32
      scf.yield %mul3A_1855, %reduce_or3A_1866 : vector<1x128xf32>, i1
    }
    %swap3A_700 = arith.constant 0 : index
    %swap3A_701 = arith.constant 896 : index
    %swap3A_702 = vector.load %arg4[%swap3A_700, %swap3A_701] : memref<1x2048xf32, #tpu.memory_space<vmem>>, vector<1x128xf32>
    tpu.vector_store %arg4[%swap3A_700, %swap3A_701], %while3A_699#0 {strides = array<i32>} : memref<1x2048xf32, #tpu.memory_space<vmem>>, vector<1x128xf32>,
    %get3A_703 = arith.constant 0 : index
    %get3A_704 = arith.constant 1024 : index
    %get3A_705 = vector.load %arg0[%get3A_703, %get3A_704] : memref<4x2048xf32, #tpu.memory_space<vmem>>, vector<1x128xf32>
    %get3A_706 = arith.constant 1 : index
    %get3A_707 = arith.constant 1024 : index
    %get3A_708 = vector.load %arg0[%get3A_706, %get3A_707] : memref<4x2048xf32, #tpu.memory_space<vmem>>, vector<1x128xf32>
    %get3A_709 = arith.constant 2 : index
    %get3A_710 = arith.constant 1024 : index
    %get3A_711 = vector.load %arg0[%get3A_709, %get3A_710] : memref<4x2048xf32, #tpu.memory_space<vmem>>, vector<1x128xf32>
    %get3A_712 = arith.constant 3 : index
    %get3A_713 = arith.constant 1024 : index
    %get3A_714 = vector.load %arg0[%get3A_712, %get3A_713] : memref<4x2048xf32, #tpu.memory_space<vmem>>, vector<1x128xf32>
    %sub3A_715 = arith.subf %get3A_711, %get3A_705 : vector<1x128xf32>
    %sub3A_716 = arith.subf %get3A_714, %get3A_708 : vector<1x128xf32>
    %mul3A_717 = arith.mulf %sub3A_715, %sub3A_716 : vector<1x128xf32>
    %slice3A_718 = vector.extract_strided_slice %get3A_7 {offsets = [0, 0], sizes = [1152, 1], strides = [1, 1]} : vector<2048x1xf32> to vector<1152x1xf32>
    %min3A_719 = vector.broadcast %slice3A_718 : vector<1152x1xf32> to vector<1152x128xf32>
    %min3A_720 = vector.broadcast %get3A_711 : vector<1x128xf32> to vector<1152x128xf32>
    %min3A_721 = arith.minimumf %min3A_719, %min3A_720 : vector<1152x128xf32>
    %slice3A_722 = vector.extract_strided_slice %get3A_1 {offsets = [0, 0], sizes = [1152, 1], strides = [1, 1]} : vector<2048x1xf32> to vector<1152x1xf32>
    %max3A_723 = vector.broadcast %slice3A_722 : vector<1152x1xf32> to vector<1152x128xf32>
    %max3A_724 = vector.broadcast %get3A_705 : vector<1x128xf32> to vector<1152x128xf32>
    %max3A_725 = arith.maximumf %max3A_723, %max3A_724 : vector<1152x128xf32>
    %sub3A_726 = arith.subf %min3A_721, %max3A_725 : vector<1152x128xf32>
    %max3A_727 = arith.constant 0.000000e+00 : f32
    %max3A_728 = vector.broadcast %max3A_727 : f32 to vector<1152x128xf32>
    %max3A_729 = arith.maximumf %sub3A_726, %max3A_728 : vector<1152x128xf32>
    %slice3A_730 = vector.extract_strided_slice %get3A_10 {offsets = [0, 0], sizes = [1152, 1], strides = [1, 1]} : vector<2048x1xf32> to vector<1152x1xf32>
    %min3A_731 = vector.broadcast %slice3A_730 : vector<1152x1xf32> to vector<1152x128xf32>
    %min3A_732 = vector.broadcast %get3A_714 : vector<1x128xf32> to vector<1152x128xf32>
    %min3A_733 = arith.minimumf %min3A_731, %min3A_732 : vector<1152x128xf32>
    %slice3A_734 = vector.extract_strided_slice %get3A_4 {offsets = [0, 0], sizes = [1152, 1], strides = [1, 1]} : vector<2048x1xf32> to vector<1152x1xf32>
    %max3A_735 = vector.broadcast %slice3A_734 : vector<1152x1xf32> to vector<1152x128xf32>
    %max3A_736 = vector.broadcast %get3A_708 : vector<1x128xf32> to vector<1152x128xf32>
    %max3A_737 = arith.maximumf %max3A_735, %max3A_736 : vector<1152x128xf32>
    %sub3A_738 = arith.subf %min3A_733, %max3A_737 : vector<1152x128xf32>
    %max3A_739 = arith.constant 0.000000e+00 : f32
    %max3A_740 = vector.broadcast %max3A_739 : f32 to vector<1152x128xf32>
    %max3A_741 = arith.maximumf %sub3A_738, %max3A_740 : vector<1152x128xf32>
    %mul3A_742 = arith.mulf %max3A_729, %max3A_741 : vector<1152x128xf32>
    %slice3A_743 = vector.extract_strided_slice %mul3A {offsets = [0, 0], sizes = [1152, 1], strides = [1, 1]} : vector<2048x1xf32> to vector<1152x1xf32>
    %add3A_744 = vector.broadcast %slice3A_743 : vector<1152x1xf32> to vector<1152x128xf32>
    %add3A_745 = vector.broadcast %mul3A_717 : vector<1x128xf32> to vector<1152x128xf32>
    %add3A_746 = arith.addf %add3A_744, %add3A_745 : vector<1152x128xf32>
    %sub3A_747 = arith.subf %add3A_746, %mul3A_742 : vector<1152x128xf32>
    %max3A_748 = arith.constant 9.99999971E-10 : f32
    %max3A_749 = vector.broadcast %max3A_748 : f32 to vector<1152x128xf32>
    %max3A_750 = arith.maximumf %sub3A_747, %max3A_749 : vector<1152x128xf32>
    %div3A_751 = arith.divf %mul3A_742, %max3A_750 : vector<1152x128xf32>
    %iota3A_752 = tpu.iota {dimensions = array<i32: 0>} : vector<1152x1xi32>
    %iota3A_753 = tpu.iota {dimensions = array<i32: 1>} : vector<1x128xi32>
    %add3A_754 = arith.constant 1024 : i32
    %add3A_755 = vector.broadcast %add3A_754 : i32 to vector<1x128xi32>
    %add3A_756 = arith.addi %add3A_755, %iota3A_753 : vector<1x128xi32>
    %gt3A_757 = arith.constant 0.699999988 : f32
    %gt3A_758 = vector.broadcast %gt3A_757 : f32 to vector<1152x128xf32>
    %gt3A_759 = arith.cmpf ogt, %div3A_751, %gt3A_758 : vector<1152x128xf32>
    %lt3A_760 = vector.broadcast %iota3A_752 : vector<1152x1xi32> to vector<1152x128xi32>
    %lt3A_761 = vector.broadcast %add3A_756 : vector<1x128xi32> to vector<1152x128xi32>
    %lt3A_762 = arith.cmpi slt, %lt3A_760, %lt3A_761 : vector<1152x128xi32>
    %and3A_763 = arith.andi %gt3A_759, %lt3A_762 : vector<1152x128xi1>
    %convert_element_type3A_764 = arith.extui %and3A_763 : vector<1152x128xi1> to vector<1152x128xi32>
    %convert_element_type3A_765 = arith.sitofp %convert_element_type3A_764 : vector<1152x128xi32> to vector<1152x128xf32>
    %convert_element_type3A_766 = arith.truncf %convert_element_type3A_765 : vector<1152x128xf32> to vector<1152x128xbf16>
    %swap3A_767 = arith.constant 0 : index
    %swap3A_768 = arith.constant 0 : index
    %swap3A_769 = vector.load %arg3[%swap3A_767, %swap3A_768] : memref<2048x128xbf16, #tpu.memory_space<vmem>>, vector<1152x128xbf16>
    tpu.vector_store %arg3[%swap3A_767, %swap3A_768], %convert_element_type3A_766 {strides = array<i32>} : memref<2048x128xbf16, #tpu.memory_space<vmem>>, vector<1152x128xbf16>,
    %get3A_770 = arith.constant 0 : index
    %get3A_771 = arith.constant 0 : index
    %get3A_772 = vector.load %arg4[%get3A_770, %get3A_771] : memref<1x2048xf32, #tpu.memory_space<vmem>>, vector<1x1024xf32>
    %convert_element_type3A_773 = arith.truncf %get3A_772 : vector<1x1024xf32> to vector<1x1024xbf16>
    %get3A_774 = arith.constant 0 : index
    %get3A_775 = arith.constant 0 : index
    %get3A_776 = vector.load %arg3[%get3A_774, %get3A_775] : memref<2048x128xbf16, #tpu.memory_space<vmem>>, vector<1024x128xbf16>
    %dot_general3A_777 = arith.constant dense<0.000000e+00> : vector<1x128xf32>
    %dot_general3A_778 = tpu.matmul %convert_element_type3A_773, %get3A_776, %dot_general3A_777 {dimension_numbers = #tpu.dot_dimension_numbers<[1], [0], [0], [1], [0, 0, 1, 1], [], []>, transpose_lhs_hint = false} : vector<1x1024xbf16>, vector<1024x128xbf16>, vector<1x128xf32> -> vector<1x128xf32>
    %le3A_779 = arith.constant 0.000000e+00 : f32
    %le3A_780 = vector.broadcast %le3A_779 : f32 to vector<1x128xf32>
    %le3A_781 = arith.cmpf ole, %dot_general3A_778, %le3A_780 : vector<1x128xf32>
    %convert_element_type3A_782 = arith.extui %le3A_781 : vector<1x128xi1> to vector<1x128xi32>
    %convert_element_type3A_783 = arith.sitofp %convert_element_type3A_782 : vector<1x128xi32> to vector<1x128xf32>
    %get3A_784 = arith.constant 1024 : index
    %get3A_785 = arith.constant 0 : index
    %get3A_786 = vector.load %arg3[%get3A_784, %get3A_785] : memref<2048x128xbf16, #tpu.memory_space<vmem>>, vector<128x128xbf16>
    %while3A_787 = arith.constant true
    %while3A_788:2 = scf.while (%while3A_1845 = %convert_element_type3A_783, %while3A_1846 = %while3A_787) : (vector<1x128xf32>, i1) -> (vector<1x128xf32>, i1) {
      scf.condition(%while3A_1846) %while3A_1845, %while3A_1846 : vector<1x128xf32>, i1
    } do {
    ^bb0(%while3A_1845: vector<1x128xf32>, %while3A_1846: i1):
      %convert_element_type3A_1847 = arith.truncf %while3A_1845 : vector<1x128xf32> to vector<1x128xbf16>
      %dot_general3A_1848 = arith.constant dense<0.000000e+00> : vector<1x128xf32>
      %dot_general3A_1849 = tpu.matmul %convert_element_type3A_1847, %get3A_786, %dot_general3A_1848 {dimension_numbers = #tpu.dot_dimension_numbers<[1], [0], [0], [1], [0, 0, 1, 1], [], []>, transpose_lhs_hint = false} : vector<1x128xbf16>, vector<128x128xbf16>, vector<1x128xf32> -> vector<1x128xf32>
      %le3A_1850 = arith.constant 0.000000e+00 : f32
      %le3A_1851 = vector.broadcast %le3A_1850 : f32 to vector<1x128xf32>
      %le3A_1852 = arith.cmpf ole, %dot_general3A_1849, %le3A_1851 : vector<1x128xf32>
      %convert_element_type3A_1853 = arith.extui %le3A_1852 : vector<1x128xi1> to vector<1x128xi32>
      %convert_element_type3A_1854 = arith.sitofp %convert_element_type3A_1853 : vector<1x128xi32> to vector<1x128xf32>
      %mul3A_1855 = arith.mulf %convert_element_type3A_783, %convert_element_type3A_1854 : vector<1x128xf32>
      %ne3A = arith.cmpf one, %mul3A_1855, %while3A_1845 : vector<1x128xf32>
      %reduce_or3A = arith.constant 1.000000e+00 : f32
      %reduce_or3A_1856 = arith.constant 0.000000e+00 : f32
      %reduce_or3A_1857 = vector.broadcast %reduce_or3A : f32 to vector<1x128xf32>
      %reduce_or3A_1858 = vector.broadcast %reduce_or3A_1856 : f32 to vector<1x128xf32>
      %reduce_or3A_1859 = arith.select %ne3A, %reduce_or3A_1857, %reduce_or3A_1858 : vector<1x128xi1>, vector<1x128xf32>
      %reduce_or3A_1860 = vector.shape_cast %reduce_or3A_1859 : vector<1x128xf32> to vector<1x1x128xf32>
      %reduce_or3A_1861 = arith.constant dense<0xFF800000> : vector<1xf32>
      %reduce_or3A_1862 = vector.multi_reduction <maximumf>, %reduce_or3A_1860, %reduce_or3A_1861 [1, 2] : vector<1x1x128xf32> to vector<1xf32>
      %reduce_or3A_1863 = vector.shape_cast %reduce_or3A_1862 : vector<1xf32> to vector<1x1x1xf32>
      %reduce_or3A_1864 = vector.extract %reduce_or3A_1863[0, 0, 0] : f32 from vector<1x1x1xf32>
      %reduce_or3A_1865 = arith.constant 0.000000e+00 : f32
      %reduce_or3A_1866 = arith.cmpf ogt, %reduce_or3A_1864, %reduce_or3A_1865 : f32
      scf.yield %mul3A_1855, %reduce_or3A_1866 : vector<1x128xf32>, i1
    }
    %swap3A_789 = arith.constant 0 : index
    %swap3A_790 = arith.constant 1024 : index
    %swap3A_791 = vector.load %arg4[%swap3A_789, %swap3A_790] : memref<1x2048xf32, #tpu.memory_space<vmem>>, vector<1x128xf32>
    tpu.vector_store %arg4[%swap3A_789, %swap3A_790], %while3A_788#0 {strides = array<i32>} : memref<1x2048xf32, #tpu.memory_space<vmem>>, vector<1x128xf32>,
    %get3A_792 = arith.constant 0 : index
    %get3A_793 = arith.constant 1152 : index
    %get3A_794 = vector.load %arg0[%get3A_792, %get3A_793] : memref<4x2048xf32, #tpu.memory_space<vmem>>, vector<1x128xf32>
    %get3A_795 = arith.constant 1 : index
    %get3A_796 = arith.constant 1152 : index
    %get3A_797 = vector.load %arg0[%get3A_795, %get3A_796] : memref<4x2048xf32, #tpu.memory_space<vmem>>, vector<1x128xf32>
    %get3A_798 = arith.constant 2 : index
    %get3A_799 = arith.constant 1152 : index
    %get3A_800 = vector.load %arg0[%get3A_798, %get3A_799] : memref<4x2048xf32, #tpu.memory_space<vmem>>, vector<1x128xf32>
    %get3A_801 = arith.constant 3 : index
    %get3A_802 = arith.constant 1152 : index
    %get3A_803 = vector.load %arg0[%get3A_801, %get3A_802] : memref<4x2048xf32, #tpu.memory_space<vmem>>, vector<1x128xf32>
    %sub3A_804 = arith.subf %get3A_800, %get3A_794 : vector<1x128xf32>
    %sub3A_805 = arith.subf %get3A_803, %get3A_797 : vector<1x128xf32>
    %mul3A_806 = arith.mulf %sub3A_804, %sub3A_805 : vector<1x128xf32>
    %slice3A_807 = vector.extract_strided_slice %get3A_7 {offsets = [0, 0], sizes = [1280, 1], strides = [1, 1]} : vector<2048x1xf32> to vector<1280x1xf32>
    %min3A_808 = vector.broadcast %slice3A_807 : vector<1280x1xf32> to vector<1280x128xf32>
    %min3A_809 = vector.broadcast %get3A_800 : vector<1x128xf32> to vector<1280x128xf32>
    %min3A_810 = arith.minimumf %min3A_808, %min3A_809 : vector<1280x128xf32>
    %slice3A_811 = vector.extract_strided_slice %get3A_1 {offsets = [0, 0], sizes = [1280, 1], strides = [1, 1]} : vector<2048x1xf32> to vector<1280x1xf32>
    %max3A_812 = vector.broadcast %slice3A_811 : vector<1280x1xf32> to vector<1280x128xf32>
    %max3A_813 = vector.broadcast %get3A_794 : vector<1x128xf32> to vector<1280x128xf32>
    %max3A_814 = arith.maximumf %max3A_812, %max3A_813 : vector<1280x128xf32>
    %sub3A_815 = arith.subf %min3A_810, %max3A_814 : vector<1280x128xf32>
    %max3A_816 = arith.constant 0.000000e+00 : f32
    %max3A_817 = vector.broadcast %max3A_816 : f32 to vector<1280x128xf32>
    %max3A_818 = arith.maximumf %sub3A_815, %max3A_817 : vector<1280x128xf32>
    %slice3A_819 = vector.extract_strided_slice %get3A_10 {offsets = [0, 0], sizes = [1280, 1], strides = [1, 1]} : vector<2048x1xf32> to vector<1280x1xf32>
    %min3A_820 = vector.broadcast %slice3A_819 : vector<1280x1xf32> to vector<1280x128xf32>
    %min3A_821 = vector.broadcast %get3A_803 : vector<1x128xf32> to vector<1280x128xf32>
    %min3A_822 = arith.minimumf %min3A_820, %min3A_821 : vector<1280x128xf32>
    %slice3A_823 = vector.extract_strided_slice %get3A_4 {offsets = [0, 0], sizes = [1280, 1], strides = [1, 1]} : vector<2048x1xf32> to vector<1280x1xf32>
    %max3A_824 = vector.broadcast %slice3A_823 : vector<1280x1xf32> to vector<1280x128xf32>
    %max3A_825 = vector.broadcast %get3A_797 : vector<1x128xf32> to vector<1280x128xf32>
    %max3A_826 = arith.maximumf %max3A_824, %max3A_825 : vector<1280x128xf32>
    %sub3A_827 = arith.subf %min3A_822, %max3A_826 : vector<1280x128xf32>
    %max3A_828 = arith.constant 0.000000e+00 : f32
    %max3A_829 = vector.broadcast %max3A_828 : f32 to vector<1280x128xf32>
    %max3A_830 = arith.maximumf %sub3A_827, %max3A_829 : vector<1280x128xf32>
    %mul3A_831 = arith.mulf %max3A_818, %max3A_830 : vector<1280x128xf32>
    %slice3A_832 = vector.extract_strided_slice %mul3A {offsets = [0, 0], sizes = [1280, 1], strides = [1, 1]} : vector<2048x1xf32> to vector<1280x1xf32>
    %add3A_833 = vector.broadcast %slice3A_832 : vector<1280x1xf32> to vector<1280x128xf32>
    %add3A_834 = vector.broadcast %mul3A_806 : vector<1x128xf32> to vector<1280x128xf32>
    %add3A_835 = arith.addf %add3A_833, %add3A_834 : vector<1280x128xf32>
    %sub3A_836 = arith.subf %add3A_835, %mul3A_831 : vector<1280x128xf32>
    %max3A_837 = arith.constant 9.99999971E-10 : f32
    %max3A_838 = vector.broadcast %max3A_837 : f32 to vector<1280x128xf32>
    %max3A_839 = arith.maximumf %sub3A_836, %max3A_838 : vector<1280x128xf32>
    %div3A_840 = arith.divf %mul3A_831, %max3A_839 : vector<1280x128xf32>
    %iota3A_841 = tpu.iota {dimensions = array<i32: 0>} : vector<1280x1xi32>
    %iota3A_842 = tpu.iota {dimensions = array<i32: 1>} : vector<1x128xi32>
    %add3A_843 = arith.constant 1152 : i32
    %add3A_844 = vector.broadcast %add3A_843 : i32 to vector<1x128xi32>
    %add3A_845 = arith.addi %add3A_844, %iota3A_842 : vector<1x128xi32>
    %gt3A_846 = arith.constant 0.699999988 : f32
    %gt3A_847 = vector.broadcast %gt3A_846 : f32 to vector<1280x128xf32>
    %gt3A_848 = arith.cmpf ogt, %div3A_840, %gt3A_847 : vector<1280x128xf32>
    %lt3A_849 = vector.broadcast %iota3A_841 : vector<1280x1xi32> to vector<1280x128xi32>
    %lt3A_850 = vector.broadcast %add3A_845 : vector<1x128xi32> to vector<1280x128xi32>
    %lt3A_851 = arith.cmpi slt, %lt3A_849, %lt3A_850 : vector<1280x128xi32>
    %and3A_852 = arith.andi %gt3A_848, %lt3A_851 : vector<1280x128xi1>
    %convert_element_type3A_853 = arith.extui %and3A_852 : vector<1280x128xi1> to vector<1280x128xi32>
    %convert_element_type3A_854 = arith.sitofp %convert_element_type3A_853 : vector<1280x128xi32> to vector<1280x128xf32>
    %convert_element_type3A_855 = arith.truncf %convert_element_type3A_854 : vector<1280x128xf32> to vector<1280x128xbf16>
    %swap3A_856 = arith.constant 0 : index
    %swap3A_857 = arith.constant 0 : index
    %swap3A_858 = vector.load %arg3[%swap3A_856, %swap3A_857] : memref<2048x128xbf16, #tpu.memory_space<vmem>>, vector<1280x128xbf16>
    tpu.vector_store %arg3[%swap3A_856, %swap3A_857], %convert_element_type3A_855 {strides = array<i32>} : memref<2048x128xbf16, #tpu.memory_space<vmem>>, vector<1280x128xbf16>,
    %get3A_859 = arith.constant 0 : index
    %get3A_860 = arith.constant 0 : index
    %get3A_861 = vector.load %arg4[%get3A_859, %get3A_860] : memref<1x2048xf32, #tpu.memory_space<vmem>>, vector<1x1152xf32>
    %convert_element_type3A_862 = arith.truncf %get3A_861 : vector<1x1152xf32> to vector<1x1152xbf16>
    %get3A_863 = arith.constant 0 : index
    %get3A_864 = arith.constant 0 : index
    %get3A_865 = vector.load %arg3[%get3A_863, %get3A_864] : memref<2048x128xbf16, #tpu.memory_space<vmem>>, vector<1152x128xbf16>
    %dot_general3A_866 = arith.constant dense<0.000000e+00> : vector<1x128xf32>
    %dot_general3A_867 = tpu.matmul %convert_element_type3A_862, %get3A_865, %dot_general3A_866 {dimension_numbers = #tpu.dot_dimension_numbers<[1], [0], [0], [1], [0, 0, 1, 1], [], []>, transpose_lhs_hint = false} : vector<1x1152xbf16>, vector<1152x128xbf16>, vector<1x128xf32> -> vector<1x128xf32>
    %le3A_868 = arith.constant 0.000000e+00 : f32
    %le3A_869 = vector.broadcast %le3A_868 : f32 to vector<1x128xf32>
    %le3A_870 = arith.cmpf ole, %dot_general3A_867, %le3A_869 : vector<1x128xf32>
    %convert_element_type3A_871 = arith.extui %le3A_870 : vector<1x128xi1> to vector<1x128xi32>
    %convert_element_type3A_872 = arith.sitofp %convert_element_type3A_871 : vector<1x128xi32> to vector<1x128xf32>
    %get3A_873 = arith.constant 1152 : index
    %get3A_874 = arith.constant 0 : index
    %get3A_875 = vector.load %arg3[%get3A_873, %get3A_874] : memref<2048x128xbf16, #tpu.memory_space<vmem>>, vector<128x128xbf16>
    %while3A_876 = arith.constant true
    %while3A_877:2 = scf.while (%while3A_1845 = %convert_element_type3A_872, %while3A_1846 = %while3A_876) : (vector<1x128xf32>, i1) -> (vector<1x128xf32>, i1) {
      scf.condition(%while3A_1846) %while3A_1845, %while3A_1846 : vector<1x128xf32>, i1
    } do {
    ^bb0(%while3A_1845: vector<1x128xf32>, %while3A_1846: i1):
      %convert_element_type3A_1847 = arith.truncf %while3A_1845 : vector<1x128xf32> to vector<1x128xbf16>
      %dot_general3A_1848 = arith.constant dense<0.000000e+00> : vector<1x128xf32>
      %dot_general3A_1849 = tpu.matmul %convert_element_type3A_1847, %get3A_875, %dot_general3A_1848 {dimension_numbers = #tpu.dot_dimension_numbers<[1], [0], [0], [1], [0, 0, 1, 1], [], []>, transpose_lhs_hint = false} : vector<1x128xbf16>, vector<128x128xbf16>, vector<1x128xf32> -> vector<1x128xf32>
      %le3A_1850 = arith.constant 0.000000e+00 : f32
      %le3A_1851 = vector.broadcast %le3A_1850 : f32 to vector<1x128xf32>
      %le3A_1852 = arith.cmpf ole, %dot_general3A_1849, %le3A_1851 : vector<1x128xf32>
      %convert_element_type3A_1853 = arith.extui %le3A_1852 : vector<1x128xi1> to vector<1x128xi32>
      %convert_element_type3A_1854 = arith.sitofp %convert_element_type3A_1853 : vector<1x128xi32> to vector<1x128xf32>
      %mul3A_1855 = arith.mulf %convert_element_type3A_872, %convert_element_type3A_1854 : vector<1x128xf32>
      %ne3A = arith.cmpf one, %mul3A_1855, %while3A_1845 : vector<1x128xf32>
      %reduce_or3A = arith.constant 1.000000e+00 : f32
      %reduce_or3A_1856 = arith.constant 0.000000e+00 : f32
      %reduce_or3A_1857 = vector.broadcast %reduce_or3A : f32 to vector<1x128xf32>
      %reduce_or3A_1858 = vector.broadcast %reduce_or3A_1856 : f32 to vector<1x128xf32>
      %reduce_or3A_1859 = arith.select %ne3A, %reduce_or3A_1857, %reduce_or3A_1858 : vector<1x128xi1>, vector<1x128xf32>
      %reduce_or3A_1860 = vector.shape_cast %reduce_or3A_1859 : vector<1x128xf32> to vector<1x1x128xf32>
      %reduce_or3A_1861 = arith.constant dense<0xFF800000> : vector<1xf32>
      %reduce_or3A_1862 = vector.multi_reduction <maximumf>, %reduce_or3A_1860, %reduce_or3A_1861 [1, 2] : vector<1x1x128xf32> to vector<1xf32>
      %reduce_or3A_1863 = vector.shape_cast %reduce_or3A_1862 : vector<1xf32> to vector<1x1x1xf32>
      %reduce_or3A_1864 = vector.extract %reduce_or3A_1863[0, 0, 0] : f32 from vector<1x1x1xf32>
      %reduce_or3A_1865 = arith.constant 0.000000e+00 : f32
      %reduce_or3A_1866 = arith.cmpf ogt, %reduce_or3A_1864, %reduce_or3A_1865 : f32
      scf.yield %mul3A_1855, %reduce_or3A_1866 : vector<1x128xf32>, i1
    }
    %swap3A_878 = arith.constant 0 : index
    %swap3A_879 = arith.constant 1152 : index
    %swap3A_880 = vector.load %arg4[%swap3A_878, %swap3A_879] : memref<1x2048xf32, #tpu.memory_space<vmem>>, vector<1x128xf32>
    tpu.vector_store %arg4[%swap3A_878, %swap3A_879], %while3A_877#0 {strides = array<i32>} : memref<1x2048xf32, #tpu.memory_space<vmem>>, vector<1x128xf32>,
    %get3A_881 = arith.constant 0 : index
    %get3A_882 = arith.constant 1280 : index
    %get3A_883 = vector.load %arg0[%get3A_881, %get3A_882] : memref<4x2048xf32, #tpu.memory_space<vmem>>, vector<1x128xf32>
    %get3A_884 = arith.constant 1 : index
    %get3A_885 = arith.constant 1280 : index
    %get3A_886 = vector.load %arg0[%get3A_884, %get3A_885] : memref<4x2048xf32, #tpu.memory_space<vmem>>, vector<1x128xf32>
    %get3A_887 = arith.constant 2 : index
    %get3A_888 = arith.constant 1280 : index
    %get3A_889 = vector.load %arg0[%get3A_887, %get3A_888] : memref<4x2048xf32, #tpu.memory_space<vmem>>, vector<1x128xf32>
    %get3A_890 = arith.constant 3 : index
    %get3A_891 = arith.constant 1280 : index
    %get3A_892 = vector.load %arg0[%get3A_890, %get3A_891] : memref<4x2048xf32, #tpu.memory_space<vmem>>, vector<1x128xf32>
    %sub3A_893 = arith.subf %get3A_889, %get3A_883 : vector<1x128xf32>
    %sub3A_894 = arith.subf %get3A_892, %get3A_886 : vector<1x128xf32>
    %mul3A_895 = arith.mulf %sub3A_893, %sub3A_894 : vector<1x128xf32>
    %slice3A_896 = vector.extract_strided_slice %get3A_7 {offsets = [0, 0], sizes = [1408, 1], strides = [1, 1]} : vector<2048x1xf32> to vector<1408x1xf32>
    %min3A_897 = vector.broadcast %slice3A_896 : vector<1408x1xf32> to vector<1408x128xf32>
    %min3A_898 = vector.broadcast %get3A_889 : vector<1x128xf32> to vector<1408x128xf32>
    %min3A_899 = arith.minimumf %min3A_897, %min3A_898 : vector<1408x128xf32>
    %slice3A_900 = vector.extract_strided_slice %get3A_1 {offsets = [0, 0], sizes = [1408, 1], strides = [1, 1]} : vector<2048x1xf32> to vector<1408x1xf32>
    %max3A_901 = vector.broadcast %slice3A_900 : vector<1408x1xf32> to vector<1408x128xf32>
    %max3A_902 = vector.broadcast %get3A_883 : vector<1x128xf32> to vector<1408x128xf32>
    %max3A_903 = arith.maximumf %max3A_901, %max3A_902 : vector<1408x128xf32>
    %sub3A_904 = arith.subf %min3A_899, %max3A_903 : vector<1408x128xf32>
    %max3A_905 = arith.constant 0.000000e+00 : f32
    %max3A_906 = vector.broadcast %max3A_905 : f32 to vector<1408x128xf32>
    %max3A_907 = arith.maximumf %sub3A_904, %max3A_906 : vector<1408x128xf32>
    %slice3A_908 = vector.extract_strided_slice %get3A_10 {offsets = [0, 0], sizes = [1408, 1], strides = [1, 1]} : vector<2048x1xf32> to vector<1408x1xf32>
    %min3A_909 = vector.broadcast %slice3A_908 : vector<1408x1xf32> to vector<1408x128xf32>
    %min3A_910 = vector.broadcast %get3A_892 : vector<1x128xf32> to vector<1408x128xf32>
    %min3A_911 = arith.minimumf %min3A_909, %min3A_910 : vector<1408x128xf32>
    %slice3A_912 = vector.extract_strided_slice %get3A_4 {offsets = [0, 0], sizes = [1408, 1], strides = [1, 1]} : vector<2048x1xf32> to vector<1408x1xf32>
    %max3A_913 = vector.broadcast %slice3A_912 : vector<1408x1xf32> to vector<1408x128xf32>
    %max3A_914 = vector.broadcast %get3A_886 : vector<1x128xf32> to vector<1408x128xf32>
    %max3A_915 = arith.maximumf %max3A_913, %max3A_914 : vector<1408x128xf32>
    %sub3A_916 = arith.subf %min3A_911, %max3A_915 : vector<1408x128xf32>
    %max3A_917 = arith.constant 0.000000e+00 : f32
    %max3A_918 = vector.broadcast %max3A_917 : f32 to vector<1408x128xf32>
    %max3A_919 = arith.maximumf %sub3A_916, %max3A_918 : vector<1408x128xf32>
    %mul3A_920 = arith.mulf %max3A_907, %max3A_919 : vector<1408x128xf32>
    %slice3A_921 = vector.extract_strided_slice %mul3A {offsets = [0, 0], sizes = [1408, 1], strides = [1, 1]} : vector<2048x1xf32> to vector<1408x1xf32>
    %add3A_922 = vector.broadcast %slice3A_921 : vector<1408x1xf32> to vector<1408x128xf32>
    %add3A_923 = vector.broadcast %mul3A_895 : vector<1x128xf32> to vector<1408x128xf32>
    %add3A_924 = arith.addf %add3A_922, %add3A_923 : vector<1408x128xf32>
    %sub3A_925 = arith.subf %add3A_924, %mul3A_920 : vector<1408x128xf32>
    %max3A_926 = arith.constant 9.99999971E-10 : f32
    %max3A_927 = vector.broadcast %max3A_926 : f32 to vector<1408x128xf32>
    %max3A_928 = arith.maximumf %sub3A_925, %max3A_927 : vector<1408x128xf32>
    %div3A_929 = arith.divf %mul3A_920, %max3A_928 : vector<1408x128xf32>
    %iota3A_930 = tpu.iota {dimensions = array<i32: 0>} : vector<1408x1xi32>
    %iota3A_931 = tpu.iota {dimensions = array<i32: 1>} : vector<1x128xi32>
    %add3A_932 = arith.constant 1280 : i32
    %add3A_933 = vector.broadcast %add3A_932 : i32 to vector<1x128xi32>
    %add3A_934 = arith.addi %add3A_933, %iota3A_931 : vector<1x128xi32>
    %gt3A_935 = arith.constant 0.699999988 : f32
    %gt3A_936 = vector.broadcast %gt3A_935 : f32 to vector<1408x128xf32>
    %gt3A_937 = arith.cmpf ogt, %div3A_929, %gt3A_936 : vector<1408x128xf32>
    %lt3A_938 = vector.broadcast %iota3A_930 : vector<1408x1xi32> to vector<1408x128xi32>
    %lt3A_939 = vector.broadcast %add3A_934 : vector<1x128xi32> to vector<1408x128xi32>
    %lt3A_940 = arith.cmpi slt, %lt3A_938, %lt3A_939 : vector<1408x128xi32>
    %and3A_941 = arith.andi %gt3A_937, %lt3A_940 : vector<1408x128xi1>
    %convert_element_type3A_942 = arith.extui %and3A_941 : vector<1408x128xi1> to vector<1408x128xi32>
    %convert_element_type3A_943 = arith.sitofp %convert_element_type3A_942 : vector<1408x128xi32> to vector<1408x128xf32>
    %convert_element_type3A_944 = arith.truncf %convert_element_type3A_943 : vector<1408x128xf32> to vector<1408x128xbf16>
    %swap3A_945 = arith.constant 0 : index
    %swap3A_946 = arith.constant 0 : index
    %swap3A_947 = vector.load %arg3[%swap3A_945, %swap3A_946] : memref<2048x128xbf16, #tpu.memory_space<vmem>>, vector<1408x128xbf16>
    tpu.vector_store %arg3[%swap3A_945, %swap3A_946], %convert_element_type3A_944 {strides = array<i32>} : memref<2048x128xbf16, #tpu.memory_space<vmem>>, vector<1408x128xbf16>,
    %get3A_948 = arith.constant 0 : index
    %get3A_949 = arith.constant 0 : index
    %get3A_950 = vector.load %arg4[%get3A_948, %get3A_949] : memref<1x2048xf32, #tpu.memory_space<vmem>>, vector<1x1280xf32>
    %convert_element_type3A_951 = arith.truncf %get3A_950 : vector<1x1280xf32> to vector<1x1280xbf16>
    %get3A_952 = arith.constant 0 : index
    %get3A_953 = arith.constant 0 : index
    %get3A_954 = vector.load %arg3[%get3A_952, %get3A_953] : memref<2048x128xbf16, #tpu.memory_space<vmem>>, vector<1280x128xbf16>
    %dot_general3A_955 = arith.constant dense<0.000000e+00> : vector<1x128xf32>
    %dot_general3A_956 = tpu.matmul %convert_element_type3A_951, %get3A_954, %dot_general3A_955 {dimension_numbers = #tpu.dot_dimension_numbers<[1], [0], [0], [1], [0, 0, 1, 1], [], []>, transpose_lhs_hint = false} : vector<1x1280xbf16>, vector<1280x128xbf16>, vector<1x128xf32> -> vector<1x128xf32>
    %le3A_957 = arith.constant 0.000000e+00 : f32
    %le3A_958 = vector.broadcast %le3A_957 : f32 to vector<1x128xf32>
    %le3A_959 = arith.cmpf ole, %dot_general3A_956, %le3A_958 : vector<1x128xf32>
    %convert_element_type3A_960 = arith.extui %le3A_959 : vector<1x128xi1> to vector<1x128xi32>
    %convert_element_type3A_961 = arith.sitofp %convert_element_type3A_960 : vector<1x128xi32> to vector<1x128xf32>
    %get3A_962 = arith.constant 1280 : index
    %get3A_963 = arith.constant 0 : index
    %get3A_964 = vector.load %arg3[%get3A_962, %get3A_963] : memref<2048x128xbf16, #tpu.memory_space<vmem>>, vector<128x128xbf16>
    %while3A_965 = arith.constant true
    %while3A_966:2 = scf.while (%while3A_1845 = %convert_element_type3A_961, %while3A_1846 = %while3A_965) : (vector<1x128xf32>, i1) -> (vector<1x128xf32>, i1) {
      scf.condition(%while3A_1846) %while3A_1845, %while3A_1846 : vector<1x128xf32>, i1
    } do {
    ^bb0(%while3A_1845: vector<1x128xf32>, %while3A_1846: i1):
      %convert_element_type3A_1847 = arith.truncf %while3A_1845 : vector<1x128xf32> to vector<1x128xbf16>
      %dot_general3A_1848 = arith.constant dense<0.000000e+00> : vector<1x128xf32>
      %dot_general3A_1849 = tpu.matmul %convert_element_type3A_1847, %get3A_964, %dot_general3A_1848 {dimension_numbers = #tpu.dot_dimension_numbers<[1], [0], [0], [1], [0, 0, 1, 1], [], []>, transpose_lhs_hint = false} : vector<1x128xbf16>, vector<128x128xbf16>, vector<1x128xf32> -> vector<1x128xf32>
      %le3A_1850 = arith.constant 0.000000e+00 : f32
      %le3A_1851 = vector.broadcast %le3A_1850 : f32 to vector<1x128xf32>
      %le3A_1852 = arith.cmpf ole, %dot_general3A_1849, %le3A_1851 : vector<1x128xf32>
      %convert_element_type3A_1853 = arith.extui %le3A_1852 : vector<1x128xi1> to vector<1x128xi32>
      %convert_element_type3A_1854 = arith.sitofp %convert_element_type3A_1853 : vector<1x128xi32> to vector<1x128xf32>
      %mul3A_1855 = arith.mulf %convert_element_type3A_961, %convert_element_type3A_1854 : vector<1x128xf32>
      %ne3A = arith.cmpf one, %mul3A_1855, %while3A_1845 : vector<1x128xf32>
      %reduce_or3A = arith.constant 1.000000e+00 : f32
      %reduce_or3A_1856 = arith.constant 0.000000e+00 : f32
      %reduce_or3A_1857 = vector.broadcast %reduce_or3A : f32 to vector<1x128xf32>
      %reduce_or3A_1858 = vector.broadcast %reduce_or3A_1856 : f32 to vector<1x128xf32>
      %reduce_or3A_1859 = arith.select %ne3A, %reduce_or3A_1857, %reduce_or3A_1858 : vector<1x128xi1>, vector<1x128xf32>
      %reduce_or3A_1860 = vector.shape_cast %reduce_or3A_1859 : vector<1x128xf32> to vector<1x1x128xf32>
      %reduce_or3A_1861 = arith.constant dense<0xFF800000> : vector<1xf32>
      %reduce_or3A_1862 = vector.multi_reduction <maximumf>, %reduce_or3A_1860, %reduce_or3A_1861 [1, 2] : vector<1x1x128xf32> to vector<1xf32>
      %reduce_or3A_1863 = vector.shape_cast %reduce_or3A_1862 : vector<1xf32> to vector<1x1x1xf32>
      %reduce_or3A_1864 = vector.extract %reduce_or3A_1863[0, 0, 0] : f32 from vector<1x1x1xf32>
      %reduce_or3A_1865 = arith.constant 0.000000e+00 : f32
      %reduce_or3A_1866 = arith.cmpf ogt, %reduce_or3A_1864, %reduce_or3A_1865 : f32
      scf.yield %mul3A_1855, %reduce_or3A_1866 : vector<1x128xf32>, i1
    }
    %swap3A_967 = arith.constant 0 : index
    %swap3A_968 = arith.constant 1280 : index
    %swap3A_969 = vector.load %arg4[%swap3A_967, %swap3A_968] : memref<1x2048xf32, #tpu.memory_space<vmem>>, vector<1x128xf32>
    tpu.vector_store %arg4[%swap3A_967, %swap3A_968], %while3A_966#0 {strides = array<i32>} : memref<1x2048xf32, #tpu.memory_space<vmem>>, vector<1x128xf32>,
    %get3A_970 = arith.constant 0 : index
    %get3A_971 = arith.constant 1408 : index
    %get3A_972 = vector.load %arg0[%get3A_970, %get3A_971] : memref<4x2048xf32, #tpu.memory_space<vmem>>, vector<1x128xf32>
    %get3A_973 = arith.constant 1 : index
    %get3A_974 = arith.constant 1408 : index
    %get3A_975 = vector.load %arg0[%get3A_973, %get3A_974] : memref<4x2048xf32, #tpu.memory_space<vmem>>, vector<1x128xf32>
    %get3A_976 = arith.constant 2 : index
    %get3A_977 = arith.constant 1408 : index
    %get3A_978 = vector.load %arg0[%get3A_976, %get3A_977] : memref<4x2048xf32, #tpu.memory_space<vmem>>, vector<1x128xf32>
    %get3A_979 = arith.constant 3 : index
    %get3A_980 = arith.constant 1408 : index
    %get3A_981 = vector.load %arg0[%get3A_979, %get3A_980] : memref<4x2048xf32, #tpu.memory_space<vmem>>, vector<1x128xf32>
    %sub3A_982 = arith.subf %get3A_978, %get3A_972 : vector<1x128xf32>
    %sub3A_983 = arith.subf %get3A_981, %get3A_975 : vector<1x128xf32>
    %mul3A_984 = arith.mulf %sub3A_982, %sub3A_983 : vector<1x128xf32>
    %slice3A_985 = vector.extract_strided_slice %get3A_7 {offsets = [0, 0], sizes = [1536, 1], strides = [1, 1]} : vector<2048x1xf32> to vector<1536x1xf32>
    %min3A_986 = vector.broadcast %slice3A_985 : vector<1536x1xf32> to vector<1536x128xf32>
    %min3A_987 = vector.broadcast %get3A_978 : vector<1x128xf32> to vector<1536x128xf32>
    %min3A_988 = arith.minimumf %min3A_986, %min3A_987 : vector<1536x128xf32>
    %slice3A_989 = vector.extract_strided_slice %get3A_1 {offsets = [0, 0], sizes = [1536, 1], strides = [1, 1]} : vector<2048x1xf32> to vector<1536x1xf32>
    %max3A_990 = vector.broadcast %slice3A_989 : vector<1536x1xf32> to vector<1536x128xf32>
    %max3A_991 = vector.broadcast %get3A_972 : vector<1x128xf32> to vector<1536x128xf32>
    %max3A_992 = arith.maximumf %max3A_990, %max3A_991 : vector<1536x128xf32>
    %sub3A_993 = arith.subf %min3A_988, %max3A_992 : vector<1536x128xf32>
    %max3A_994 = arith.constant 0.000000e+00 : f32
    %max3A_995 = vector.broadcast %max3A_994 : f32 to vector<1536x128xf32>
    %max3A_996 = arith.maximumf %sub3A_993, %max3A_995 : vector<1536x128xf32>
    %slice3A_997 = vector.extract_strided_slice %get3A_10 {offsets = [0, 0], sizes = [1536, 1], strides = [1, 1]} : vector<2048x1xf32> to vector<1536x1xf32>
    %min3A_998 = vector.broadcast %slice3A_997 : vector<1536x1xf32> to vector<1536x128xf32>
    %min3A_999 = vector.broadcast %get3A_981 : vector<1x128xf32> to vector<1536x128xf32>
    %min3A_1000 = arith.minimumf %min3A_998, %min3A_999 : vector<1536x128xf32>
    %slice3A_1001 = vector.extract_strided_slice %get3A_4 {offsets = [0, 0], sizes = [1536, 1], strides = [1, 1]} : vector<2048x1xf32> to vector<1536x1xf32>
    %max3A_1002 = vector.broadcast %slice3A_1001 : vector<1536x1xf32> to vector<1536x128xf32>
    %max3A_1003 = vector.broadcast %get3A_975 : vector<1x128xf32> to vector<1536x128xf32>
    %max3A_1004 = arith.maximumf %max3A_1002, %max3A_1003 : vector<1536x128xf32>
    %sub3A_1005 = arith.subf %min3A_1000, %max3A_1004 : vector<1536x128xf32>
    %max3A_1006 = arith.constant 0.000000e+00 : f32
    %max3A_1007 = vector.broadcast %max3A_1006 : f32 to vector<1536x128xf32>
    %max3A_1008 = arith.maximumf %sub3A_1005, %max3A_1007 : vector<1536x128xf32>
    %mul3A_1009 = arith.mulf %max3A_996, %max3A_1008 : vector<1536x128xf32>
    %slice3A_1010 = vector.extract_strided_slice %mul3A {offsets = [0, 0], sizes = [1536, 1], strides = [1, 1]} : vector<2048x1xf32> to vector<1536x1xf32>
    %add3A_1011 = vector.broadcast %slice3A_1010 : vector<1536x1xf32> to vector<1536x128xf32>
    %add3A_1012 = vector.broadcast %mul3A_984 : vector<1x128xf32> to vector<1536x128xf32>
    %add3A_1013 = arith.addf %add3A_1011, %add3A_1012 : vector<1536x128xf32>
    %sub3A_1014 = arith.subf %add3A_1013, %mul3A_1009 : vector<1536x128xf32>
    %max3A_1015 = arith.constant 9.99999971E-10 : f32
    %max3A_1016 = vector.broadcast %max3A_1015 : f32 to vector<1536x128xf32>
    %max3A_1017 = arith.maximumf %sub3A_1014, %max3A_1016 : vector<1536x128xf32>
    %div3A_1018 = arith.divf %mul3A_1009, %max3A_1017 : vector<1536x128xf32>
    %iota3A_1019 = tpu.iota {dimensions = array<i32: 0>} : vector<1536x1xi32>
    %iota3A_1020 = tpu.iota {dimensions = array<i32: 1>} : vector<1x128xi32>
    %add3A_1021 = arith.constant 1408 : i32
    %add3A_1022 = vector.broadcast %add3A_1021 : i32 to vector<1x128xi32>
    %add3A_1023 = arith.addi %add3A_1022, %iota3A_1020 : vector<1x128xi32>
    %gt3A_1024 = arith.constant 0.699999988 : f32
    %gt3A_1025 = vector.broadcast %gt3A_1024 : f32 to vector<1536x128xf32>
    %gt3A_1026 = arith.cmpf ogt, %div3A_1018, %gt3A_1025 : vector<1536x128xf32>
    %lt3A_1027 = vector.broadcast %iota3A_1019 : vector<1536x1xi32> to vector<1536x128xi32>
    %lt3A_1028 = vector.broadcast %add3A_1023 : vector<1x128xi32> to vector<1536x128xi32>
    %lt3A_1029 = arith.cmpi slt, %lt3A_1027, %lt3A_1028 : vector<1536x128xi32>
    %and3A_1030 = arith.andi %gt3A_1026, %lt3A_1029 : vector<1536x128xi1>
    %convert_element_type3A_1031 = arith.extui %and3A_1030 : vector<1536x128xi1> to vector<1536x128xi32>
    %convert_element_type3A_1032 = arith.sitofp %convert_element_type3A_1031 : vector<1536x128xi32> to vector<1536x128xf32>
    %convert_element_type3A_1033 = arith.truncf %convert_element_type3A_1032 : vector<1536x128xf32> to vector<1536x128xbf16>
    %swap3A_1034 = arith.constant 0 : index
    %swap3A_1035 = arith.constant 0 : index
    %swap3A_1036 = vector.load %arg3[%swap3A_1034, %swap3A_1035] : memref<2048x128xbf16, #tpu.memory_space<vmem>>, vector<1536x128xbf16>
    tpu.vector_store %arg3[%swap3A_1034, %swap3A_1035], %convert_element_type3A_1033 {strides = array<i32>} : memref<2048x128xbf16, #tpu.memory_space<vmem>>, vector<1536x128xbf16>,
    %get3A_1037 = arith.constant 0 : index
    %get3A_1038 = arith.constant 0 : index
    %get3A_1039 = vector.load %arg4[%get3A_1037, %get3A_1038] : memref<1x2048xf32, #tpu.memory_space<vmem>>, vector<1x1408xf32>
    %convert_element_type3A_1040 = arith.truncf %get3A_1039 : vector<1x1408xf32> to vector<1x1408xbf16>
    %get3A_1041 = arith.constant 0 : index
    %get3A_1042 = arith.constant 0 : index
    %get3A_1043 = vector.load %arg3[%get3A_1041, %get3A_1042] : memref<2048x128xbf16, #tpu.memory_space<vmem>>, vector<1408x128xbf16>
    %dot_general3A_1044 = arith.constant dense<0.000000e+00> : vector<1x128xf32>
    %dot_general3A_1045 = tpu.matmul %convert_element_type3A_1040, %get3A_1043, %dot_general3A_1044 {dimension_numbers = #tpu.dot_dimension_numbers<[1], [0], [0], [1], [0, 0, 1, 1], [], []>, transpose_lhs_hint = false} : vector<1x1408xbf16>, vector<1408x128xbf16>, vector<1x128xf32> -> vector<1x128xf32>
    %le3A_1046 = arith.constant 0.000000e+00 : f32
    %le3A_1047 = vector.broadcast %le3A_1046 : f32 to vector<1x128xf32>
    %le3A_1048 = arith.cmpf ole, %dot_general3A_1045, %le3A_1047 : vector<1x128xf32>
    %convert_element_type3A_1049 = arith.extui %le3A_1048 : vector<1x128xi1> to vector<1x128xi32>
    %convert_element_type3A_1050 = arith.sitofp %convert_element_type3A_1049 : vector<1x128xi32> to vector<1x128xf32>
    %get3A_1051 = arith.constant 1408 : index
    %get3A_1052 = arith.constant 0 : index
    %get3A_1053 = vector.load %arg3[%get3A_1051, %get3A_1052] : memref<2048x128xbf16, #tpu.memory_space<vmem>>, vector<128x128xbf16>
    %while3A_1054 = arith.constant true
    %while3A_1055:2 = scf.while (%while3A_1845 = %convert_element_type3A_1050, %while3A_1846 = %while3A_1054) : (vector<1x128xf32>, i1) -> (vector<1x128xf32>, i1) {
      scf.condition(%while3A_1846) %while3A_1845, %while3A_1846 : vector<1x128xf32>, i1
    } do {
    ^bb0(%while3A_1845: vector<1x128xf32>, %while3A_1846: i1):
      %convert_element_type3A_1847 = arith.truncf %while3A_1845 : vector<1x128xf32> to vector<1x128xbf16>
      %dot_general3A_1848 = arith.constant dense<0.000000e+00> : vector<1x128xf32>
      %dot_general3A_1849 = tpu.matmul %convert_element_type3A_1847, %get3A_1053, %dot_general3A_1848 {dimension_numbers = #tpu.dot_dimension_numbers<[1], [0], [0], [1], [0, 0, 1, 1], [], []>, transpose_lhs_hint = false} : vector<1x128xbf16>, vector<128x128xbf16>, vector<1x128xf32> -> vector<1x128xf32>
      %le3A_1850 = arith.constant 0.000000e+00 : f32
      %le3A_1851 = vector.broadcast %le3A_1850 : f32 to vector<1x128xf32>
      %le3A_1852 = arith.cmpf ole, %dot_general3A_1849, %le3A_1851 : vector<1x128xf32>
      %convert_element_type3A_1853 = arith.extui %le3A_1852 : vector<1x128xi1> to vector<1x128xi32>
      %convert_element_type3A_1854 = arith.sitofp %convert_element_type3A_1853 : vector<1x128xi32> to vector<1x128xf32>
      %mul3A_1855 = arith.mulf %convert_element_type3A_1050, %convert_element_type3A_1854 : vector<1x128xf32>
      %ne3A = arith.cmpf one, %mul3A_1855, %while3A_1845 : vector<1x128xf32>
      %reduce_or3A = arith.constant 1.000000e+00 : f32
      %reduce_or3A_1856 = arith.constant 0.000000e+00 : f32
      %reduce_or3A_1857 = vector.broadcast %reduce_or3A : f32 to vector<1x128xf32>
      %reduce_or3A_1858 = vector.broadcast %reduce_or3A_1856 : f32 to vector<1x128xf32>
      %reduce_or3A_1859 = arith.select %ne3A, %reduce_or3A_1857, %reduce_or3A_1858 : vector<1x128xi1>, vector<1x128xf32>
      %reduce_or3A_1860 = vector.shape_cast %reduce_or3A_1859 : vector<1x128xf32> to vector<1x1x128xf32>
      %reduce_or3A_1861 = arith.constant dense<0xFF800000> : vector<1xf32>
      %reduce_or3A_1862 = vector.multi_reduction <maximumf>, %reduce_or3A_1860, %reduce_or3A_1861 [1, 2] : vector<1x1x128xf32> to vector<1xf32>
      %reduce_or3A_1863 = vector.shape_cast %reduce_or3A_1862 : vector<1xf32> to vector<1x1x1xf32>
      %reduce_or3A_1864 = vector.extract %reduce_or3A_1863[0, 0, 0] : f32 from vector<1x1x1xf32>
      %reduce_or3A_1865 = arith.constant 0.000000e+00 : f32
      %reduce_or3A_1866 = arith.cmpf ogt, %reduce_or3A_1864, %reduce_or3A_1865 : f32
      scf.yield %mul3A_1855, %reduce_or3A_1866 : vector<1x128xf32>, i1
    }
    %swap3A_1056 = arith.constant 0 : index
    %swap3A_1057 = arith.constant 1408 : index
    %swap3A_1058 = vector.load %arg4[%swap3A_1056, %swap3A_1057] : memref<1x2048xf32, #tpu.memory_space<vmem>>, vector<1x128xf32>
    tpu.vector_store %arg4[%swap3A_1056, %swap3A_1057], %while3A_1055#0 {strides = array<i32>} : memref<1x2048xf32, #tpu.memory_space<vmem>>, vector<1x128xf32>,
    %get3A_1059 = arith.constant 0 : index
    %get3A_1060 = arith.constant 1536 : index
    %get3A_1061 = vector.load %arg0[%get3A_1059, %get3A_1060] : memref<4x2048xf32, #tpu.memory_space<vmem>>, vector<1x128xf32>
    %get3A_1062 = arith.constant 1 : index
    %get3A_1063 = arith.constant 1536 : index
    %get3A_1064 = vector.load %arg0[%get3A_1062, %get3A_1063] : memref<4x2048xf32, #tpu.memory_space<vmem>>, vector<1x128xf32>
    %get3A_1065 = arith.constant 2 : index
    %get3A_1066 = arith.constant 1536 : index
    %get3A_1067 = vector.load %arg0[%get3A_1065, %get3A_1066] : memref<4x2048xf32, #tpu.memory_space<vmem>>, vector<1x128xf32>
    %get3A_1068 = arith.constant 3 : index
    %get3A_1069 = arith.constant 1536 : index
    %get3A_1070 = vector.load %arg0[%get3A_1068, %get3A_1069] : memref<4x2048xf32, #tpu.memory_space<vmem>>, vector<1x128xf32>
    %sub3A_1071 = arith.subf %get3A_1067, %get3A_1061 : vector<1x128xf32>
    %sub3A_1072 = arith.subf %get3A_1070, %get3A_1064 : vector<1x128xf32>
    %mul3A_1073 = arith.mulf %sub3A_1071, %sub3A_1072 : vector<1x128xf32>
    %slice3A_1074 = vector.extract_strided_slice %get3A_7 {offsets = [0, 0], sizes = [1664, 1], strides = [1, 1]} : vector<2048x1xf32> to vector<1664x1xf32>
    %min3A_1075 = vector.broadcast %slice3A_1074 : vector<1664x1xf32> to vector<1664x128xf32>
    %min3A_1076 = vector.broadcast %get3A_1067 : vector<1x128xf32> to vector<1664x128xf32>
    %min3A_1077 = arith.minimumf %min3A_1075, %min3A_1076 : vector<1664x128xf32>
    %slice3A_1078 = vector.extract_strided_slice %get3A_1 {offsets = [0, 0], sizes = [1664, 1], strides = [1, 1]} : vector<2048x1xf32> to vector<1664x1xf32>
    %max3A_1079 = vector.broadcast %slice3A_1078 : vector<1664x1xf32> to vector<1664x128xf32>
    %max3A_1080 = vector.broadcast %get3A_1061 : vector<1x128xf32> to vector<1664x128xf32>
    %max3A_1081 = arith.maximumf %max3A_1079, %max3A_1080 : vector<1664x128xf32>
    %sub3A_1082 = arith.subf %min3A_1077, %max3A_1081 : vector<1664x128xf32>
    %max3A_1083 = arith.constant 0.000000e+00 : f32
    %max3A_1084 = vector.broadcast %max3A_1083 : f32 to vector<1664x128xf32>
    %max3A_1085 = arith.maximumf %sub3A_1082, %max3A_1084 : vector<1664x128xf32>
    %slice3A_1086 = vector.extract_strided_slice %get3A_10 {offsets = [0, 0], sizes = [1664, 1], strides = [1, 1]} : vector<2048x1xf32> to vector<1664x1xf32>
    %min3A_1087 = vector.broadcast %slice3A_1086 : vector<1664x1xf32> to vector<1664x128xf32>
    %min3A_1088 = vector.broadcast %get3A_1070 : vector<1x128xf32> to vector<1664x128xf32>
    %min3A_1089 = arith.minimumf %min3A_1087, %min3A_1088 : vector<1664x128xf32>
    %slice3A_1090 = vector.extract_strided_slice %get3A_4 {offsets = [0, 0], sizes = [1664, 1], strides = [1, 1]} : vector<2048x1xf32> to vector<1664x1xf32>
    %max3A_1091 = vector.broadcast %slice3A_1090 : vector<1664x1xf32> to vector<1664x128xf32>
    %max3A_1092 = vector.broadcast %get3A_1064 : vector<1x128xf32> to vector<1664x128xf32>
    %max3A_1093 = arith.maximumf %max3A_1091, %max3A_1092 : vector<1664x128xf32>
    %sub3A_1094 = arith.subf %min3A_1089, %max3A_1093 : vector<1664x128xf32>
    %max3A_1095 = arith.constant 0.000000e+00 : f32
    %max3A_1096 = vector.broadcast %max3A_1095 : f32 to vector<1664x128xf32>
    %max3A_1097 = arith.maximumf %sub3A_1094, %max3A_1096 : vector<1664x128xf32>
    %mul3A_1098 = arith.mulf %max3A_1085, %max3A_1097 : vector<1664x128xf32>
    %slice3A_1099 = vector.extract_strided_slice %mul3A {offsets = [0, 0], sizes = [1664, 1], strides = [1, 1]} : vector<2048x1xf32> to vector<1664x1xf32>
    %add3A_1100 = vector.broadcast %slice3A_1099 : vector<1664x1xf32> to vector<1664x128xf32>
    %add3A_1101 = vector.broadcast %mul3A_1073 : vector<1x128xf32> to vector<1664x128xf32>
    %add3A_1102 = arith.addf %add3A_1100, %add3A_1101 : vector<1664x128xf32>
    %sub3A_1103 = arith.subf %add3A_1102, %mul3A_1098 : vector<1664x128xf32>
    %max3A_1104 = arith.constant 9.99999971E-10 : f32
    %max3A_1105 = vector.broadcast %max3A_1104 : f32 to vector<1664x128xf32>
    %max3A_1106 = arith.maximumf %sub3A_1103, %max3A_1105 : vector<1664x128xf32>
    %div3A_1107 = arith.divf %mul3A_1098, %max3A_1106 : vector<1664x128xf32>
    %iota3A_1108 = tpu.iota {dimensions = array<i32: 0>} : vector<1664x1xi32>
    %iota3A_1109 = tpu.iota {dimensions = array<i32: 1>} : vector<1x128xi32>
    %add3A_1110 = arith.constant 1536 : i32
    %add3A_1111 = vector.broadcast %add3A_1110 : i32 to vector<1x128xi32>
    %add3A_1112 = arith.addi %add3A_1111, %iota3A_1109 : vector<1x128xi32>
    %gt3A_1113 = arith.constant 0.699999988 : f32
    %gt3A_1114 = vector.broadcast %gt3A_1113 : f32 to vector<1664x128xf32>
    %gt3A_1115 = arith.cmpf ogt, %div3A_1107, %gt3A_1114 : vector<1664x128xf32>
    %lt3A_1116 = vector.broadcast %iota3A_1108 : vector<1664x1xi32> to vector<1664x128xi32>
    %lt3A_1117 = vector.broadcast %add3A_1112 : vector<1x128xi32> to vector<1664x128xi32>
    %lt3A_1118 = arith.cmpi slt, %lt3A_1116, %lt3A_1117 : vector<1664x128xi32>
    %and3A_1119 = arith.andi %gt3A_1115, %lt3A_1118 : vector<1664x128xi1>
    %convert_element_type3A_1120 = arith.extui %and3A_1119 : vector<1664x128xi1> to vector<1664x128xi32>
    %convert_element_type3A_1121 = arith.sitofp %convert_element_type3A_1120 : vector<1664x128xi32> to vector<1664x128xf32>
    %convert_element_type3A_1122 = arith.truncf %convert_element_type3A_1121 : vector<1664x128xf32> to vector<1664x128xbf16>
    %swap3A_1123 = arith.constant 0 : index
    %swap3A_1124 = arith.constant 0 : index
    %swap3A_1125 = vector.load %arg3[%swap3A_1123, %swap3A_1124] : memref<2048x128xbf16, #tpu.memory_space<vmem>>, vector<1664x128xbf16>
    tpu.vector_store %arg3[%swap3A_1123, %swap3A_1124], %convert_element_type3A_1122 {strides = array<i32>} : memref<2048x128xbf16, #tpu.memory_space<vmem>>, vector<1664x128xbf16>,
    %get3A_1126 = arith.constant 0 : index
    %get3A_1127 = arith.constant 0 : index
    %get3A_1128 = vector.load %arg4[%get3A_1126, %get3A_1127] : memref<1x2048xf32, #tpu.memory_space<vmem>>, vector<1x1536xf32>
    %convert_element_type3A_1129 = arith.truncf %get3A_1128 : vector<1x1536xf32> to vector<1x1536xbf16>
    %get3A_1130 = arith.constant 0 : index
    %get3A_1131 = arith.constant 0 : index
    %get3A_1132 = vector.load %arg3[%get3A_1130, %get3A_1131] : memref<2048x128xbf16, #tpu.memory_space<vmem>>, vector<1536x128xbf16>
    %dot_general3A_1133 = arith.constant dense<0.000000e+00> : vector<1x128xf32>
    %dot_general3A_1134 = tpu.matmul %convert_element_type3A_1129, %get3A_1132, %dot_general3A_1133 {dimension_numbers = #tpu.dot_dimension_numbers<[1], [0], [0], [1], [0, 0, 1, 1], [], []>, transpose_lhs_hint = false} : vector<1x1536xbf16>, vector<1536x128xbf16>, vector<1x128xf32> -> vector<1x128xf32>
    %le3A_1135 = arith.constant 0.000000e+00 : f32
    %le3A_1136 = vector.broadcast %le3A_1135 : f32 to vector<1x128xf32>
    %le3A_1137 = arith.cmpf ole, %dot_general3A_1134, %le3A_1136 : vector<1x128xf32>
    %convert_element_type3A_1138 = arith.extui %le3A_1137 : vector<1x128xi1> to vector<1x128xi32>
    %convert_element_type3A_1139 = arith.sitofp %convert_element_type3A_1138 : vector<1x128xi32> to vector<1x128xf32>
    %get3A_1140 = arith.constant 1536 : index
    %get3A_1141 = arith.constant 0 : index
    %get3A_1142 = vector.load %arg3[%get3A_1140, %get3A_1141] : memref<2048x128xbf16, #tpu.memory_space<vmem>>, vector<128x128xbf16>
    %while3A_1143 = arith.constant true
    %while3A_1144:2 = scf.while (%while3A_1845 = %convert_element_type3A_1139, %while3A_1846 = %while3A_1143) : (vector<1x128xf32>, i1) -> (vector<1x128xf32>, i1) {
      scf.condition(%while3A_1846) %while3A_1845, %while3A_1846 : vector<1x128xf32>, i1
    } do {
    ^bb0(%while3A_1845: vector<1x128xf32>, %while3A_1846: i1):
      %convert_element_type3A_1847 = arith.truncf %while3A_1845 : vector<1x128xf32> to vector<1x128xbf16>
      %dot_general3A_1848 = arith.constant dense<0.000000e+00> : vector<1x128xf32>
      %dot_general3A_1849 = tpu.matmul %convert_element_type3A_1847, %get3A_1142, %dot_general3A_1848 {dimension_numbers = #tpu.dot_dimension_numbers<[1], [0], [0], [1], [0, 0, 1, 1], [], []>, transpose_lhs_hint = false} : vector<1x128xbf16>, vector<128x128xbf16>, vector<1x128xf32> -> vector<1x128xf32>
      %le3A_1850 = arith.constant 0.000000e+00 : f32
      %le3A_1851 = vector.broadcast %le3A_1850 : f32 to vector<1x128xf32>
      %le3A_1852 = arith.cmpf ole, %dot_general3A_1849, %le3A_1851 : vector<1x128xf32>
      %convert_element_type3A_1853 = arith.extui %le3A_1852 : vector<1x128xi1> to vector<1x128xi32>
      %convert_element_type3A_1854 = arith.sitofp %convert_element_type3A_1853 : vector<1x128xi32> to vector<1x128xf32>
      %mul3A_1855 = arith.mulf %convert_element_type3A_1139, %convert_element_type3A_1854 : vector<1x128xf32>
      %ne3A = arith.cmpf one, %mul3A_1855, %while3A_1845 : vector<1x128xf32>
      %reduce_or3A = arith.constant 1.000000e+00 : f32
      %reduce_or3A_1856 = arith.constant 0.000000e+00 : f32
      %reduce_or3A_1857 = vector.broadcast %reduce_or3A : f32 to vector<1x128xf32>
      %reduce_or3A_1858 = vector.broadcast %reduce_or3A_1856 : f32 to vector<1x128xf32>
      %reduce_or3A_1859 = arith.select %ne3A, %reduce_or3A_1857, %reduce_or3A_1858 : vector<1x128xi1>, vector<1x128xf32>
      %reduce_or3A_1860 = vector.shape_cast %reduce_or3A_1859 : vector<1x128xf32> to vector<1x1x128xf32>
      %reduce_or3A_1861 = arith.constant dense<0xFF800000> : vector<1xf32>
      %reduce_or3A_1862 = vector.multi_reduction <maximumf>, %reduce_or3A_1860, %reduce_or3A_1861 [1, 2] : vector<1x1x128xf32> to vector<1xf32>
      %reduce_or3A_1863 = vector.shape_cast %reduce_or3A_1862 : vector<1xf32> to vector<1x1x1xf32>
      %reduce_or3A_1864 = vector.extract %reduce_or3A_1863[0, 0, 0] : f32 from vector<1x1x1xf32>
      %reduce_or3A_1865 = arith.constant 0.000000e+00 : f32
      %reduce_or3A_1866 = arith.cmpf ogt, %reduce_or3A_1864, %reduce_or3A_1865 : f32
      scf.yield %mul3A_1855, %reduce_or3A_1866 : vector<1x128xf32>, i1
    }
    %swap3A_1145 = arith.constant 0 : index
    %swap3A_1146 = arith.constant 1536 : index
    %swap3A_1147 = vector.load %arg4[%swap3A_1145, %swap3A_1146] : memref<1x2048xf32, #tpu.memory_space<vmem>>, vector<1x128xf32>
    tpu.vector_store %arg4[%swap3A_1145, %swap3A_1146], %while3A_1144#0 {strides = array<i32>} : memref<1x2048xf32, #tpu.memory_space<vmem>>, vector<1x128xf32>,
    %get3A_1148 = arith.constant 0 : index
    %get3A_1149 = arith.constant 1664 : index
    %get3A_1150 = vector.load %arg0[%get3A_1148, %get3A_1149] : memref<4x2048xf32, #tpu.memory_space<vmem>>, vector<1x128xf32>
    %get3A_1151 = arith.constant 1 : index
    %get3A_1152 = arith.constant 1664 : index
    %get3A_1153 = vector.load %arg0[%get3A_1151, %get3A_1152] : memref<4x2048xf32, #tpu.memory_space<vmem>>, vector<1x128xf32>
    %get3A_1154 = arith.constant 2 : index
    %get3A_1155 = arith.constant 1664 : index
    %get3A_1156 = vector.load %arg0[%get3A_1154, %get3A_1155] : memref<4x2048xf32, #tpu.memory_space<vmem>>, vector<1x128xf32>
    %get3A_1157 = arith.constant 3 : index
    %get3A_1158 = arith.constant 1664 : index
    %get3A_1159 = vector.load %arg0[%get3A_1157, %get3A_1158] : memref<4x2048xf32, #tpu.memory_space<vmem>>, vector<1x128xf32>
    %sub3A_1160 = arith.subf %get3A_1156, %get3A_1150 : vector<1x128xf32>
    %sub3A_1161 = arith.subf %get3A_1159, %get3A_1153 : vector<1x128xf32>
    %mul3A_1162 = arith.mulf %sub3A_1160, %sub3A_1161 : vector<1x128xf32>
    %slice3A_1163 = vector.extract_strided_slice %get3A_7 {offsets = [0, 0], sizes = [1792, 1], strides = [1, 1]} : vector<2048x1xf32> to vector<1792x1xf32>
    %min3A_1164 = vector.broadcast %slice3A_1163 : vector<1792x1xf32> to vector<1792x128xf32>
    %min3A_1165 = vector.broadcast %get3A_1156 : vector<1x128xf32> to vector<1792x128xf32>
    %min3A_1166 = arith.minimumf %min3A_1164, %min3A_1165 : vector<1792x128xf32>
    %slice3A_1167 = vector.extract_strided_slice %get3A_1 {offsets = [0, 0], sizes = [1792, 1], strides = [1, 1]} : vector<2048x1xf32> to vector<1792x1xf32>
    %max3A_1168 = vector.broadcast %slice3A_1167 : vector<1792x1xf32> to vector<1792x128xf32>
    %max3A_1169 = vector.broadcast %get3A_1150 : vector<1x128xf32> to vector<1792x128xf32>
    %max3A_1170 = arith.maximumf %max3A_1168, %max3A_1169 : vector<1792x128xf32>
    %sub3A_1171 = arith.subf %min3A_1166, %max3A_1170 : vector<1792x128xf32>
    %max3A_1172 = arith.constant 0.000000e+00 : f32
    %max3A_1173 = vector.broadcast %max3A_1172 : f32 to vector<1792x128xf32>
    %max3A_1174 = arith.maximumf %sub3A_1171, %max3A_1173 : vector<1792x128xf32>
    %slice3A_1175 = vector.extract_strided_slice %get3A_10 {offsets = [0, 0], sizes = [1792, 1], strides = [1, 1]} : vector<2048x1xf32> to vector<1792x1xf32>
    %min3A_1176 = vector.broadcast %slice3A_1175 : vector<1792x1xf32> to vector<1792x128xf32>
    %min3A_1177 = vector.broadcast %get3A_1159 : vector<1x128xf32> to vector<1792x128xf32>
    %min3A_1178 = arith.minimumf %min3A_1176, %min3A_1177 : vector<1792x128xf32>
    %slice3A_1179 = vector.extract_strided_slice %get3A_4 {offsets = [0, 0], sizes = [1792, 1], strides = [1, 1]} : vector<2048x1xf32> to vector<1792x1xf32>
    %max3A_1180 = vector.broadcast %slice3A_1179 : vector<1792x1xf32> to vector<1792x128xf32>
    %max3A_1181 = vector.broadcast %get3A_1153 : vector<1x128xf32> to vector<1792x128xf32>
    %max3A_1182 = arith.maximumf %max3A_1180, %max3A_1181 : vector<1792x128xf32>
    %sub3A_1183 = arith.subf %min3A_1178, %max3A_1182 : vector<1792x128xf32>
    %max3A_1184 = arith.constant 0.000000e+00 : f32
    %max3A_1185 = vector.broadcast %max3A_1184 : f32 to vector<1792x128xf32>
    %max3A_1186 = arith.maximumf %sub3A_1183, %max3A_1185 : vector<1792x128xf32>
    %mul3A_1187 = arith.mulf %max3A_1174, %max3A_1186 : vector<1792x128xf32>
    %slice3A_1188 = vector.extract_strided_slice %mul3A {offsets = [0, 0], sizes = [1792, 1], strides = [1, 1]} : vector<2048x1xf32> to vector<1792x1xf32>
    %add3A_1189 = vector.broadcast %slice3A_1188 : vector<1792x1xf32> to vector<1792x128xf32>
    %add3A_1190 = vector.broadcast %mul3A_1162 : vector<1x128xf32> to vector<1792x128xf32>
    %add3A_1191 = arith.addf %add3A_1189, %add3A_1190 : vector<1792x128xf32>
    %sub3A_1192 = arith.subf %add3A_1191, %mul3A_1187 : vector<1792x128xf32>
    %max3A_1193 = arith.constant 9.99999971E-10 : f32
    %max3A_1194 = vector.broadcast %max3A_1193 : f32 to vector<1792x128xf32>
    %max3A_1195 = arith.maximumf %sub3A_1192, %max3A_1194 : vector<1792x128xf32>
    %div3A_1196 = arith.divf %mul3A_1187, %max3A_1195 : vector<1792x128xf32>
    %iota3A_1197 = tpu.iota {dimensions = array<i32: 0>} : vector<1792x1xi32>
    %iota3A_1198 = tpu.iota {dimensions = array<i32: 1>} : vector<1x128xi32>
    %add3A_1199 = arith.constant 1664 : i32
    %add3A_1200 = vector.broadcast %add3A_1199 : i32 to vector<1x128xi32>
    %add3A_1201 = arith.addi %add3A_1200, %iota3A_1198 : vector<1x128xi32>
    %gt3A_1202 = arith.constant 0.699999988 : f32
    %gt3A_1203 = vector.broadcast %gt3A_1202 : f32 to vector<1792x128xf32>
    %gt3A_1204 = arith.cmpf ogt, %div3A_1196, %gt3A_1203 : vector<1792x128xf32>
    %lt3A_1205 = vector.broadcast %iota3A_1197 : vector<1792x1xi32> to vector<1792x128xi32>
    %lt3A_1206 = vector.broadcast %add3A_1201 : vector<1x128xi32> to vector<1792x128xi32>
    %lt3A_1207 = arith.cmpi slt, %lt3A_1205, %lt3A_1206 : vector<1792x128xi32>
    %and3A_1208 = arith.andi %gt3A_1204, %lt3A_1207 : vector<1792x128xi1>
    %convert_element_type3A_1209 = arith.extui %and3A_1208 : vector<1792x128xi1> to vector<1792x128xi32>
    %convert_element_type3A_1210 = arith.sitofp %convert_element_type3A_1209 : vector<1792x128xi32> to vector<1792x128xf32>
    %convert_element_type3A_1211 = arith.truncf %convert_element_type3A_1210 : vector<1792x128xf32> to vector<1792x128xbf16>
    %swap3A_1212 = arith.constant 0 : index
    %swap3A_1213 = arith.constant 0 : index
    %swap3A_1214 = vector.load %arg3[%swap3A_1212, %swap3A_1213] : memref<2048x128xbf16, #tpu.memory_space<vmem>>, vector<1792x128xbf16>
    tpu.vector_store %arg3[%swap3A_1212, %swap3A_1213], %convert_element_type3A_1211 {strides = array<i32>} : memref<2048x128xbf16, #tpu.memory_space<vmem>>, vector<1792x128xbf16>,
    %get3A_1215 = arith.constant 0 : index
    %get3A_1216 = arith.constant 0 : index
    %get3A_1217 = vector.load %arg4[%get3A_1215, %get3A_1216] : memref<1x2048xf32, #tpu.memory_space<vmem>>, vector<1x1664xf32>
    %convert_element_type3A_1218 = arith.truncf %get3A_1217 : vector<1x1664xf32> to vector<1x1664xbf16>
    %get3A_1219 = arith.constant 0 : index
    %get3A_1220 = arith.constant 0 : index
    %get3A_1221 = vector.load %arg3[%get3A_1219, %get3A_1220] : memref<2048x128xbf16, #tpu.memory_space<vmem>>, vector<1664x128xbf16>
    %dot_general3A_1222 = arith.constant dense<0.000000e+00> : vector<1x128xf32>
    %dot_general3A_1223 = tpu.matmul %convert_element_type3A_1218, %get3A_1221, %dot_general3A_1222 {dimension_numbers = #tpu.dot_dimension_numbers<[1], [0], [0], [1], [0, 0, 1, 1], [], []>, transpose_lhs_hint = false} : vector<1x1664xbf16>, vector<1664x128xbf16>, vector<1x128xf32> -> vector<1x128xf32>
    %le3A_1224 = arith.constant 0.000000e+00 : f32
    %le3A_1225 = vector.broadcast %le3A_1224 : f32 to vector<1x128xf32>
    %le3A_1226 = arith.cmpf ole, %dot_general3A_1223, %le3A_1225 : vector<1x128xf32>
    %convert_element_type3A_1227 = arith.extui %le3A_1226 : vector<1x128xi1> to vector<1x128xi32>
    %convert_element_type3A_1228 = arith.sitofp %convert_element_type3A_1227 : vector<1x128xi32> to vector<1x128xf32>
    %get3A_1229 = arith.constant 1664 : index
    %get3A_1230 = arith.constant 0 : index
    %get3A_1231 = vector.load %arg3[%get3A_1229, %get3A_1230] : memref<2048x128xbf16, #tpu.memory_space<vmem>>, vector<128x128xbf16>
    %while3A_1232 = arith.constant true
    %while3A_1233:2 = scf.while (%while3A_1845 = %convert_element_type3A_1228, %while3A_1846 = %while3A_1232) : (vector<1x128xf32>, i1) -> (vector<1x128xf32>, i1) {
      scf.condition(%while3A_1846) %while3A_1845, %while3A_1846 : vector<1x128xf32>, i1
    } do {
    ^bb0(%while3A_1845: vector<1x128xf32>, %while3A_1846: i1):
      %convert_element_type3A_1847 = arith.truncf %while3A_1845 : vector<1x128xf32> to vector<1x128xbf16>
      %dot_general3A_1848 = arith.constant dense<0.000000e+00> : vector<1x128xf32>
      %dot_general3A_1849 = tpu.matmul %convert_element_type3A_1847, %get3A_1231, %dot_general3A_1848 {dimension_numbers = #tpu.dot_dimension_numbers<[1], [0], [0], [1], [0, 0, 1, 1], [], []>, transpose_lhs_hint = false} : vector<1x128xbf16>, vector<128x128xbf16>, vector<1x128xf32> -> vector<1x128xf32>
      %le3A_1850 = arith.constant 0.000000e+00 : f32
      %le3A_1851 = vector.broadcast %le3A_1850 : f32 to vector<1x128xf32>
      %le3A_1852 = arith.cmpf ole, %dot_general3A_1849, %le3A_1851 : vector<1x128xf32>
      %convert_element_type3A_1853 = arith.extui %le3A_1852 : vector<1x128xi1> to vector<1x128xi32>
      %convert_element_type3A_1854 = arith.sitofp %convert_element_type3A_1853 : vector<1x128xi32> to vector<1x128xf32>
      %mul3A_1855 = arith.mulf %convert_element_type3A_1228, %convert_element_type3A_1854 : vector<1x128xf32>
      %ne3A = arith.cmpf one, %mul3A_1855, %while3A_1845 : vector<1x128xf32>
      %reduce_or3A = arith.constant 1.000000e+00 : f32
      %reduce_or3A_1856 = arith.constant 0.000000e+00 : f32
      %reduce_or3A_1857 = vector.broadcast %reduce_or3A : f32 to vector<1x128xf32>
      %reduce_or3A_1858 = vector.broadcast %reduce_or3A_1856 : f32 to vector<1x128xf32>
      %reduce_or3A_1859 = arith.select %ne3A, %reduce_or3A_1857, %reduce_or3A_1858 : vector<1x128xi1>, vector<1x128xf32>
      %reduce_or3A_1860 = vector.shape_cast %reduce_or3A_1859 : vector<1x128xf32> to vector<1x1x128xf32>
      %reduce_or3A_1861 = arith.constant dense<0xFF800000> : vector<1xf32>
      %reduce_or3A_1862 = vector.multi_reduction <maximumf>, %reduce_or3A_1860, %reduce_or3A_1861 [1, 2] : vector<1x1x128xf32> to vector<1xf32>
      %reduce_or3A_1863 = vector.shape_cast %reduce_or3A_1862 : vector<1xf32> to vector<1x1x1xf32>
      %reduce_or3A_1864 = vector.extract %reduce_or3A_1863[0, 0, 0] : f32 from vector<1x1x1xf32>
      %reduce_or3A_1865 = arith.constant 0.000000e+00 : f32
      %reduce_or3A_1866 = arith.cmpf ogt, %reduce_or3A_1864, %reduce_or3A_1865 : f32
      scf.yield %mul3A_1855, %reduce_or3A_1866 : vector<1x128xf32>, i1
    }
    %swap3A_1234 = arith.constant 0 : index
    %swap3A_1235 = arith.constant 1664 : index
    %swap3A_1236 = vector.load %arg4[%swap3A_1234, %swap3A_1235] : memref<1x2048xf32, #tpu.memory_space<vmem>>, vector<1x128xf32>
    tpu.vector_store %arg4[%swap3A_1234, %swap3A_1235], %while3A_1233#0 {strides = array<i32>} : memref<1x2048xf32, #tpu.memory_space<vmem>>, vector<1x128xf32>,
    %get3A_1237 = arith.constant 0 : index
    %get3A_1238 = arith.constant 1792 : index
    %get3A_1239 = vector.load %arg0[%get3A_1237, %get3A_1238] : memref<4x2048xf32, #tpu.memory_space<vmem>>, vector<1x128xf32>
    %get3A_1240 = arith.constant 1 : index
    %get3A_1241 = arith.constant 1792 : index
    %get3A_1242 = vector.load %arg0[%get3A_1240, %get3A_1241] : memref<4x2048xf32, #tpu.memory_space<vmem>>, vector<1x128xf32>
    %get3A_1243 = arith.constant 2 : index
    %get3A_1244 = arith.constant 1792 : index
    %get3A_1245 = vector.load %arg0[%get3A_1243, %get3A_1244] : memref<4x2048xf32, #tpu.memory_space<vmem>>, vector<1x128xf32>
    %get3A_1246 = arith.constant 3 : index
    %get3A_1247 = arith.constant 1792 : index
    %get3A_1248 = vector.load %arg0[%get3A_1246, %get3A_1247] : memref<4x2048xf32, #tpu.memory_space<vmem>>, vector<1x128xf32>
    %sub3A_1249 = arith.subf %get3A_1245, %get3A_1239 : vector<1x128xf32>
    %sub3A_1250 = arith.subf %get3A_1248, %get3A_1242 : vector<1x128xf32>
    %mul3A_1251 = arith.mulf %sub3A_1249, %sub3A_1250 : vector<1x128xf32>
    %slice3A_1252 = vector.extract_strided_slice %get3A_7 {offsets = [0, 0], sizes = [1920, 1], strides = [1, 1]} : vector<2048x1xf32> to vector<1920x1xf32>
    %min3A_1253 = vector.broadcast %slice3A_1252 : vector<1920x1xf32> to vector<1920x128xf32>
    %min3A_1254 = vector.broadcast %get3A_1245 : vector<1x128xf32> to vector<1920x128xf32>
    %min3A_1255 = arith.minimumf %min3A_1253, %min3A_1254 : vector<1920x128xf32>
    %slice3A_1256 = vector.extract_strided_slice %get3A_1 {offsets = [0, 0], sizes = [1920, 1], strides = [1, 1]} : vector<2048x1xf32> to vector<1920x1xf32>
    %max3A_1257 = vector.broadcast %slice3A_1256 : vector<1920x1xf32> to vector<1920x128xf32>
    %max3A_1258 = vector.broadcast %get3A_1239 : vector<1x128xf32> to vector<1920x128xf32>
    %max3A_1259 = arith.maximumf %max3A_1257, %max3A_1258 : vector<1920x128xf32>
    %sub3A_1260 = arith.subf %min3A_1255, %max3A_1259 : vector<1920x128xf32>
    %max3A_1261 = arith.constant 0.000000e+00 : f32
    %max3A_1262 = vector.broadcast %max3A_1261 : f32 to vector<1920x128xf32>
    %max3A_1263 = arith.maximumf %sub3A_1260, %max3A_1262 : vector<1920x128xf32>
    %slice3A_1264 = vector.extract_strided_slice %get3A_10 {offsets = [0, 0], sizes = [1920, 1], strides = [1, 1]} : vector<2048x1xf32> to vector<1920x1xf32>
    %min3A_1265 = vector.broadcast %slice3A_1264 : vector<1920x1xf32> to vector<1920x128xf32>
    %min3A_1266 = vector.broadcast %get3A_1248 : vector<1x128xf32> to vector<1920x128xf32>
    %min3A_1267 = arith.minimumf %min3A_1265, %min3A_1266 : vector<1920x128xf32>
    %slice3A_1268 = vector.extract_strided_slice %get3A_4 {offsets = [0, 0], sizes = [1920, 1], strides = [1, 1]} : vector<2048x1xf32> to vector<1920x1xf32>
    %max3A_1269 = vector.broadcast %slice3A_1268 : vector<1920x1xf32> to vector<1920x128xf32>
    %max3A_1270 = vector.broadcast %get3A_1242 : vector<1x128xf32> to vector<1920x128xf32>
    %max3A_1271 = arith.maximumf %max3A_1269, %max3A_1270 : vector<1920x128xf32>
    %sub3A_1272 = arith.subf %min3A_1267, %max3A_1271 : vector<1920x128xf32>
    %max3A_1273 = arith.constant 0.000000e+00 : f32
    %max3A_1274 = vector.broadcast %max3A_1273 : f32 to vector<1920x128xf32>
    %max3A_1275 = arith.maximumf %sub3A_1272, %max3A_1274 : vector<1920x128xf32>
    %mul3A_1276 = arith.mulf %max3A_1263, %max3A_1275 : vector<1920x128xf32>
    %slice3A_1277 = vector.extract_strided_slice %mul3A {offsets = [0, 0], sizes = [1920, 1], strides = [1, 1]} : vector<2048x1xf32> to vector<1920x1xf32>
    %add3A_1278 = vector.broadcast %slice3A_1277 : vector<1920x1xf32> to vector<1920x128xf32>
    %add3A_1279 = vector.broadcast %mul3A_1251 : vector<1x128xf32> to vector<1920x128xf32>
    %add3A_1280 = arith.addf %add3A_1278, %add3A_1279 : vector<1920x128xf32>
    %sub3A_1281 = arith.subf %add3A_1280, %mul3A_1276 : vector<1920x128xf32>
    %max3A_1282 = arith.constant 9.99999971E-10 : f32
    %max3A_1283 = vector.broadcast %max3A_1282 : f32 to vector<1920x128xf32>
    %max3A_1284 = arith.maximumf %sub3A_1281, %max3A_1283 : vector<1920x128xf32>
    %div3A_1285 = arith.divf %mul3A_1276, %max3A_1284 : vector<1920x128xf32>
    %iota3A_1286 = tpu.iota {dimensions = array<i32: 0>} : vector<1920x1xi32>
    %iota3A_1287 = tpu.iota {dimensions = array<i32: 1>} : vector<1x128xi32>
    %add3A_1288 = arith.constant 1792 : i32
    %add3A_1289 = vector.broadcast %add3A_1288 : i32 to vector<1x128xi32>
    %add3A_1290 = arith.addi %add3A_1289, %iota3A_1287 : vector<1x128xi32>
    %gt3A_1291 = arith.constant 0.699999988 : f32
    %gt3A_1292 = vector.broadcast %gt3A_1291 : f32 to vector<1920x128xf32>
    %gt3A_1293 = arith.cmpf ogt, %div3A_1285, %gt3A_1292 : vector<1920x128xf32>
    %lt3A_1294 = vector.broadcast %iota3A_1286 : vector<1920x1xi32> to vector<1920x128xi32>
    %lt3A_1295 = vector.broadcast %add3A_1290 : vector<1x128xi32> to vector<1920x128xi32>
    %lt3A_1296 = arith.cmpi slt, %lt3A_1294, %lt3A_1295 : vector<1920x128xi32>
    %and3A_1297 = arith.andi %gt3A_1293, %lt3A_1296 : vector<1920x128xi1>
    %convert_element_type3A_1298 = arith.extui %and3A_1297 : vector<1920x128xi1> to vector<1920x128xi32>
    %convert_element_type3A_1299 = arith.sitofp %convert_element_type3A_1298 : vector<1920x128xi32> to vector<1920x128xf32>
    %convert_element_type3A_1300 = arith.truncf %convert_element_type3A_1299 : vector<1920x128xf32> to vector<1920x128xbf16>
    %swap3A_1301 = arith.constant 0 : index
    %swap3A_1302 = arith.constant 0 : index
    %swap3A_1303 = vector.load %arg3[%swap3A_1301, %swap3A_1302] : memref<2048x128xbf16, #tpu.memory_space<vmem>>, vector<1920x128xbf16>
    tpu.vector_store %arg3[%swap3A_1301, %swap3A_1302], %convert_element_type3A_1300 {strides = array<i32>} : memref<2048x128xbf16, #tpu.memory_space<vmem>>, vector<1920x128xbf16>,
    %get3A_1304 = arith.constant 0 : index
    %get3A_1305 = arith.constant 0 : index
    %get3A_1306 = vector.load %arg4[%get3A_1304, %get3A_1305] : memref<1x2048xf32, #tpu.memory_space<vmem>>, vector<1x1792xf32>
    %convert_element_type3A_1307 = arith.truncf %get3A_1306 : vector<1x1792xf32> to vector<1x1792xbf16>
    %get3A_1308 = arith.constant 0 : index
    %get3A_1309 = arith.constant 0 : index
    %get3A_1310 = vector.load %arg3[%get3A_1308, %get3A_1309] : memref<2048x128xbf16, #tpu.memory_space<vmem>>, vector<1792x128xbf16>
    %dot_general3A_1311 = arith.constant dense<0.000000e+00> : vector<1x128xf32>
    %dot_general3A_1312 = tpu.matmul %convert_element_type3A_1307, %get3A_1310, %dot_general3A_1311 {dimension_numbers = #tpu.dot_dimension_numbers<[1], [0], [0], [1], [0, 0, 1, 1], [], []>, transpose_lhs_hint = false} : vector<1x1792xbf16>, vector<1792x128xbf16>, vector<1x128xf32> -> vector<1x128xf32>
    %le3A_1313 = arith.constant 0.000000e+00 : f32
    %le3A_1314 = vector.broadcast %le3A_1313 : f32 to vector<1x128xf32>
    %le3A_1315 = arith.cmpf ole, %dot_general3A_1312, %le3A_1314 : vector<1x128xf32>
    %convert_element_type3A_1316 = arith.extui %le3A_1315 : vector<1x128xi1> to vector<1x128xi32>
    %convert_element_type3A_1317 = arith.sitofp %convert_element_type3A_1316 : vector<1x128xi32> to vector<1x128xf32>
    %get3A_1318 = arith.constant 1792 : index
    %get3A_1319 = arith.constant 0 : index
    %get3A_1320 = vector.load %arg3[%get3A_1318, %get3A_1319] : memref<2048x128xbf16, #tpu.memory_space<vmem>>, vector<128x128xbf16>
    %while3A_1321 = arith.constant true
    %while3A_1322:2 = scf.while (%while3A_1845 = %convert_element_type3A_1317, %while3A_1846 = %while3A_1321) : (vector<1x128xf32>, i1) -> (vector<1x128xf32>, i1) {
      scf.condition(%while3A_1846) %while3A_1845, %while3A_1846 : vector<1x128xf32>, i1
    } do {
    ^bb0(%while3A_1845: vector<1x128xf32>, %while3A_1846: i1):
      %convert_element_type3A_1847 = arith.truncf %while3A_1845 : vector<1x128xf32> to vector<1x128xbf16>
      %dot_general3A_1848 = arith.constant dense<0.000000e+00> : vector<1x128xf32>
      %dot_general3A_1849 = tpu.matmul %convert_element_type3A_1847, %get3A_1320, %dot_general3A_1848 {dimension_numbers = #tpu.dot_dimension_numbers<[1], [0], [0], [1], [0, 0, 1, 1], [], []>, transpose_lhs_hint = false} : vector<1x128xbf16>, vector<128x128xbf16>, vector<1x128xf32> -> vector<1x128xf32>
      %le3A_1850 = arith.constant 0.000000e+00 : f32
      %le3A_1851 = vector.broadcast %le3A_1850 : f32 to vector<1x128xf32>
      %le3A_1852 = arith.cmpf ole, %dot_general3A_1849, %le3A_1851 : vector<1x128xf32>
      %convert_element_type3A_1853 = arith.extui %le3A_1852 : vector<1x128xi1> to vector<1x128xi32>
      %convert_element_type3A_1854 = arith.sitofp %convert_element_type3A_1853 : vector<1x128xi32> to vector<1x128xf32>
      %mul3A_1855 = arith.mulf %convert_element_type3A_1317, %convert_element_type3A_1854 : vector<1x128xf32>
      %ne3A = arith.cmpf one, %mul3A_1855, %while3A_1845 : vector<1x128xf32>
      %reduce_or3A = arith.constant 1.000000e+00 : f32
      %reduce_or3A_1856 = arith.constant 0.000000e+00 : f32
      %reduce_or3A_1857 = vector.broadcast %reduce_or3A : f32 to vector<1x128xf32>
      %reduce_or3A_1858 = vector.broadcast %reduce_or3A_1856 : f32 to vector<1x128xf32>
      %reduce_or3A_1859 = arith.select %ne3A, %reduce_or3A_1857, %reduce_or3A_1858 : vector<1x128xi1>, vector<1x128xf32>
      %reduce_or3A_1860 = vector.shape_cast %reduce_or3A_1859 : vector<1x128xf32> to vector<1x1x128xf32>
      %reduce_or3A_1861 = arith.constant dense<0xFF800000> : vector<1xf32>
      %reduce_or3A_1862 = vector.multi_reduction <maximumf>, %reduce_or3A_1860, %reduce_or3A_1861 [1, 2] : vector<1x1x128xf32> to vector<1xf32>
      %reduce_or3A_1863 = vector.shape_cast %reduce_or3A_1862 : vector<1xf32> to vector<1x1x1xf32>
      %reduce_or3A_1864 = vector.extract %reduce_or3A_1863[0, 0, 0] : f32 from vector<1x1x1xf32>
      %reduce_or3A_1865 = arith.constant 0.000000e+00 : f32
      %reduce_or3A_1866 = arith.cmpf ogt, %reduce_or3A_1864, %reduce_or3A_1865 : f32
      scf.yield %mul3A_1855, %reduce_or3A_1866 : vector<1x128xf32>, i1
    }
    %swap3A_1323 = arith.constant 0 : index
    %swap3A_1324 = arith.constant 1792 : index
    %swap3A_1325 = vector.load %arg4[%swap3A_1323, %swap3A_1324] : memref<1x2048xf32, #tpu.memory_space<vmem>>, vector<1x128xf32>
    tpu.vector_store %arg4[%swap3A_1323, %swap3A_1324], %while3A_1322#0 {strides = array<i32>} : memref<1x2048xf32, #tpu.memory_space<vmem>>, vector<1x128xf32>,
    %get3A_1326 = arith.constant 0 : index
    %get3A_1327 = arith.constant 1920 : index
    %get3A_1328 = vector.load %arg0[%get3A_1326, %get3A_1327] : memref<4x2048xf32, #tpu.memory_space<vmem>>, vector<1x128xf32>
    %get3A_1329 = arith.constant 1 : index
    %get3A_1330 = arith.constant 1920 : index
    %get3A_1331 = vector.load %arg0[%get3A_1329, %get3A_1330] : memref<4x2048xf32, #tpu.memory_space<vmem>>, vector<1x128xf32>
    %get3A_1332 = arith.constant 2 : index
    %get3A_1333 = arith.constant 1920 : index
    %get3A_1334 = vector.load %arg0[%get3A_1332, %get3A_1333] : memref<4x2048xf32, #tpu.memory_space<vmem>>, vector<1x128xf32>
    %get3A_1335 = arith.constant 3 : index
    %get3A_1336 = arith.constant 1920 : index
    %get3A_1337 = vector.load %arg0[%get3A_1335, %get3A_1336] : memref<4x2048xf32, #tpu.memory_space<vmem>>, vector<1x128xf32>
    %sub3A_1338 = arith.subf %get3A_1334, %get3A_1328 : vector<1x128xf32>
    %sub3A_1339 = arith.subf %get3A_1337, %get3A_1331 : vector<1x128xf32>
    %mul3A_1340 = arith.mulf %sub3A_1338, %sub3A_1339 : vector<1x128xf32>
    %min3A_1341 = vector.broadcast %get3A_7 : vector<2048x1xf32> to vector<2048x128xf32>
    %min3A_1342 = vector.broadcast %get3A_1334 : vector<1x128xf32> to vector<2048x128xf32>
    %min3A_1343 = arith.minimumf %min3A_1341, %min3A_1342 : vector<2048x128xf32>
    %max3A_1344 = vector.broadcast %get3A_1 : vector<2048x1xf32> to vector<2048x128xf32>
    %max3A_1345 = vector.broadcast %get3A_1328 : vector<1x128xf32> to vector<2048x128xf32>
    %max3A_1346 = arith.maximumf %max3A_1344, %max3A_1345 : vector<2048x128xf32>
    %sub3A_1347 = arith.subf %min3A_1343, %max3A_1346 : vector<2048x128xf32>
    %max3A_1348 = arith.constant 0.000000e+00 : f32
    %max3A_1349 = vector.broadcast %max3A_1348 : f32 to vector<2048x128xf32>
    %max3A_1350 = arith.maximumf %sub3A_1347, %max3A_1349 : vector<2048x128xf32>
    %min3A_1351 = vector.broadcast %get3A_10 : vector<2048x1xf32> to vector<2048x128xf32>
    %min3A_1352 = vector.broadcast %get3A_1337 : vector<1x128xf32> to vector<2048x128xf32>
    %min3A_1353 = arith.minimumf %min3A_1351, %min3A_1352 : vector<2048x128xf32>
    %max3A_1354 = vector.broadcast %get3A_4 : vector<2048x1xf32> to vector<2048x128xf32>
    %max3A_1355 = vector.broadcast %get3A_1331 : vector<1x128xf32> to vector<2048x128xf32>
    %max3A_1356 = arith.maximumf %max3A_1354, %max3A_1355 : vector<2048x128xf32>
    %sub3A_1357 = arith.subf %min3A_1353, %max3A_1356 : vector<2048x128xf32>
    %max3A_1358 = arith.constant 0.000000e+00 : f32
    %max3A_1359 = vector.broadcast %max3A_1358 : f32 to vector<2048x128xf32>
    %max3A_1360 = arith.maximumf %sub3A_1357, %max3A_1359 : vector<2048x128xf32>
    %mul3A_1361 = arith.mulf %max3A_1350, %max3A_1360 : vector<2048x128xf32>
    %add3A_1362 = vector.broadcast %mul3A : vector<2048x1xf32> to vector<2048x128xf32>
    %add3A_1363 = vector.broadcast %mul3A_1340 : vector<1x128xf32> to vector<2048x128xf32>
    %add3A_1364 = arith.addf %add3A_1362, %add3A_1363 : vector<2048x128xf32>
    %sub3A_1365 = arith.subf %add3A_1364, %mul3A_1361 : vector<2048x128xf32>
    %max3A_1366 = arith.constant 9.99999971E-10 : f32
    %max3A_1367 = vector.broadcast %max3A_1366 : f32 to vector<2048x128xf32>
    %max3A_1368 = arith.maximumf %sub3A_1365, %max3A_1367 : vector<2048x128xf32>
    %div3A_1369 = arith.divf %mul3A_1361, %max3A_1368 : vector<2048x128xf32>
    %iota3A_1370 = tpu.iota {dimensions = array<i32: 0>} : vector<2048x1xi32>
    %iota3A_1371 = tpu.iota {dimensions = array<i32: 1>} : vector<1x128xi32>
    %add3A_1372 = arith.constant 1920 : i32
    %add3A_1373 = vector.broadcast %add3A_1372 : i32 to vector<1x128xi32>
    %add3A_1374 = arith.addi %add3A_1373, %iota3A_1371 : vector<1x128xi32>
    %gt3A_1375 = arith.constant 0.699999988 : f32
    %gt3A_1376 = vector.broadcast %gt3A_1375 : f32 to vector<2048x128xf32>
    %gt3A_1377 = arith.cmpf ogt, %div3A_1369, %gt3A_1376 : vector<2048x128xf32>
    %lt3A_1378 = vector.broadcast %iota3A_1370 : vector<2048x1xi32> to vector<2048x128xi32>
    %lt3A_1379 = vector.broadcast %add3A_1374 : vector<1x128xi32> to vector<2048x128xi32>
    %lt3A_1380 = arith.cmpi slt, %lt3A_1378, %lt3A_1379 : vector<2048x128xi32>
    %and3A_1381 = arith.andi %gt3A_1377, %lt3A_1380 : vector<2048x128xi1>
    %convert_element_type3A_1382 = arith.extui %and3A_1381 : vector<2048x128xi1> to vector<2048x128xi32>
    %convert_element_type3A_1383 = arith.sitofp %convert_element_type3A_1382 : vector<2048x128xi32> to vector<2048x128xf32>
    %convert_element_type3A_1384 = arith.truncf %convert_element_type3A_1383 : vector<2048x128xf32> to vector<2048x128xbf16>
    %swap3A_1385 = arith.constant 0 : index
    %swap3A_1386 = arith.constant 0 : index
    %swap3A_1387 = vector.load %arg3[%swap3A_1385, %swap3A_1386] : memref<2048x128xbf16, #tpu.memory_space<vmem>>, vector<2048x128xbf16>
    tpu.vector_store %arg3[%swap3A_1385, %swap3A_1386], %convert_element_type3A_1384 {strides = array<i32>} : memref<2048x128xbf16, #tpu.memory_space<vmem>>, vector<2048x128xbf16>,
    %get3A_1388 = arith.constant 0 : index
    %get3A_1389 = arith.constant 0 : index
    %get3A_1390 = vector.load %arg4[%get3A_1388, %get3A_1389] : memref<1x2048xf32, #tpu.memory_space<vmem>>, vector<1x1920xf32>
    %convert_element_type3A_1391 = arith.truncf %get3A_1390 : vector<1x1920xf32> to vector<1x1920xbf16>
    %get3A_1392 = arith.constant 0 : index
    %get3A_1393 = arith.constant 0 : index
    %get3A_1394 = vector.load %arg3[%get3A_1392, %get3A_1393] : memref<2048x128xbf16, #tpu.memory_space<vmem>>, vector<1920x128xbf16>
    %dot_general3A_1395 = arith.constant dense<0.000000e+00> : vector<1x128xf32>
    %dot_general3A_1396 = tpu.matmul %convert_element_type3A_1391, %get3A_1394, %dot_general3A_1395 {dimension_numbers = #tpu.dot_dimension_numbers<[1], [0], [0], [1], [0, 0, 1, 1], [], []>, transpose_lhs_hint = false} : vector<1x1920xbf16>, vector<1920x128xbf16>, vector<1x128xf32> -> vector<1x128xf32>
    %le3A_1397 = arith.constant 0.000000e+00 : f32
    %le3A_1398 = vector.broadcast %le3A_1397 : f32 to vector<1x128xf32>
    %le3A_1399 = arith.cmpf ole, %dot_general3A_1396, %le3A_1398 : vector<1x128xf32>
    %convert_element_type3A_1400 = arith.extui %le3A_1399 : vector<1x128xi1> to vector<1x128xi32>
    %convert_element_type3A_1401 = arith.sitofp %convert_element_type3A_1400 : vector<1x128xi32> to vector<1x128xf32>
    %get3A_1402 = arith.constant 1920 : index
    %get3A_1403 = arith.constant 0 : index
    %get3A_1404 = vector.load %arg3[%get3A_1402, %get3A_1403] : memref<2048x128xbf16, #tpu.memory_space<vmem>>, vector<128x128xbf16>
    %while3A_1405 = arith.constant true
    %while3A_1406:2 = scf.while (%while3A_1845 = %convert_element_type3A_1401, %while3A_1846 = %while3A_1405) : (vector<1x128xf32>, i1) -> (vector<1x128xf32>, i1) {
      scf.condition(%while3A_1846) %while3A_1845, %while3A_1846 : vector<1x128xf32>, i1
    } do {
    ^bb0(%while3A_1845: vector<1x128xf32>, %while3A_1846: i1):
      %convert_element_type3A_1847 = arith.truncf %while3A_1845 : vector<1x128xf32> to vector<1x128xbf16>
      %dot_general3A_1848 = arith.constant dense<0.000000e+00> : vector<1x128xf32>
      %dot_general3A_1849 = tpu.matmul %convert_element_type3A_1847, %get3A_1404, %dot_general3A_1848 {dimension_numbers = #tpu.dot_dimension_numbers<[1], [0], [0], [1], [0, 0, 1, 1], [], []>, transpose_lhs_hint = false} : vector<1x128xbf16>, vector<128x128xbf16>, vector<1x128xf32> -> vector<1x128xf32>
      %le3A_1850 = arith.constant 0.000000e+00 : f32
      %le3A_1851 = vector.broadcast %le3A_1850 : f32 to vector<1x128xf32>
      %le3A_1852 = arith.cmpf ole, %dot_general3A_1849, %le3A_1851 : vector<1x128xf32>
      %convert_element_type3A_1853 = arith.extui %le3A_1852 : vector<1x128xi1> to vector<1x128xi32>
      %convert_element_type3A_1854 = arith.sitofp %convert_element_type3A_1853 : vector<1x128xi32> to vector<1x128xf32>
      %mul3A_1855 = arith.mulf %convert_element_type3A_1401, %convert_element_type3A_1854 : vector<1x128xf32>
      %ne3A = arith.cmpf one, %mul3A_1855, %while3A_1845 : vector<1x128xf32>
      %reduce_or3A = arith.constant 1.000000e+00 : f32
      %reduce_or3A_1856 = arith.constant 0.000000e+00 : f32
      %reduce_or3A_1857 = vector.broadcast %reduce_or3A : f32 to vector<1x128xf32>
      %reduce_or3A_1858 = vector.broadcast %reduce_or3A_1856 : f32 to vector<1x128xf32>
      %reduce_or3A_1859 = arith.select %ne3A, %reduce_or3A_1857, %reduce_or3A_1858 : vector<1x128xi1>, vector<1x128xf32>
      %reduce_or3A_1860 = vector.shape_cast %reduce_or3A_1859 : vector<1x128xf32> to vector<1x1x128xf32>
      %reduce_or3A_1861 = arith.constant dense<0xFF800000> : vector<1xf32>
      %reduce_or3A_1862 = vector.multi_reduction <maximumf>, %reduce_or3A_1860, %reduce_or3A_1861 [1, 2] : vector<1x1x128xf32> to vector<1xf32>
      %reduce_or3A_1863 = vector.shape_cast %reduce_or3A_1862 : vector<1xf32> to vector<1x1x1xf32>
      %reduce_or3A_1864 = vector.extract %reduce_or3A_1863[0, 0, 0] : f32 from vector<1x1x1xf32>
      %reduce_or3A_1865 = arith.constant 0.000000e+00 : f32
      %reduce_or3A_1866 = arith.cmpf ogt, %reduce_or3A_1864, %reduce_or3A_1865 : f32
      scf.yield %mul3A_1855, %reduce_or3A_1866 : vector<1x128xf32>, i1
    }
    %swap3A_1407 = arith.constant 0 : index
    %swap3A_1408 = arith.constant 1920 : index
    %swap3A_1409 = vector.load %arg4[%swap3A_1407, %swap3A_1408] : memref<1x2048xf32, #tpu.memory_space<vmem>>, vector<1x128xf32>
    tpu.vector_store %arg4[%swap3A_1407, %swap3A_1408], %while3A_1406#0 {strides = array<i32>} : memref<1x2048xf32, #tpu.memory_space<vmem>>, vector<1x128xf32>,
    %get3A_1410 = arith.constant 0 : index
    %get3A_1411 = arith.constant 0 : index
    %get3A_1412 = vector.load %arg4[%get3A_1410, %get3A_1411] : memref<1x2048xf32, #tpu.memory_space<vmem>>, vector<1x2048xf32>
    %lt3A_1413 = arith.constant 2000 : i32
    %lt3A_1414 = vector.broadcast %lt3A_1413 : i32 to vector<1x2048xi32>
    %lt3A_1415 = arith.cmpi slt, %iota3A, %lt3A_1414 : vector<1x2048xi32>
    %convert_element_type3A_1416 = arith.extui %lt3A_1415 : vector<1x2048xi1> to vector<1x2048xi32>
    %convert_element_type3A_1417 = arith.sitofp %convert_element_type3A_1416 : vector<1x2048xi32> to vector<1x2048xf32>
    %mul3A_1418 = arith.mulf %get3A_1412, %convert_element_type3A_1417 : vector<1x2048xf32>
    %swap3A_1419 = arith.constant 0 : index
    %swap3A_1420 = arith.constant 0 : index
    %swap3A_1421 = vector.load %arg4[%swap3A_1419, %swap3A_1420] : memref<1x2048xf32, #tpu.memory_space<vmem>>, vector<1x2048xf32>
    tpu.vector_store %arg4[%swap3A_1419, %swap3A_1420], %mul3A_1418 {strides = array<i32>} : memref<1x2048xf32, #tpu.memory_space<vmem>>, vector<1x2048xf32>,
    %iota3A_1422 = tpu.iota {dimensions = array<i32: 0>} : vector<128x128xi32>
    %iota3A_1423 = tpu.iota {dimensions = array<i32: 1>} : vector<128x128xi32>
    %le3A_1424 = arith.cmpi sle, %iota3A_1422, %iota3A_1423 : vector<128x128xi32>
    %convert_element_type3A_1425 = arith.extui %le3A_1424 : vector<128x128xi1> to vector<128x128xi32>
    %convert_element_type3A_1426 = arith.sitofp %convert_element_type3A_1425 : vector<128x128xi32> to vector<128x128xf32>
    %convert_element_type3A_1427 = arith.truncf %convert_element_type3A_1426 : vector<128x128xf32> to vector<128x128xbf16>
    %broadcast_in_dim3A_1428 = arith.constant 0.000000e+00 : f32
    %broadcast_in_dim3A_1429 = vector.broadcast %broadcast_in_dim3A_1428 : f32 to vector<1x1xf32>
    %get3A_1430 = arith.constant 0 : index
    %get3A_1431 = arith.constant 0 : index
    %get3A_1432 = vector.load %arg4[%get3A_1430, %get3A_1431] : memref<1x2048xf32, #tpu.memory_space<vmem>>, vector<1x128xf32>
    %convert_element_type3A_1433 = arith.truncf %get3A_1432 : vector<1x128xf32> to vector<1x128xbf16>
    %dot_general3A_1434 = arith.constant dense<0.000000e+00> : vector<1x128xf32>
    %dot_general3A_1435 = tpu.matmul %convert_element_type3A_1433, %convert_element_type3A_1427, %dot_general3A_1434 {dimension_numbers = #tpu.dot_dimension_numbers<[1], [0], [0], [1], [0, 0, 1, 1], [], []>, transpose_lhs_hint = false} : vector<1x128xbf16>, vector<128x128xbf16>, vector<1x128xf32> -> vector<1x128xf32>
    %add3A_1436 = vector.broadcast %broadcast_in_dim3A_1429 : vector<1x1xf32> to vector<1x128xf32>
    %add3A_1437 = arith.addf %dot_general3A_1435, %add3A_1436 : vector<1x128xf32>
    %swap3A_1438 = arith.constant 0 : index
    %swap3A_1439 = arith.constant 0 : index
    %swap3A_1440 = vector.load %arg5[%swap3A_1438, %swap3A_1439] : memref<1x2048xf32, #tpu.memory_space<vmem>>, vector<1x128xf32>
    tpu.vector_store %arg5[%swap3A_1438, %swap3A_1439], %add3A_1437 {strides = array<i32>} : memref<1x2048xf32, #tpu.memory_space<vmem>>, vector<1x128xf32>,
    %slice3A_1441 = vector.extract_strided_slice %add3A_1437 {offsets = [0, 127], sizes = [1, 1], strides = [1, 1]} : vector<1x128xf32> to vector<1x1xf32>
    %get3A_1442 = arith.constant 0 : index
    %get3A_1443 = arith.constant 128 : index
    %get3A_1444 = vector.load %arg4[%get3A_1442, %get3A_1443] : memref<1x2048xf32, #tpu.memory_space<vmem>>, vector<1x128xf32>
    %convert_element_type3A_1445 = arith.truncf %get3A_1444 : vector<1x128xf32> to vector<1x128xbf16>
    %dot_general3A_1446 = arith.constant dense<0.000000e+00> : vector<1x128xf32>
    %dot_general3A_1447 = tpu.matmul %convert_element_type3A_1445, %convert_element_type3A_1427, %dot_general3A_1446 {dimension_numbers = #tpu.dot_dimension_numbers<[1], [0], [0], [1], [0, 0, 1, 1], [], []>, transpose_lhs_hint = false} : vector<1x128xbf16>, vector<128x128xbf16>, vector<1x128xf32> -> vector<1x128xf32>
    %add3A_1448 = vector.broadcast %slice3A_1441 : vector<1x1xf32> to vector<1x128xf32>
    %add3A_1449 = arith.addf %dot_general3A_1447, %add3A_1448 : vector<1x128xf32>
    %swap3A_1450 = arith.constant 0 : index
    %swap3A_1451 = arith.constant 128 : index
    %swap3A_1452 = vector.load %arg5[%swap3A_1450, %swap3A_1451] : memref<1x2048xf32, #tpu.memory_space<vmem>>, vector<1x128xf32>
    tpu.vector_store %arg5[%swap3A_1450, %swap3A_1451], %add3A_1449 {strides = array<i32>} : memref<1x2048xf32, #tpu.memory_space<vmem>>, vector<1x128xf32>,
    %slice3A_1453 = vector.extract_strided_slice %add3A_1449 {offsets = [0, 127], sizes = [1, 1], strides = [1, 1]} : vector<1x128xf32> to vector<1x1xf32>
    %get3A_1454 = arith.constant 0 : index
    %get3A_1455 = arith.constant 256 : index
    %get3A_1456 = vector.load %arg4[%get3A_1454, %get3A_1455] : memref<1x2048xf32, #tpu.memory_space<vmem>>, vector<1x128xf32>
    %convert_element_type3A_1457 = arith.truncf %get3A_1456 : vector<1x128xf32> to vector<1x128xbf16>
    %dot_general3A_1458 = arith.constant dense<0.000000e+00> : vector<1x128xf32>
    %dot_general3A_1459 = tpu.matmul %convert_element_type3A_1457, %convert_element_type3A_1427, %dot_general3A_1458 {dimension_numbers = #tpu.dot_dimension_numbers<[1], [0], [0], [1], [0, 0, 1, 1], [], []>, transpose_lhs_hint = false} : vector<1x128xbf16>, vector<128x128xbf16>, vector<1x128xf32> -> vector<1x128xf32>
    %add3A_1460 = vector.broadcast %slice3A_1453 : vector<1x1xf32> to vector<1x128xf32>
    %add3A_1461 = arith.addf %dot_general3A_1459, %add3A_1460 : vector<1x128xf32>
    %swap3A_1462 = arith.constant 0 : index
    %swap3A_1463 = arith.constant 256 : index
    %swap3A_1464 = vector.load %arg5[%swap3A_1462, %swap3A_1463] : memref<1x2048xf32, #tpu.memory_space<vmem>>, vector<1x128xf32>
    tpu.vector_store %arg5[%swap3A_1462, %swap3A_1463], %add3A_1461 {strides = array<i32>} : memref<1x2048xf32, #tpu.memory_space<vmem>>, vector<1x128xf32>,
    %slice3A_1465 = vector.extract_strided_slice %add3A_1461 {offsets = [0, 127], sizes = [1, 1], strides = [1, 1]} : vector<1x128xf32> to vector<1x1xf32>
    %get3A_1466 = arith.constant 0 : index
    %get3A_1467 = arith.constant 384 : index
    %get3A_1468 = vector.load %arg4[%get3A_1466, %get3A_1467] : memref<1x2048xf32, #tpu.memory_space<vmem>>, vector<1x128xf32>
    %convert_element_type3A_1469 = arith.truncf %get3A_1468 : vector<1x128xf32> to vector<1x128xbf16>
    %dot_general3A_1470 = arith.constant dense<0.000000e+00> : vector<1x128xf32>
    %dot_general3A_1471 = tpu.matmul %convert_element_type3A_1469, %convert_element_type3A_1427, %dot_general3A_1470 {dimension_numbers = #tpu.dot_dimension_numbers<[1], [0], [0], [1], [0, 0, 1, 1], [], []>, transpose_lhs_hint = false} : vector<1x128xbf16>, vector<128x128xbf16>, vector<1x128xf32> -> vector<1x128xf32>
    %add3A_1472 = vector.broadcast %slice3A_1465 : vector<1x1xf32> to vector<1x128xf32>
    %add3A_1473 = arith.addf %dot_general3A_1471, %add3A_1472 : vector<1x128xf32>
    %swap3A_1474 = arith.constant 0 : index
    %swap3A_1475 = arith.constant 384 : index
    %swap3A_1476 = vector.load %arg5[%swap3A_1474, %swap3A_1475] : memref<1x2048xf32, #tpu.memory_space<vmem>>, vector<1x128xf32>
    tpu.vector_store %arg5[%swap3A_1474, %swap3A_1475], %add3A_1473 {strides = array<i32>} : memref<1x2048xf32, #tpu.memory_space<vmem>>, vector<1x128xf32>,
    %slice3A_1477 = vector.extract_strided_slice %add3A_1473 {offsets = [0, 127], sizes = [1, 1], strides = [1, 1]} : vector<1x128xf32> to vector<1x1xf32>
    %get3A_1478 = arith.constant 0 : index
    %get3A_1479 = arith.constant 512 : index
    %get3A_1480 = vector.load %arg4[%get3A_1478, %get3A_1479] : memref<1x2048xf32, #tpu.memory_space<vmem>>, vector<1x128xf32>
    %convert_element_type3A_1481 = arith.truncf %get3A_1480 : vector<1x128xf32> to vector<1x128xbf16>
    %dot_general3A_1482 = arith.constant dense<0.000000e+00> : vector<1x128xf32>
    %dot_general3A_1483 = tpu.matmul %convert_element_type3A_1481, %convert_element_type3A_1427, %dot_general3A_1482 {dimension_numbers = #tpu.dot_dimension_numbers<[1], [0], [0], [1], [0, 0, 1, 1], [], []>, transpose_lhs_hint = false} : vector<1x128xbf16>, vector<128x128xbf16>, vector<1x128xf32> -> vector<1x128xf32>
    %add3A_1484 = vector.broadcast %slice3A_1477 : vector<1x1xf32> to vector<1x128xf32>
    %add3A_1485 = arith.addf %dot_general3A_1483, %add3A_1484 : vector<1x128xf32>
    %swap3A_1486 = arith.constant 0 : index
    %swap3A_1487 = arith.constant 512 : index
    %swap3A_1488 = vector.load %arg5[%swap3A_1486, %swap3A_1487] : memref<1x2048xf32, #tpu.memory_space<vmem>>, vector<1x128xf32>
    tpu.vector_store %arg5[%swap3A_1486, %swap3A_1487], %add3A_1485 {strides = array<i32>} : memref<1x2048xf32, #tpu.memory_space<vmem>>, vector<1x128xf32>,
    %slice3A_1489 = vector.extract_strided_slice %add3A_1485 {offsets = [0, 127], sizes = [1, 1], strides = [1, 1]} : vector<1x128xf32> to vector<1x1xf32>
    %get3A_1490 = arith.constant 0 : index
    %get3A_1491 = arith.constant 640 : index
    %get3A_1492 = vector.load %arg4[%get3A_1490, %get3A_1491] : memref<1x2048xf32, #tpu.memory_space<vmem>>, vector<1x128xf32>
    %convert_element_type3A_1493 = arith.truncf %get3A_1492 : vector<1x128xf32> to vector<1x128xbf16>
    %dot_general3A_1494 = arith.constant dense<0.000000e+00> : vector<1x128xf32>
    %dot_general3A_1495 = tpu.matmul %convert_element_type3A_1493, %convert_element_type3A_1427, %dot_general3A_1494 {dimension_numbers = #tpu.dot_dimension_numbers<[1], [0], [0], [1], [0, 0, 1, 1], [], []>, transpose_lhs_hint = false} : vector<1x128xbf16>, vector<128x128xbf16>, vector<1x128xf32> -> vector<1x128xf32>
    %add3A_1496 = vector.broadcast %slice3A_1489 : vector<1x1xf32> to vector<1x128xf32>
    %add3A_1497 = arith.addf %dot_general3A_1495, %add3A_1496 : vector<1x128xf32>
    %swap3A_1498 = arith.constant 0 : index
    %swap3A_1499 = arith.constant 640 : index
    %swap3A_1500 = vector.load %arg5[%swap3A_1498, %swap3A_1499] : memref<1x2048xf32, #tpu.memory_space<vmem>>, vector<1x128xf32>
    tpu.vector_store %arg5[%swap3A_1498, %swap3A_1499], %add3A_1497 {strides = array<i32>} : memref<1x2048xf32, #tpu.memory_space<vmem>>, vector<1x128xf32>,
    %slice3A_1501 = vector.extract_strided_slice %add3A_1497 {offsets = [0, 127], sizes = [1, 1], strides = [1, 1]} : vector<1x128xf32> to vector<1x1xf32>
    %get3A_1502 = arith.constant 0 : index
    %get3A_1503 = arith.constant 768 : index
    %get3A_1504 = vector.load %arg4[%get3A_1502, %get3A_1503] : memref<1x2048xf32, #tpu.memory_space<vmem>>, vector<1x128xf32>
    %convert_element_type3A_1505 = arith.truncf %get3A_1504 : vector<1x128xf32> to vector<1x128xbf16>
    %dot_general3A_1506 = arith.constant dense<0.000000e+00> : vector<1x128xf32>
    %dot_general3A_1507 = tpu.matmul %convert_element_type3A_1505, %convert_element_type3A_1427, %dot_general3A_1506 {dimension_numbers = #tpu.dot_dimension_numbers<[1], [0], [0], [1], [0, 0, 1, 1], [], []>, transpose_lhs_hint = false} : vector<1x128xbf16>, vector<128x128xbf16>, vector<1x128xf32> -> vector<1x128xf32>
    %add3A_1508 = vector.broadcast %slice3A_1501 : vector<1x1xf32> to vector<1x128xf32>
    %add3A_1509 = arith.addf %dot_general3A_1507, %add3A_1508 : vector<1x128xf32>
    %swap3A_1510 = arith.constant 0 : index
    %swap3A_1511 = arith.constant 768 : index
    %swap3A_1512 = vector.load %arg5[%swap3A_1510, %swap3A_1511] : memref<1x2048xf32, #tpu.memory_space<vmem>>, vector<1x128xf32>
    tpu.vector_store %arg5[%swap3A_1510, %swap3A_1511], %add3A_1509 {strides = array<i32>} : memref<1x2048xf32, #tpu.memory_space<vmem>>, vector<1x128xf32>,
    %slice3A_1513 = vector.extract_strided_slice %add3A_1509 {offsets = [0, 127], sizes = [1, 1], strides = [1, 1]} : vector<1x128xf32> to vector<1x1xf32>
    %get3A_1514 = arith.constant 0 : index
    %get3A_1515 = arith.constant 896 : index
    %get3A_1516 = vector.load %arg4[%get3A_1514, %get3A_1515] : memref<1x2048xf32, #tpu.memory_space<vmem>>, vector<1x128xf32>
    %convert_element_type3A_1517 = arith.truncf %get3A_1516 : vector<1x128xf32> to vector<1x128xbf16>
    %dot_general3A_1518 = arith.constant dense<0.000000e+00> : vector<1x128xf32>
    %dot_general3A_1519 = tpu.matmul %convert_element_type3A_1517, %convert_element_type3A_1427, %dot_general3A_1518 {dimension_numbers = #tpu.dot_dimension_numbers<[1], [0], [0], [1], [0, 0, 1, 1], [], []>, transpose_lhs_hint = false} : vector<1x128xbf16>, vector<128x128xbf16>, vector<1x128xf32> -> vector<1x128xf32>
    %add3A_1520 = vector.broadcast %slice3A_1513 : vector<1x1xf32> to vector<1x128xf32>
    %add3A_1521 = arith.addf %dot_general3A_1519, %add3A_1520 : vector<1x128xf32>
    %swap3A_1522 = arith.constant 0 : index
    %swap3A_1523 = arith.constant 896 : index
    %swap3A_1524 = vector.load %arg5[%swap3A_1522, %swap3A_1523] : memref<1x2048xf32, #tpu.memory_space<vmem>>, vector<1x128xf32>
    tpu.vector_store %arg5[%swap3A_1522, %swap3A_1523], %add3A_1521 {strides = array<i32>} : memref<1x2048xf32, #tpu.memory_space<vmem>>, vector<1x128xf32>,
    %slice3A_1525 = vector.extract_strided_slice %add3A_1521 {offsets = [0, 127], sizes = [1, 1], strides = [1, 1]} : vector<1x128xf32> to vector<1x1xf32>
    %get3A_1526 = arith.constant 0 : index
    %get3A_1527 = arith.constant 1024 : index
    %get3A_1528 = vector.load %arg4[%get3A_1526, %get3A_1527] : memref<1x2048xf32, #tpu.memory_space<vmem>>, vector<1x128xf32>
    %convert_element_type3A_1529 = arith.truncf %get3A_1528 : vector<1x128xf32> to vector<1x128xbf16>
    %dot_general3A_1530 = arith.constant dense<0.000000e+00> : vector<1x128xf32>
    %dot_general3A_1531 = tpu.matmul %convert_element_type3A_1529, %convert_element_type3A_1427, %dot_general3A_1530 {dimension_numbers = #tpu.dot_dimension_numbers<[1], [0], [0], [1], [0, 0, 1, 1], [], []>, transpose_lhs_hint = false} : vector<1x128xbf16>, vector<128x128xbf16>, vector<1x128xf32> -> vector<1x128xf32>
    %add3A_1532 = vector.broadcast %slice3A_1525 : vector<1x1xf32> to vector<1x128xf32>
    %add3A_1533 = arith.addf %dot_general3A_1531, %add3A_1532 : vector<1x128xf32>
    %swap3A_1534 = arith.constant 0 : index
    %swap3A_1535 = arith.constant 1024 : index
    %swap3A_1536 = vector.load %arg5[%swap3A_1534, %swap3A_1535] : memref<1x2048xf32, #tpu.memory_space<vmem>>, vector<1x128xf32>
    tpu.vector_store %arg5[%swap3A_1534, %swap3A_1535], %add3A_1533 {strides = array<i32>} : memref<1x2048xf32, #tpu.memory_space<vmem>>, vector<1x128xf32>,
    %slice3A_1537 = vector.extract_strided_slice %add3A_1533 {offsets = [0, 127], sizes = [1, 1], strides = [1, 1]} : vector<1x128xf32> to vector<1x1xf32>
    %get3A_1538 = arith.constant 0 : index
    %get3A_1539 = arith.constant 1152 : index
    %get3A_1540 = vector.load %arg4[%get3A_1538, %get3A_1539] : memref<1x2048xf32, #tpu.memory_space<vmem>>, vector<1x128xf32>
    %convert_element_type3A_1541 = arith.truncf %get3A_1540 : vector<1x128xf32> to vector<1x128xbf16>
    %dot_general3A_1542 = arith.constant dense<0.000000e+00> : vector<1x128xf32>
    %dot_general3A_1543 = tpu.matmul %convert_element_type3A_1541, %convert_element_type3A_1427, %dot_general3A_1542 {dimension_numbers = #tpu.dot_dimension_numbers<[1], [0], [0], [1], [0, 0, 1, 1], [], []>, transpose_lhs_hint = false} : vector<1x128xbf16>, vector<128x128xbf16>, vector<1x128xf32> -> vector<1x128xf32>
    %add3A_1544 = vector.broadcast %slice3A_1537 : vector<1x1xf32> to vector<1x128xf32>
    %add3A_1545 = arith.addf %dot_general3A_1543, %add3A_1544 : vector<1x128xf32>
    %swap3A_1546 = arith.constant 0 : index
    %swap3A_1547 = arith.constant 1152 : index
    %swap3A_1548 = vector.load %arg5[%swap3A_1546, %swap3A_1547] : memref<1x2048xf32, #tpu.memory_space<vmem>>, vector<1x128xf32>
    tpu.vector_store %arg5[%swap3A_1546, %swap3A_1547], %add3A_1545 {strides = array<i32>} : memref<1x2048xf32, #tpu.memory_space<vmem>>, vector<1x128xf32>,
    %slice3A_1549 = vector.extract_strided_slice %add3A_1545 {offsets = [0, 127], sizes = [1, 1], strides = [1, 1]} : vector<1x128xf32> to vector<1x1xf32>
    %get3A_1550 = arith.constant 0 : index
    %get3A_1551 = arith.constant 1280 : index
    %get3A_1552 = vector.load %arg4[%get3A_1550, %get3A_1551] : memref<1x2048xf32, #tpu.memory_space<vmem>>, vector<1x128xf32>
    %convert_element_type3A_1553 = arith.truncf %get3A_1552 : vector<1x128xf32> to vector<1x128xbf16>
    %dot_general3A_1554 = arith.constant dense<0.000000e+00> : vector<1x128xf32>
    %dot_general3A_1555 = tpu.matmul %convert_element_type3A_1553, %convert_element_type3A_1427, %dot_general3A_1554 {dimension_numbers = #tpu.dot_dimension_numbers<[1], [0], [0], [1], [0, 0, 1, 1], [], []>, transpose_lhs_hint = false} : vector<1x128xbf16>, vector<128x128xbf16>, vector<1x128xf32> -> vector<1x128xf32>
    %add3A_1556 = vector.broadcast %slice3A_1549 : vector<1x1xf32> to vector<1x128xf32>
    %add3A_1557 = arith.addf %dot_general3A_1555, %add3A_1556 : vector<1x128xf32>
    %swap3A_1558 = arith.constant 0 : index
    %swap3A_1559 = arith.constant 1280 : index
    %swap3A_1560 = vector.load %arg5[%swap3A_1558, %swap3A_1559] : memref<1x2048xf32, #tpu.memory_space<vmem>>, vector<1x128xf32>
    tpu.vector_store %arg5[%swap3A_1558, %swap3A_1559], %add3A_1557 {strides = array<i32>} : memref<1x2048xf32, #tpu.memory_space<vmem>>, vector<1x128xf32>,
    %slice3A_1561 = vector.extract_strided_slice %add3A_1557 {offsets = [0, 127], sizes = [1, 1], strides = [1, 1]} : vector<1x128xf32> to vector<1x1xf32>
    %get3A_1562 = arith.constant 0 : index
    %get3A_1563 = arith.constant 1408 : index
    %get3A_1564 = vector.load %arg4[%get3A_1562, %get3A_1563] : memref<1x2048xf32, #tpu.memory_space<vmem>>, vector<1x128xf32>
    %convert_element_type3A_1565 = arith.truncf %get3A_1564 : vector<1x128xf32> to vector<1x128xbf16>
    %dot_general3A_1566 = arith.constant dense<0.000000e+00> : vector<1x128xf32>
    %dot_general3A_1567 = tpu.matmul %convert_element_type3A_1565, %convert_element_type3A_1427, %dot_general3A_1566 {dimension_numbers = #tpu.dot_dimension_numbers<[1], [0], [0], [1], [0, 0, 1, 1], [], []>, transpose_lhs_hint = false} : vector<1x128xbf16>, vector<128x128xbf16>, vector<1x128xf32> -> vector<1x128xf32>
    %add3A_1568 = vector.broadcast %slice3A_1561 : vector<1x1xf32> to vector<1x128xf32>
    %add3A_1569 = arith.addf %dot_general3A_1567, %add3A_1568 : vector<1x128xf32>
    %swap3A_1570 = arith.constant 0 : index
    %swap3A_1571 = arith.constant 1408 : index
    %swap3A_1572 = vector.load %arg5[%swap3A_1570, %swap3A_1571] : memref<1x2048xf32, #tpu.memory_space<vmem>>, vector<1x128xf32>
    tpu.vector_store %arg5[%swap3A_1570, %swap3A_1571], %add3A_1569 {strides = array<i32>} : memref<1x2048xf32, #tpu.memory_space<vmem>>, vector<1x128xf32>,
    %slice3A_1573 = vector.extract_strided_slice %add3A_1569 {offsets = [0, 127], sizes = [1, 1], strides = [1, 1]} : vector<1x128xf32> to vector<1x1xf32>
    %get3A_1574 = arith.constant 0 : index
    %get3A_1575 = arith.constant 1536 : index
    %get3A_1576 = vector.load %arg4[%get3A_1574, %get3A_1575] : memref<1x2048xf32, #tpu.memory_space<vmem>>, vector<1x128xf32>
    %convert_element_type3A_1577 = arith.truncf %get3A_1576 : vector<1x128xf32> to vector<1x128xbf16>
    %dot_general3A_1578 = arith.constant dense<0.000000e+00> : vector<1x128xf32>
    %dot_general3A_1579 = tpu.matmul %convert_element_type3A_1577, %convert_element_type3A_1427, %dot_general3A_1578 {dimension_numbers = #tpu.dot_dimension_numbers<[1], [0], [0], [1], [0, 0, 1, 1], [], []>, transpose_lhs_hint = false} : vector<1x128xbf16>, vector<128x128xbf16>, vector<1x128xf32> -> vector<1x128xf32>
    %add3A_1580 = vector.broadcast %slice3A_1573 : vector<1x1xf32> to vector<1x128xf32>
    %add3A_1581 = arith.addf %dot_general3A_1579, %add3A_1580 : vector<1x128xf32>
    %swap3A_1582 = arith.constant 0 : index
    %swap3A_1583 = arith.constant 1536 : index
    %swap3A_1584 = vector.load %arg5[%swap3A_1582, %swap3A_1583] : memref<1x2048xf32, #tpu.memory_space<vmem>>, vector<1x128xf32>
    tpu.vector_store %arg5[%swap3A_1582, %swap3A_1583], %add3A_1581 {strides = array<i32>} : memref<1x2048xf32, #tpu.memory_space<vmem>>, vector<1x128xf32>,
    %slice3A_1585 = vector.extract_strided_slice %add3A_1581 {offsets = [0, 127], sizes = [1, 1], strides = [1, 1]} : vector<1x128xf32> to vector<1x1xf32>
    %get3A_1586 = arith.constant 0 : index
    %get3A_1587 = arith.constant 1664 : index
    %get3A_1588 = vector.load %arg4[%get3A_1586, %get3A_1587] : memref<1x2048xf32, #tpu.memory_space<vmem>>, vector<1x128xf32>
    %convert_element_type3A_1589 = arith.truncf %get3A_1588 : vector<1x128xf32> to vector<1x128xbf16>
    %dot_general3A_1590 = arith.constant dense<0.000000e+00> : vector<1x128xf32>
    %dot_general3A_1591 = tpu.matmul %convert_element_type3A_1589, %convert_element_type3A_1427, %dot_general3A_1590 {dimension_numbers = #tpu.dot_dimension_numbers<[1], [0], [0], [1], [0, 0, 1, 1], [], []>, transpose_lhs_hint = false} : vector<1x128xbf16>, vector<128x128xbf16>, vector<1x128xf32> -> vector<1x128xf32>
    %add3A_1592 = vector.broadcast %slice3A_1585 : vector<1x1xf32> to vector<1x128xf32>
    %add3A_1593 = arith.addf %dot_general3A_1591, %add3A_1592 : vector<1x128xf32>
    %swap3A_1594 = arith.constant 0 : index
    %swap3A_1595 = arith.constant 1664 : index
    %swap3A_1596 = vector.load %arg5[%swap3A_1594, %swap3A_1595] : memref<1x2048xf32, #tpu.memory_space<vmem>>, vector<1x128xf32>
    tpu.vector_store %arg5[%swap3A_1594, %swap3A_1595], %add3A_1593 {strides = array<i32>} : memref<1x2048xf32, #tpu.memory_space<vmem>>, vector<1x128xf32>,
    %slice3A_1597 = vector.extract_strided_slice %add3A_1593 {offsets = [0, 127], sizes = [1, 1], strides = [1, 1]} : vector<1x128xf32> to vector<1x1xf32>
    %get3A_1598 = arith.constant 0 : index
    %get3A_1599 = arith.constant 1792 : index
    %get3A_1600 = vector.load %arg4[%get3A_1598, %get3A_1599] : memref<1x2048xf32, #tpu.memory_space<vmem>>, vector<1x128xf32>
    %convert_element_type3A_1601 = arith.truncf %get3A_1600 : vector<1x128xf32> to vector<1x128xbf16>
    %dot_general3A_1602 = arith.constant dense<0.000000e+00> : vector<1x128xf32>
    %dot_general3A_1603 = tpu.matmul %convert_element_type3A_1601, %convert_element_type3A_1427, %dot_general3A_1602 {dimension_numbers = #tpu.dot_dimension_numbers<[1], [0], [0], [1], [0, 0, 1, 1], [], []>, transpose_lhs_hint = false} : vector<1x128xbf16>, vector<128x128xbf16>, vector<1x128xf32> -> vector<1x128xf32>
    %add3A_1604 = vector.broadcast %slice3A_1597 : vector<1x1xf32> to vector<1x128xf32>
    %add3A_1605 = arith.addf %dot_general3A_1603, %add3A_1604 : vector<1x128xf32>
    %swap3A_1606 = arith.constant 0 : index
    %swap3A_1607 = arith.constant 1792 : index
    %swap3A_1608 = vector.load %arg5[%swap3A_1606, %swap3A_1607] : memref<1x2048xf32, #tpu.memory_space<vmem>>, vector<1x128xf32>
    tpu.vector_store %arg5[%swap3A_1606, %swap3A_1607], %add3A_1605 {strides = array<i32>} : memref<1x2048xf32, #tpu.memory_space<vmem>>, vector<1x128xf32>,
    %slice3A_1609 = vector.extract_strided_slice %add3A_1605 {offsets = [0, 127], sizes = [1, 1], strides = [1, 1]} : vector<1x128xf32> to vector<1x1xf32>
    %get3A_1610 = arith.constant 0 : index
    %get3A_1611 = arith.constant 1920 : index
    %get3A_1612 = vector.load %arg4[%get3A_1610, %get3A_1611] : memref<1x2048xf32, #tpu.memory_space<vmem>>, vector<1x128xf32>
    %convert_element_type3A_1613 = arith.truncf %get3A_1612 : vector<1x128xf32> to vector<1x128xbf16>
    %dot_general3A_1614 = arith.constant dense<0.000000e+00> : vector<1x128xf32>
    %dot_general3A_1615 = tpu.matmul %convert_element_type3A_1613, %convert_element_type3A_1427, %dot_general3A_1614 {dimension_numbers = #tpu.dot_dimension_numbers<[1], [0], [0], [1], [0, 0, 1, 1], [], []>, transpose_lhs_hint = false} : vector<1x128xbf16>, vector<128x128xbf16>, vector<1x128xf32> -> vector<1x128xf32>
    %add3A_1616 = vector.broadcast %slice3A_1609 : vector<1x1xf32> to vector<1x128xf32>
    %add3A_1617 = arith.addf %dot_general3A_1615, %add3A_1616 : vector<1x128xf32>
    %swap3A_1618 = arith.constant 0 : index
    %swap3A_1619 = arith.constant 1920 : index
    %swap3A_1620 = vector.load %arg5[%swap3A_1618, %swap3A_1619] : memref<1x2048xf32, #tpu.memory_space<vmem>>, vector<1x128xf32>
    tpu.vector_store %arg5[%swap3A_1618, %swap3A_1619], %add3A_1617 {strides = array<i32>} : memref<1x2048xf32, #tpu.memory_space<vmem>>, vector<1x128xf32>,
    %get3A_1621 = arith.constant 0 : index
    %get3A_1622 = arith.constant 0 : index
    %get3A_1623 = vector.load %arg5[%get3A_1621, %get3A_1622] : memref<1x2048xf32, #tpu.memory_space<vmem>>, vector<1x2048xf32>
    %get3A_1624 = arith.constant 0 : index
    %get3A_1625 = arith.constant 2047 : index
    %get3A_1626 = vector.load %arg5[%get3A_1624, %get3A_1625] : memref<1x2048xf32, #tpu.memory_space<vmem>>, vector<1x1xf32>
    %add3A_1627 = arith.constant 1 : i32
    %add3A_1628 = vector.broadcast %add3A_1627 : i32 to vector<1x2048xi32>
    %add3A_1629 = arith.addi %iota3A, %add3A_1628 : vector<1x2048xi32>
    %convert_element_type3A_1630 = arith.sitofp %add3A_1629 : vector<1x2048xi32> to vector<1x2048xf32>
    %sub3A_1631 = arith.subf %convert_element_type3A_1630, %get3A_1623 : vector<1x2048xf32>
    %gt3A_1632 = arith.constant 0.000000e+00 : f32
    %gt3A_1633 = vector.broadcast %gt3A_1632 : f32 to vector<1x2048xf32>
    %gt3A_1634 = arith.cmpf ogt, %mul3A_1418, %gt3A_1633 : vector<1x2048xf32>
    %sub3A_1635 = arith.constant 1.000000e+00 : f32
    %sub3A_1636 = vector.broadcast %sub3A_1635 : f32 to vector<1x2048xf32>
    %sub3A_1637 = arith.subf %get3A_1623, %sub3A_1636 : vector<1x2048xf32>
    %add3A_1638 = vector.broadcast %get3A_1626 : vector<1x1xf32> to vector<1x2048xf32>
    %add3A_1639 = arith.addf %add3A_1638, %sub3A_1631 : vector<1x2048xf32>
    %sub3A_1640 = arith.constant 1.000000e+00 : f32
    %sub3A_1641 = vector.broadcast %sub3A_1640 : f32 to vector<1x2048xf32>
    %sub3A_1642 = arith.subf %add3A_1639, %sub3A_1641 : vector<1x2048xf32>
    %select_n3A = arith.select %gt3A_1634, %sub3A_1637, %sub3A_1642 : vector<1x2048xi1>, vector<1x2048xf32>
    %convert_element_type3A_1643 = arith.fptosi %select_n3A : vector<1x2048xf32> to vector<1x2048xi32>
    %get3A_1644 = arith.constant 0 : index
    %get3A_1645 = arith.constant 0 : index
    %get3A_1646 = vector.load %arg1[%get3A_1644, %get3A_1645] : memref<2048x8xf32, #tpu.memory_space<vmem>>, vector<2048x8xf32>
    %convert_element_type3A_1647 = arith.truncf %get3A_1646 : vector<2048x8xf32> to vector<2048x8xbf16>
    %convert_element_type3A_1648 = arith.extf %convert_element_type3A_1647 : vector<2048x8xbf16> to vector<2048x8xf32>
    %sub3A_1649 = arith.subf %get3A_1646, %convert_element_type3A_1648 : vector<2048x8xf32>
    %convert_element_type3A_1650 = arith.truncf %sub3A_1649 : vector<2048x8xf32> to vector<2048x8xbf16>
    %convert_element_type3A_1651 = arith.extf %convert_element_type3A_1650 : vector<2048x8xbf16> to vector<2048x8xf32>
    %sub3A_1652 = arith.subf %sub3A_1649, %convert_element_type3A_1651 : vector<2048x8xf32>
    %convert_element_type3A_1653 = arith.truncf %sub3A_1652 : vector<2048x8xf32> to vector<2048x8xbf16>
    %iota3A_1654 = tpu.iota {dimensions = array<i32: 0>} : vector<128x1xi32>
    %add3A_1655 = arith.constant 0 : i32
    %add3A_1656 = vector.broadcast %add3A_1655 : i32 to vector<128x1xi32>
    %add3A_1657 = arith.addi %add3A_1656, %iota3A_1654 : vector<128x1xi32>
    %eq3A = vector.broadcast %convert_element_type3A_1643 : vector<1x2048xi32> to vector<128x2048xi32>
    %eq3A_1658 = vector.broadcast %add3A_1657 : vector<128x1xi32> to vector<128x2048xi32>
    %eq3A_1659 = arith.cmpi eq, %eq3A, %eq3A_1658 : vector<128x2048xi32>
    %convert_element_type3A_1660 = arith.extui %eq3A_1659 : vector<128x2048xi1> to vector<128x2048xi32>
    %convert_element_type3A_1661 = arith.sitofp %convert_element_type3A_1660 : vector<128x2048xi32> to vector<128x2048xf32>
    %convert_element_type3A_1662 = arith.truncf %convert_element_type3A_1661 : vector<128x2048xf32> to vector<128x2048xbf16>
    %broadcast_in_dim3A_1663 = arith.constant 0.000000e+00 : f32
    %broadcast_in_dim3A_1664 = vector.broadcast %broadcast_in_dim3A_1663 : f32 to vector<128x8xf32>
    %dot_general3A_1665 = arith.constant dense<0.000000e+00> : vector<128x8xf32>
    %dot_general3A_1666 = tpu.matmul %convert_element_type3A_1662, %convert_element_type3A_1647, %dot_general3A_1665 {dimension_numbers = #tpu.dot_dimension_numbers<[1], [0], [0], [1], [0, 0, 1, 1], [], []>, transpose_lhs_hint = false} : vector<128x2048xbf16>, vector<2048x8xbf16>, vector<128x8xf32> -> vector<128x8xf32>
    %add3A_1667 = arith.addf %broadcast_in_dim3A_1664, %dot_general3A_1666 : vector<128x8xf32>
    %dot_general3A_1668 = arith.constant dense<0.000000e+00> : vector<128x8xf32>
    %dot_general3A_1669 = tpu.matmul %convert_element_type3A_1662, %convert_element_type3A_1650, %dot_general3A_1668 {dimension_numbers = #tpu.dot_dimension_numbers<[1], [0], [0], [1], [0, 0, 1, 1], [], []>, transpose_lhs_hint = false} : vector<128x2048xbf16>, vector<2048x8xbf16>, vector<128x8xf32> -> vector<128x8xf32>
    %add3A_1670 = arith.addf %add3A_1667, %dot_general3A_1669 : vector<128x8xf32>
    %dot_general3A_1671 = arith.constant dense<0.000000e+00> : vector<128x8xf32>
    %dot_general3A_1672 = tpu.matmul %convert_element_type3A_1662, %convert_element_type3A_1653, %dot_general3A_1671 {dimension_numbers = #tpu.dot_dimension_numbers<[1], [0], [0], [1], [0, 0, 1, 1], [], []>, transpose_lhs_hint = false} : vector<128x2048xbf16>, vector<2048x8xbf16>, vector<128x8xf32> -> vector<128x8xf32>
    %add3A_1673 = arith.addf %add3A_1670, %dot_general3A_1672 : vector<128x8xf32>
    %swap3A_1674 = arith.constant 0 : index
    %swap3A_1675 = arith.constant 0 : index
    %swap3A_1676 = vector.load %arg2[%swap3A_1674, %swap3A_1675] : memref<1024x8xf32, #tpu.memory_space<vmem>>, vector<128x8xf32>
    tpu.vector_store %arg2[%swap3A_1674, %swap3A_1675], %add3A_1673 {strides = array<i32>} : memref<1024x8xf32, #tpu.memory_space<vmem>>, vector<128x8xf32>,
    %iota3A_1677 = tpu.iota {dimensions = array<i32: 0>} : vector<128x1xi32>
    %add3A_1678 = arith.constant 128 : i32
    %add3A_1679 = vector.broadcast %add3A_1678 : i32 to vector<128x1xi32>
    %add3A_1680 = arith.addi %add3A_1679, %iota3A_1677 : vector<128x1xi32>
    %eq3A_1681 = vector.broadcast %convert_element_type3A_1643 : vector<1x2048xi32> to vector<128x2048xi32>
    %eq3A_1682 = vector.broadcast %add3A_1680 : vector<128x1xi32> to vector<128x2048xi32>
    %eq3A_1683 = arith.cmpi eq, %eq3A_1681, %eq3A_1682 : vector<128x2048xi32>
    %convert_element_type3A_1684 = arith.extui %eq3A_1683 : vector<128x2048xi1> to vector<128x2048xi32>
    %convert_element_type3A_1685 = arith.sitofp %convert_element_type3A_1684 : vector<128x2048xi32> to vector<128x2048xf32>
    %convert_element_type3A_1686 = arith.truncf %convert_element_type3A_1685 : vector<128x2048xf32> to vector<128x2048xbf16>
    %broadcast_in_dim3A_1687 = arith.constant 0.000000e+00 : f32
    %broadcast_in_dim3A_1688 = vector.broadcast %broadcast_in_dim3A_1687 : f32 to vector<128x8xf32>
    %dot_general3A_1689 = arith.constant dense<0.000000e+00> : vector<128x8xf32>
    %dot_general3A_1690 = tpu.matmul %convert_element_type3A_1686, %convert_element_type3A_1647, %dot_general3A_1689 {dimension_numbers = #tpu.dot_dimension_numbers<[1], [0], [0], [1], [0, 0, 1, 1], [], []>, transpose_lhs_hint = false} : vector<128x2048xbf16>, vector<2048x8xbf16>, vector<128x8xf32> -> vector<128x8xf32>
    %add3A_1691 = arith.addf %broadcast_in_dim3A_1688, %dot_general3A_1690 : vector<128x8xf32>
    %dot_general3A_1692 = arith.constant dense<0.000000e+00> : vector<128x8xf32>
    %dot_general3A_1693 = tpu.matmul %convert_element_type3A_1686, %convert_element_type3A_1650, %dot_general3A_1692 {dimension_numbers = #tpu.dot_dimension_numbers<[1], [0], [0], [1], [0, 0, 1, 1], [], []>, transpose_lhs_hint = false} : vector<128x2048xbf16>, vector<2048x8xbf16>, vector<128x8xf32> -> vector<128x8xf32>
    %add3A_1694 = arith.addf %add3A_1691, %dot_general3A_1693 : vector<128x8xf32>
    %dot_general3A_1695 = arith.constant dense<0.000000e+00> : vector<128x8xf32>
    %dot_general3A_1696 = tpu.matmul %convert_element_type3A_1686, %convert_element_type3A_1653, %dot_general3A_1695 {dimension_numbers = #tpu.dot_dimension_numbers<[1], [0], [0], [1], [0, 0, 1, 1], [], []>, transpose_lhs_hint = false} : vector<128x2048xbf16>, vector<2048x8xbf16>, vector<128x8xf32> -> vector<128x8xf32>
    %add3A_1697 = arith.addf %add3A_1694, %dot_general3A_1696 : vector<128x8xf32>
    %swap3A_1698 = arith.constant 128 : index
    %swap3A_1699 = arith.constant 0 : index
    %swap3A_1700 = vector.load %arg2[%swap3A_1698, %swap3A_1699] : memref<1024x8xf32, #tpu.memory_space<vmem>>, vector<128x8xf32>
    tpu.vector_store %arg2[%swap3A_1698, %swap3A_1699], %add3A_1697 {strides = array<i32>} : memref<1024x8xf32, #tpu.memory_space<vmem>>, vector<128x8xf32>,
    %iota3A_1701 = tpu.iota {dimensions = array<i32: 0>} : vector<128x1xi32>
    %add3A_1702 = arith.constant 256 : i32
    %add3A_1703 = vector.broadcast %add3A_1702 : i32 to vector<128x1xi32>
    %add3A_1704 = arith.addi %add3A_1703, %iota3A_1701 : vector<128x1xi32>
    %eq3A_1705 = vector.broadcast %convert_element_type3A_1643 : vector<1x2048xi32> to vector<128x2048xi32>
    %eq3A_1706 = vector.broadcast %add3A_1704 : vector<128x1xi32> to vector<128x2048xi32>
    %eq3A_1707 = arith.cmpi eq, %eq3A_1705, %eq3A_1706 : vector<128x2048xi32>
    %convert_element_type3A_1708 = arith.extui %eq3A_1707 : vector<128x2048xi1> to vector<128x2048xi32>
    %convert_element_type3A_1709 = arith.sitofp %convert_element_type3A_1708 : vector<128x2048xi32> to vector<128x2048xf32>
    %convert_element_type3A_1710 = arith.truncf %convert_element_type3A_1709 : vector<128x2048xf32> to vector<128x2048xbf16>
    %broadcast_in_dim3A_1711 = arith.constant 0.000000e+00 : f32
    %broadcast_in_dim3A_1712 = vector.broadcast %broadcast_in_dim3A_1711 : f32 to vector<128x8xf32>
    %dot_general3A_1713 = arith.constant dense<0.000000e+00> : vector<128x8xf32>
    %dot_general3A_1714 = tpu.matmul %convert_element_type3A_1710, %convert_element_type3A_1647, %dot_general3A_1713 {dimension_numbers = #tpu.dot_dimension_numbers<[1], [0], [0], [1], [0, 0, 1, 1], [], []>, transpose_lhs_hint = false} : vector<128x2048xbf16>, vector<2048x8xbf16>, vector<128x8xf32> -> vector<128x8xf32>
    %add3A_1715 = arith.addf %broadcast_in_dim3A_1712, %dot_general3A_1714 : vector<128x8xf32>
    %dot_general3A_1716 = arith.constant dense<0.000000e+00> : vector<128x8xf32>
    %dot_general3A_1717 = tpu.matmul %convert_element_type3A_1710, %convert_element_type3A_1650, %dot_general3A_1716 {dimension_numbers = #tpu.dot_dimension_numbers<[1], [0], [0], [1], [0, 0, 1, 1], [], []>, transpose_lhs_hint = false} : vector<128x2048xbf16>, vector<2048x8xbf16>, vector<128x8xf32> -> vector<128x8xf32>
    %add3A_1718 = arith.addf %add3A_1715, %dot_general3A_1717 : vector<128x8xf32>
    %dot_general3A_1719 = arith.constant dense<0.000000e+00> : vector<128x8xf32>
    %dot_general3A_1720 = tpu.matmul %convert_element_type3A_1710, %convert_element_type3A_1653, %dot_general3A_1719 {dimension_numbers = #tpu.dot_dimension_numbers<[1], [0], [0], [1], [0, 0, 1, 1], [], []>, transpose_lhs_hint = false} : vector<128x2048xbf16>, vector<2048x8xbf16>, vector<128x8xf32> -> vector<128x8xf32>
    %add3A_1721 = arith.addf %add3A_1718, %dot_general3A_1720 : vector<128x8xf32>
    %swap3A_1722 = arith.constant 256 : index
    %swap3A_1723 = arith.constant 0 : index
    %swap3A_1724 = vector.load %arg2[%swap3A_1722, %swap3A_1723] : memref<1024x8xf32, #tpu.memory_space<vmem>>, vector<128x8xf32>
    tpu.vector_store %arg2[%swap3A_1722, %swap3A_1723], %add3A_1721 {strides = array<i32>} : memref<1024x8xf32, #tpu.memory_space<vmem>>, vector<128x8xf32>,
    %iota3A_1725 = tpu.iota {dimensions = array<i32: 0>} : vector<128x1xi32>
    %add3A_1726 = arith.constant 384 : i32
    %add3A_1727 = vector.broadcast %add3A_1726 : i32 to vector<128x1xi32>
    %add3A_1728 = arith.addi %add3A_1727, %iota3A_1725 : vector<128x1xi32>
    %eq3A_1729 = vector.broadcast %convert_element_type3A_1643 : vector<1x2048xi32> to vector<128x2048xi32>
    %eq3A_1730 = vector.broadcast %add3A_1728 : vector<128x1xi32> to vector<128x2048xi32>
    %eq3A_1731 = arith.cmpi eq, %eq3A_1729, %eq3A_1730 : vector<128x2048xi32>
    %convert_element_type3A_1732 = arith.extui %eq3A_1731 : vector<128x2048xi1> to vector<128x2048xi32>
    %convert_element_type3A_1733 = arith.sitofp %convert_element_type3A_1732 : vector<128x2048xi32> to vector<128x2048xf32>
    %convert_element_type3A_1734 = arith.truncf %convert_element_type3A_1733 : vector<128x2048xf32> to vector<128x2048xbf16>
    %broadcast_in_dim3A_1735 = arith.constant 0.000000e+00 : f32
    %broadcast_in_dim3A_1736 = vector.broadcast %broadcast_in_dim3A_1735 : f32 to vector<128x8xf32>
    %dot_general3A_1737 = arith.constant dense<0.000000e+00> : vector<128x8xf32>
    %dot_general3A_1738 = tpu.matmul %convert_element_type3A_1734, %convert_element_type3A_1647, %dot_general3A_1737 {dimension_numbers = #tpu.dot_dimension_numbers<[1], [0], [0], [1], [0, 0, 1, 1], [], []>, transpose_lhs_hint = false} : vector<128x2048xbf16>, vector<2048x8xbf16>, vector<128x8xf32> -> vector<128x8xf32>
    %add3A_1739 = arith.addf %broadcast_in_dim3A_1736, %dot_general3A_1738 : vector<128x8xf32>
    %dot_general3A_1740 = arith.constant dense<0.000000e+00> : vector<128x8xf32>
    %dot_general3A_1741 = tpu.matmul %convert_element_type3A_1734, %convert_element_type3A_1650, %dot_general3A_1740 {dimension_numbers = #tpu.dot_dimension_numbers<[1], [0], [0], [1], [0, 0, 1, 1], [], []>, transpose_lhs_hint = false} : vector<128x2048xbf16>, vector<2048x8xbf16>, vector<128x8xf32> -> vector<128x8xf32>
    %add3A_1742 = arith.addf %add3A_1739, %dot_general3A_1741 : vector<128x8xf32>
    %dot_general3A_1743 = arith.constant dense<0.000000e+00> : vector<128x8xf32>
    %dot_general3A_1744 = tpu.matmul %convert_element_type3A_1734, %convert_element_type3A_1653, %dot_general3A_1743 {dimension_numbers = #tpu.dot_dimension_numbers<[1], [0], [0], [1], [0, 0, 1, 1], [], []>, transpose_lhs_hint = false} : vector<128x2048xbf16>, vector<2048x8xbf16>, vector<128x8xf32> -> vector<128x8xf32>
    %add3A_1745 = arith.addf %add3A_1742, %dot_general3A_1744 : vector<128x8xf32>
    %swap3A_1746 = arith.constant 384 : index
    %swap3A_1747 = arith.constant 0 : index
    %swap3A_1748 = vector.load %arg2[%swap3A_1746, %swap3A_1747] : memref<1024x8xf32, #tpu.memory_space<vmem>>, vector<128x8xf32>
    tpu.vector_store %arg2[%swap3A_1746, %swap3A_1747], %add3A_1745 {strides = array<i32>} : memref<1024x8xf32, #tpu.memory_space<vmem>>, vector<128x8xf32>,
    %iota3A_1749 = tpu.iota {dimensions = array<i32: 0>} : vector<128x1xi32>
    %add3A_1750 = arith.constant 512 : i32
    %add3A_1751 = vector.broadcast %add3A_1750 : i32 to vector<128x1xi32>
    %add3A_1752 = arith.addi %add3A_1751, %iota3A_1749 : vector<128x1xi32>
    %eq3A_1753 = vector.broadcast %convert_element_type3A_1643 : vector<1x2048xi32> to vector<128x2048xi32>
    %eq3A_1754 = vector.broadcast %add3A_1752 : vector<128x1xi32> to vector<128x2048xi32>
    %eq3A_1755 = arith.cmpi eq, %eq3A_1753, %eq3A_1754 : vector<128x2048xi32>
    %convert_element_type3A_1756 = arith.extui %eq3A_1755 : vector<128x2048xi1> to vector<128x2048xi32>
    %convert_element_type3A_1757 = arith.sitofp %convert_element_type3A_1756 : vector<128x2048xi32> to vector<128x2048xf32>
    %convert_element_type3A_1758 = arith.truncf %convert_element_type3A_1757 : vector<128x2048xf32> to vector<128x2048xbf16>
    %broadcast_in_dim3A_1759 = arith.constant 0.000000e+00 : f32
    %broadcast_in_dim3A_1760 = vector.broadcast %broadcast_in_dim3A_1759 : f32 to vector<128x8xf32>
    %dot_general3A_1761 = arith.constant dense<0.000000e+00> : vector<128x8xf32>
    %dot_general3A_1762 = tpu.matmul %convert_element_type3A_1758, %convert_element_type3A_1647, %dot_general3A_1761 {dimension_numbers = #tpu.dot_dimension_numbers<[1], [0], [0], [1], [0, 0, 1, 1], [], []>, transpose_lhs_hint = false} : vector<128x2048xbf16>, vector<2048x8xbf16>, vector<128x8xf32> -> vector<128x8xf32>
    %add3A_1763 = arith.addf %broadcast_in_dim3A_1760, %dot_general3A_1762 : vector<128x8xf32>
    %dot_general3A_1764 = arith.constant dense<0.000000e+00> : vector<128x8xf32>
    %dot_general3A_1765 = tpu.matmul %convert_element_type3A_1758, %convert_element_type3A_1650, %dot_general3A_1764 {dimension_numbers = #tpu.dot_dimension_numbers<[1], [0], [0], [1], [0, 0, 1, 1], [], []>, transpose_lhs_hint = false} : vector<128x2048xbf16>, vector<2048x8xbf16>, vector<128x8xf32> -> vector<128x8xf32>
    %add3A_1766 = arith.addf %add3A_1763, %dot_general3A_1765 : vector<128x8xf32>
    %dot_general3A_1767 = arith.constant dense<0.000000e+00> : vector<128x8xf32>
    %dot_general3A_1768 = tpu.matmul %convert_element_type3A_1758, %convert_element_type3A_1653, %dot_general3A_1767 {dimension_numbers = #tpu.dot_dimension_numbers<[1], [0], [0], [1], [0, 0, 1, 1], [], []>, transpose_lhs_hint = false} : vector<128x2048xbf16>, vector<2048x8xbf16>, vector<128x8xf32> -> vector<128x8xf32>
    %add3A_1769 = arith.addf %add3A_1766, %dot_general3A_1768 : vector<128x8xf32>
    %swap3A_1770 = arith.constant 512 : index
    %swap3A_1771 = arith.constant 0 : index
    %swap3A_1772 = vector.load %arg2[%swap3A_1770, %swap3A_1771] : memref<1024x8xf32, #tpu.memory_space<vmem>>, vector<128x8xf32>
    tpu.vector_store %arg2[%swap3A_1770, %swap3A_1771], %add3A_1769 {strides = array<i32>} : memref<1024x8xf32, #tpu.memory_space<vmem>>, vector<128x8xf32>,
    %iota3A_1773 = tpu.iota {dimensions = array<i32: 0>} : vector<128x1xi32>
    %add3A_1774 = arith.constant 640 : i32
    %add3A_1775 = vector.broadcast %add3A_1774 : i32 to vector<128x1xi32>
    %add3A_1776 = arith.addi %add3A_1775, %iota3A_1773 : vector<128x1xi32>
    %eq3A_1777 = vector.broadcast %convert_element_type3A_1643 : vector<1x2048xi32> to vector<128x2048xi32>
    %eq3A_1778 = vector.broadcast %add3A_1776 : vector<128x1xi32> to vector<128x2048xi32>
    %eq3A_1779 = arith.cmpi eq, %eq3A_1777, %eq3A_1778 : vector<128x2048xi32>
    %convert_element_type3A_1780 = arith.extui %eq3A_1779 : vector<128x2048xi1> to vector<128x2048xi32>
    %convert_element_type3A_1781 = arith.sitofp %convert_element_type3A_1780 : vector<128x2048xi32> to vector<128x2048xf32>
    %convert_element_type3A_1782 = arith.truncf %convert_element_type3A_1781 : vector<128x2048xf32> to vector<128x2048xbf16>
    %broadcast_in_dim3A_1783 = arith.constant 0.000000e+00 : f32
    %broadcast_in_dim3A_1784 = vector.broadcast %broadcast_in_dim3A_1783 : f32 to vector<128x8xf32>
    %dot_general3A_1785 = arith.constant dense<0.000000e+00> : vector<128x8xf32>
    %dot_general3A_1786 = tpu.matmul %convert_element_type3A_1782, %convert_element_type3A_1647, %dot_general3A_1785 {dimension_numbers = #tpu.dot_dimension_numbers<[1], [0], [0], [1], [0, 0, 1, 1], [], []>, transpose_lhs_hint = false} : vector<128x2048xbf16>, vector<2048x8xbf16>, vector<128x8xf32> -> vector<128x8xf32>
    %add3A_1787 = arith.addf %broadcast_in_dim3A_1784, %dot_general3A_1786 : vector<128x8xf32>
    %dot_general3A_1788 = arith.constant dense<0.000000e+00> : vector<128x8xf32>
    %dot_general3A_1789 = tpu.matmul %convert_element_type3A_1782, %convert_element_type3A_1650, %dot_general3A_1788 {dimension_numbers = #tpu.dot_dimension_numbers<[1], [0], [0], [1], [0, 0, 1, 1], [], []>, transpose_lhs_hint = false} : vector<128x2048xbf16>, vector<2048x8xbf16>, vector<128x8xf32> -> vector<128x8xf32>
    %add3A_1790 = arith.addf %add3A_1787, %dot_general3A_1789 : vector<128x8xf32>
    %dot_general3A_1791 = arith.constant dense<0.000000e+00> : vector<128x8xf32>
    %dot_general3A_1792 = tpu.matmul %convert_element_type3A_1782, %convert_element_type3A_1653, %dot_general3A_1791 {dimension_numbers = #tpu.dot_dimension_numbers<[1], [0], [0], [1], [0, 0, 1, 1], [], []>, transpose_lhs_hint = false} : vector<128x2048xbf16>, vector<2048x8xbf16>, vector<128x8xf32> -> vector<128x8xf32>
    %add3A_1793 = arith.addf %add3A_1790, %dot_general3A_1792 : vector<128x8xf32>
    %swap3A_1794 = arith.constant 640 : index
    %swap3A_1795 = arith.constant 0 : index
    %swap3A_1796 = vector.load %arg2[%swap3A_1794, %swap3A_1795] : memref<1024x8xf32, #tpu.memory_space<vmem>>, vector<128x8xf32>
    tpu.vector_store %arg2[%swap3A_1794, %swap3A_1795], %add3A_1793 {strides = array<i32>} : memref<1024x8xf32, #tpu.memory_space<vmem>>, vector<128x8xf32>,
    %iota3A_1797 = tpu.iota {dimensions = array<i32: 0>} : vector<128x1xi32>
    %add3A_1798 = arith.constant 768 : i32
    %add3A_1799 = vector.broadcast %add3A_1798 : i32 to vector<128x1xi32>
    %add3A_1800 = arith.addi %add3A_1799, %iota3A_1797 : vector<128x1xi32>
    %eq3A_1801 = vector.broadcast %convert_element_type3A_1643 : vector<1x2048xi32> to vector<128x2048xi32>
    %eq3A_1802 = vector.broadcast %add3A_1800 : vector<128x1xi32> to vector<128x2048xi32>
    %eq3A_1803 = arith.cmpi eq, %eq3A_1801, %eq3A_1802 : vector<128x2048xi32>
    %convert_element_type3A_1804 = arith.extui %eq3A_1803 : vector<128x2048xi1> to vector<128x2048xi32>
    %convert_element_type3A_1805 = arith.sitofp %convert_element_type3A_1804 : vector<128x2048xi32> to vector<128x2048xf32>
    %convert_element_type3A_1806 = arith.truncf %convert_element_type3A_1805 : vector<128x2048xf32> to vector<128x2048xbf16>
    %broadcast_in_dim3A_1807 = arith.constant 0.000000e+00 : f32
    %broadcast_in_dim3A_1808 = vector.broadcast %broadcast_in_dim3A_1807 : f32 to vector<128x8xf32>
    %dot_general3A_1809 = arith.constant dense<0.000000e+00> : vector<128x8xf32>
    %dot_general3A_1810 = tpu.matmul %convert_element_type3A_1806, %convert_element_type3A_1647, %dot_general3A_1809 {dimension_numbers = #tpu.dot_dimension_numbers<[1], [0], [0], [1], [0, 0, 1, 1], [], []>, transpose_lhs_hint = false} : vector<128x2048xbf16>, vector<2048x8xbf16>, vector<128x8xf32> -> vector<128x8xf32>
    %add3A_1811 = arith.addf %broadcast_in_dim3A_1808, %dot_general3A_1810 : vector<128x8xf32>
    %dot_general3A_1812 = arith.constant dense<0.000000e+00> : vector<128x8xf32>
    %dot_general3A_1813 = tpu.matmul %convert_element_type3A_1806, %convert_element_type3A_1650, %dot_general3A_1812 {dimension_numbers = #tpu.dot_dimension_numbers<[1], [0], [0], [1], [0, 0, 1, 1], [], []>, transpose_lhs_hint = false} : vector<128x2048xbf16>, vector<2048x8xbf16>, vector<128x8xf32> -> vector<128x8xf32>
    %add3A_1814 = arith.addf %add3A_1811, %dot_general3A_1813 : vector<128x8xf32>
    %dot_general3A_1815 = arith.constant dense<0.000000e+00> : vector<128x8xf32>
    %dot_general3A_1816 = tpu.matmul %convert_element_type3A_1806, %convert_element_type3A_1653, %dot_general3A_1815 {dimension_numbers = #tpu.dot_dimension_numbers<[1], [0], [0], [1], [0, 0, 1, 1], [], []>, transpose_lhs_hint = false} : vector<128x2048xbf16>, vector<2048x8xbf16>, vector<128x8xf32> -> vector<128x8xf32>
    %add3A_1817 = arith.addf %add3A_1814, %dot_general3A_1816 : vector<128x8xf32>
    %swap3A_1818 = arith.constant 768 : index
    %swap3A_1819 = arith.constant 0 : index
    %swap3A_1820 = vector.load %arg2[%swap3A_1818, %swap3A_1819] : memref<1024x8xf32, #tpu.memory_space<vmem>>, vector<128x8xf32>
    tpu.vector_store %arg2[%swap3A_1818, %swap3A_1819], %add3A_1817 {strides = array<i32>} : memref<1024x8xf32, #tpu.memory_space<vmem>>, vector<128x8xf32>,
    %iota3A_1821 = tpu.iota {dimensions = array<i32: 0>} : vector<128x1xi32>
    %add3A_1822 = arith.constant 896 : i32
    %add3A_1823 = vector.broadcast %add3A_1822 : i32 to vector<128x1xi32>
    %add3A_1824 = arith.addi %add3A_1823, %iota3A_1821 : vector<128x1xi32>
    %eq3A_1825 = vector.broadcast %convert_element_type3A_1643 : vector<1x2048xi32> to vector<128x2048xi32>
    %eq3A_1826 = vector.broadcast %add3A_1824 : vector<128x1xi32> to vector<128x2048xi32>
    %eq3A_1827 = arith.cmpi eq, %eq3A_1825, %eq3A_1826 : vector<128x2048xi32>
    %convert_element_type3A_1828 = arith.extui %eq3A_1827 : vector<128x2048xi1> to vector<128x2048xi32>
    %convert_element_type3A_1829 = arith.sitofp %convert_element_type3A_1828 : vector<128x2048xi32> to vector<128x2048xf32>
    %convert_element_type3A_1830 = arith.truncf %convert_element_type3A_1829 : vector<128x2048xf32> to vector<128x2048xbf16>
    %broadcast_in_dim3A_1831 = arith.constant 0.000000e+00 : f32
    %broadcast_in_dim3A_1832 = vector.broadcast %broadcast_in_dim3A_1831 : f32 to vector<128x8xf32>
    %dot_general3A_1833 = arith.constant dense<0.000000e+00> : vector<128x8xf32>
    %dot_general3A_1834 = tpu.matmul %convert_element_type3A_1830, %convert_element_type3A_1647, %dot_general3A_1833 {dimension_numbers = #tpu.dot_dimension_numbers<[1], [0], [0], [1], [0, 0, 1, 1], [], []>, transpose_lhs_hint = false} : vector<128x2048xbf16>, vector<2048x8xbf16>, vector<128x8xf32> -> vector<128x8xf32>
    %add3A_1835 = arith.addf %broadcast_in_dim3A_1832, %dot_general3A_1834 : vector<128x8xf32>
    %dot_general3A_1836 = arith.constant dense<0.000000e+00> : vector<128x8xf32>
    %dot_general3A_1837 = tpu.matmul %convert_element_type3A_1830, %convert_element_type3A_1650, %dot_general3A_1836 {dimension_numbers = #tpu.dot_dimension_numbers<[1], [0], [0], [1], [0, 0, 1, 1], [], []>, transpose_lhs_hint = false} : vector<128x2048xbf16>, vector<2048x8xbf16>, vector<128x8xf32> -> vector<128x8xf32>
    %add3A_1838 = arith.addf %add3A_1835, %dot_general3A_1837 : vector<128x8xf32>
    %dot_general3A_1839 = arith.constant dense<0.000000e+00> : vector<128x8xf32>
    %dot_general3A_1840 = tpu.matmul %convert_element_type3A_1830, %convert_element_type3A_1653, %dot_general3A_1839 {dimension_numbers = #tpu.dot_dimension_numbers<[1], [0], [0], [1], [0, 0, 1, 1], [], []>, transpose_lhs_hint = false} : vector<128x2048xbf16>, vector<2048x8xbf16>, vector<128x8xf32> -> vector<128x8xf32>
    %add3A_1841 = arith.addf %add3A_1838, %dot_general3A_1840 : vector<128x8xf32>
    %swap3A_1842 = arith.constant 896 : index
    %swap3A_1843 = arith.constant 0 : index
    %swap3A_1844 = vector.load %arg2[%swap3A_1842, %swap3A_1843] : memref<1024x8xf32, #tpu.memory_space<vmem>>, vector<128x8xf32>
    tpu.vector_store %arg2[%swap3A_1842, %swap3A_1843], %add3A_1841 {strides = array<i32>} : memref<1024x8xf32, #tpu.memory_space<vmem>>, vector<128x8xf32>,
    return
  }
}

</mosaic_0001>

<sc_bundles>
// kernel: gather_offload_async_start
scs
__scs_entry_jumppad:
0x0: {  	(pc) =	sbr.rel $0x88, $3  }
0x1: {  	(tag) =	ssettag $0x0;
	lr =	simm.s32 $0x1  }
0x2: {  	[smem:$0x3F9F] =	sst lr;
	_ =	strace $0xD0000000  }
0x3: {  	_ = 	snop  }
0x4: {  	_ = 	snop  }
0x5: {  	_ = 	snop  }
0x6: {  	_ = 	snop  }
0x7: {  	_ = 	snop  }
__scs_overlays_trampoline_lowered:
0x8: {  	[smem:$0x3FAE] =	sst s0  }
0x9: {  	[smem:$0x3FAF] =	sst s1  }
0xa: {  	[smem:$0x3FB0] =	sst s2  }
0xb: {  	[smem:$0x3FB1] =	sst s3  }
0xc: {  	[smem:$0x3FB2] =	sst s4  }
0xd: {  	[smem:$0x3FB3] =	sst s5  }
0xe: {  	[smem:$0x3FB4] =	sst s6  }
0xf: {  	[smem:$0x3FB5] =	sst s7  }
0x10: {  	[smem:$0x3FB6] =	sst s8  }
0x11: {  	[smem:$0x3FB7] =	sst s9;
	s0 =	simm.s32 @!p0 $0x0  }
0x12: {  	s1 =	sld [smem:$0x3F9D];
	s0 =	simm.s32 @p0 $0x1  }
0x13: {  	[smem:$0x3FB8] =	sst s0;
	s0 =	simm.s32 @!p1 $0x0  }
0x14: {  	s2 =	sld [smem:$0x3F9C];
	s0 =	simm.s32 @p1 $0x1  }
0x15: {  	[smem:$0x3FB9] =	sst s0;
	s0 =	simm.s32 @!p2 $0x0  }
0x16: {  	s3 =	sld [smem:$0x3FDB];
	s0 =	simm.s32 @p2 $0x1  }
0x17: {  	s4 =	simm.s32 $0x1BF5;
	[smem:$0x3FBB] =	sst s0  }
0x18: {  	s0 =	sld [smem:$0x3F9E];
	_ =	swait.ge [sflag:s4], $0x0  }
0x19: {  	s7 =	sld [smem:$0x3F9F]  }
0x1a: {  	s8 =	sadd.s32 $0xFFFFE003, lr  }
0x1b: {  	s9 =	sadd.s32 $0xFFFFFEF7, lr;
	s5 =	simm.s32 $0xFFFFFFFF;
	p2 =	slt.u32 s8, $0xFFFFF086  }
0x1c: {  	p1 =	slt.u32 s9, $0xF7A;
	s5 =	simm.s32 @!p2 $0x0  }
0x1d: {  	s5 =	simm.s32 @p1 $0x1;
	p0 =	seq.s32 s7, s2  }
0x1e: {  	s7 =	smul.u32 @!p0 $0xF7A, s2;
	p2 =	seq.s32 @!p0 s5, $0x0  }
0x1f: {  	s9 =	smul.u32 $0xF7A, s1;
	s8 =	simm.s32 @!p0 $0x1BF5;
	p2 =	por !p2, p0  }
0x20: {  	[sflag:s8] =	ssyncset.s32 @!p0 $0xFFFFF086;
	s6 =	sadd.s32 @!p0 s3, s7;
	s7 =	simm.s32 @!p0 $0x108  }
0x21: {  	s3 =	sadd.s32 s3, s9;
	s6 =	sadd.s32 @!p0 $0x88, s6;
	s7 =	simm.s32 @p2 $0x1082  }
0x22: {  	[simem:s7], [sflag:s8] =	dma.local @!p0 [hbm:s6], $0xF7A  }
0x23: {  	s9 =	sor.u32 $0xD0000000, s2;
	s6 =	simm.s32 $0x108;
	_ =	swait.ge @!p0 [sflag:s8], $0x0  }
0x24: {  	s3 =	sadd.s32 $0x88, s3;
	s6 =	simm.s32 @!p1 $0x1082;
	[sflag:s4] =	ssyncset.s32 $0xFFFFF086  }
0x25: {  	[simem:s6], [sflag:s4] =	dma.local [hbm:s3], $0xF7A  }
0x26: {  	[smem:$0x3F9F] =	sst s1;
	(tag) =	ssettag s2;
	_ =	strace s9  }
0x27: {  	s1 =	sld [smem:$0x3FAF]  }
0x28: {  	s2 =	sld [smem:$0x3FB0]  }
0x29: {  	s4 =	sld [smem:$0x3FB2]  }
0x2a: {  	p0 =	seq.s32 s5, $0x0;
	s5 =	sld [smem:$0x3FB3]  }
0x2b: {  	s6 =	sld [smem:$0x3FB4]  }
0x2c: {  	s7 =	sld [smem:$0x3FB5]  }
0x2d: {  	s3 =	simm.s32 $0x108;
	s8 =	sld [smem:$0x3FB6]  }
0x2e: {  	s3 =	simm.s32 @!p0 $0x1082;
	s9 =	sld [smem:$0x3FB7]  }
0x2f: {  	lr =	sadd.s32 s0, s3;
	s0 =	sld [smem:$0x3FAE]  }
0x30: {  	s3 =	sld [smem:$0x3FB1]  }
0x31: {  	[smem:$0x3FBA] =	sst s10  }
0x32: {  	s10 =	sld [smem:$0x3FB8];
	_ =	sdelay $0x3  }
0x33: {  	p0 =	seq.s32 s10, $0x1;
	s10 =	sld [smem:$0x3FBA];
	_ =	sdelay $0x3  }
0x34: {  	[smem:$0x3FBA] =	sst s10  }
0x35: {  	s10 =	sld [smem:$0x3FB9];
	_ =	sdelay $0x3  }
0x36: {  	p1 =	seq.s32 s10, $0x1;
	s10 =	sld [smem:$0x3FBA];
	_ =	sdelay $0x3  }
0x37: {  	[smem:$0x3FBA] =	sst s10  }
0x38: {  	s10 =	sld [smem:$0x3FBB]  }
0x39: {  	_ = 	snop;
	(pc) =	sbr.ind lr, $3  }
0x3a: {  	_ = 	snop  }
0x3b: {  	_ = 	snop  }
0x3c: {  	p2 =	seq.s32 s10, $0x1;
	s10 =	sld [smem:$0x3FBA]  }
0x3d: {  	_ =	shalt  }
0x3e: {  	_ =	shalt  }
0x3f: {  	_ =	shalt  }
0x40: {  	_ =	shalt  }
0x41: {  	_ =	shalt  }
0x42: {  	_ =	shalt  }
0x43: {  	_ =	shalt  }
0x44: {  	_ =	shalt  }
0x45: {  	_ =	shalt  }
0x46: {  	_ =	shalt  }
0x47: {  	_ =	shalt  }
0x48: {  	_ =	shalt  }
0x49: {  	_ =	shalt  }
0x4a: {  	_ =	shalt  }
0x4b: {  	_ =	shalt  }
0x4c: {  	_ =	shalt  }
0x4d: {  	_ =	shalt  }
0x4e: {  	_ =	shalt  }
0x4f: {  	_ =	shalt  }
0x50: {  	_ =	shalt  }
0x51: {  	_ =	shalt  }
0x52: {  	_ =	shalt  }
0x53: {  	_ =	shalt  }
0x54: {  	_ =	shalt  }
0x55: {  	_ =	shalt  }
0x56: {  	_ =	shalt  }
0x57: {  	_ =	shalt  }
0x58: {  	_ =	shalt  }
0x59: {  	_ =	shalt  }
0x5a: {  	_ =	shalt  }
0x5b: {  	_ =	shalt  }
0x5c: {  	_ =	shalt  }
0x5d: {  	_ =	shalt  }
0x5e: {  	_ =	shalt  }
0x5f: {  	_ =	shalt  }
0x60: {  	_ =	shalt  }
0x61: {  	_ =	shalt  }
0x62: {  	_ =	shalt  }
0x63: {  	_ =	shalt  }
0x64: {  	_ =	shalt  }
0x65: {  	_ =	shalt  }
0x66: {  	_ =	shalt  }
0x67: {  	_ =	shalt  }
0x68: {  	_ =	shalt  }
0x69: {  	_ =	shalt  }
0x6a: {  	_ =	shalt  }
0x6b: {  	_ =	shalt  }
0x6c: {  	_ =	shalt  }
0x6d: {  	_ =	shalt  }
0x6e: {  	_ =	shalt  }
0x6f: {  	_ =	shalt  }
0x70: {  	_ =	shalt  }
0x71: {  	_ =	shalt  }
0x72: {  	_ =	shalt  }
0x73: {  	_ =	shalt  }
0x74: {  	_ =	shalt  }
0x75: {  	_ =	shalt  }
0x76: {  	_ =	shalt  }
0x77: {  	_ =	shalt  }
0x78: {  	_ =	shalt  }
0x79: {  	_ =	shalt  }
0x7a: {  	_ =	shalt  }
0x7b: {  	_ =	shalt  }
0x7c: {  	_ =	shalt  }
0x7d: {  	_ =	shalt  }
0x7e: {  	_ =	shalt  }
0x7f: {  	_ =	shalt  }
0x80: {  	_ =	shalt  }
0x81: {  	_ =	shalt  }
0x82: {  	_ =	shalt  }
0x83: {  	_ =	shalt  }
0x84: {  	_ =	shalt  }
0x85: {  	_ =	shalt  }
0x86: {  	_ =	shalt  }
0x87: {  	_ =	shalt  }
.Lfunc_end0:
.L_simem_size_0:
called_computation_lowered:
.L_overlay_start_0:
0x88: {  	s0 =	sld [smem:$0x3FD9]  }
0x89: {  	s1 =	sld [smem:$0x3FFE];
	_ =	sdelay $0x3  }
0x8a: {  	s0 =	sadd.s32 s1, s0  }
0x8b: {  	[smem:$0x3FC6] =	sst s0  }
0x8c: {  	_ = 	snop  }
0x8d: {  	s0 =	sld [smem:$0x3FD0];
	(tm) =	ssettm $0x1  }
0x8e: {  	s16 =	sld [smem:$0x3FFB];
	_ =	sdelay $0x3  }
0x8f: {  	_ =	strace s16  }
0x90: {  	s1 =	sld [smem:$0x3FFC];
	_ =	sdelay $0x3  }
0x91: {  	_ =	strace s1  }
0x92: {  	s1 =	sld [smem:$0x3FFD];
	_ =	sdelay $0x3  }
0x93: {  	_ =	strace s1  }
0x94: {  	_ =	strace $0x8FFFFFFF  }
0x95: {  	s17 =	sld [smem:$0x3FDB];
	_ =	sdelay $0x1  }
0x96: {  	s2 =	simm.s32 $_scs_section_size  }
0x97: {  	s3 =	simm.s32 $_size__tile_overlayer_lowered;
	s4 =	simm.s32 $_tile_overlayer_lowered  }
0x98: {  	s20 =	simm.s32 $0x1BFF;
	s19 =	sshll.u32 s4, $0x1;
	s1 =	sadd.s32 s2, s17  }
0x99: {  	s5 =	simm.s32 $0x0;
	s18 =	sshll.u32 s3, $0x1;
	s3 =	sadd.s32 s19, s1  }
0x9a: {  	[timem:s5], [sflag:s20] =	dma.local [hbm:s3], s18  }
0x9b: {  	_ =	swait.ge [sflag:s20], s18  }
0x9c: {  	s2 =	ssub.s32 $0x0, s18;
	[sflag:s20] =	ssyncset.done $0x0  }
0x9d: {  	[sflag:s20] =	ssyncadd.s32 s2;
	_ =	sdelay $0x1  }
0x9e: {  	s21 =	simm.s32 $0x1B8B  }
0x9f: {  	_ =	swait.ge [sflag:s21], $0x1  }
0xa0: {  	[sflag:s21] =	ssyncset.done $0x0  }
0xa1: {  	s23 =	simm.s32 $0x1B8E;
	s22 =	sld [smem:$0x3FFE];
	[sflag:s21] =	ssyncadd.s32 $0xFFFFFFFF  }
0xa2: {  	s24 =	simm.s32 $execute0_lowered;
	[smem:$0x3FD2] =	sst s23  }
0xa3: {  	s3 =	sshll.u32 s24, $0x1;
	_ =	strace $0x80000046;
	[dreg:$0x1] =	wrdreg $0xFFFFFFFF  }
0xa4: {  	s25 =	simm.s32 $_size_execute0_lowered;
	s1 =	sadd.s32 s1, s3;
	[dreg:$0x0] =	wrdreg $0x0  }
0xa5: {  	s3 =	sshll.u32 s25, $0x1;
	[dreg:$0x2] =	wrdreg s1  }
0xa6: {  	[dreg:$0x3] =	wrdreg s3  }
0xa7: {  	[dreg:$0x4] =	wrdreg $0xC0  }
0xa8: {  	_ =	task [dreg:s5], $0x5FFFF  }
0xa9: {  	[dreg:$0x1] =	wrdreg $0xFFFFFFFF  }
0xaa: {  	[dreg:$0x0] =	wrdreg $0x60  }
0xab: {  	[dreg:$0x2] =	wrdreg s22  }
0xac: {  	[dreg:$0x3] =	wrdreg s0  }
0xad: {  	[dreg:$0x4] =	wrdreg $0x9  }
0xae: {  	_ =	task.clear_ibuf [dreg:s5], $0x5FFFF;
	_ =	strace $0x90000046  }
0xaf: {  	s26 =	simm.s32 $0x9;
	_ =	strace $0x80000048  }
0xb0: {  	_ =	swait.ge [sflag:s26], $0x1  }
0xb1: {  	[sflag:s26] =	ssyncadd.s32 $0xFFFFFFFF  }
0xb2: {  	_ =	strace $0x90000048  }
0xb3: {  	_ =	sfence  }
0xb4: {  	s28 =	sld [smem:$0x0];
	_ =	sdelay $0x1  }
0xb5: {  	s29 =	srdreg.scid  }
0xb6: {  	s30 =	sshll.u32 s29, $0xD;
	s31 =	sshrl.u32 s29, $0x2  }
0xb7: {  	s2 =	sand.u32 $0x4000, s30;
	s1 =	sand.u32 $0x1, s29;
	s0 =	sadd.s32 s31, s28  }
0xb8: {  	s1 =	sor.u32 s2, s1;
	s0 =	sshll.u32 s0, $0x11  }
0xb9: {  	s0 =	sor.u32 s0, s1  }
0xba: {  	s0 =	sadd.s32 $0x8F2B, s0  }
0xbb: {  	[sflag:s0] =	ssyncadd.remote.s32 $0x1  }
0xbc: {  	_ =	sfence.sel $0xFFFF  }
0xbd: {  	[dreg:$0x0] =	wrdreg $0xFFFFFFFF;
	(pc) =	sbr.abs _section_cstart, $3  }
0xbe: {  	[dreg:$0x1] =	wrdreg $0xFFFFFFFF  }
0xbf: {  	_ =	task.clear_ibuf [dreg:s5], $0x2FFFF;
	_ =	strace $0x9FFFFFFF  }
0xc0: {  	(tm) =	ssettm $0x7FFFFFFF  }
0xc1: {  	_ =	shalt  }
tec
execute0_lowered:
.L_overlay_start_1:
0x0: {  	(tag) =	ssettag $0x1  }
0x1: {  	s0 =	stileid.u32  }
0x2: {  	s1 =	smin.u32 s0, $0x9  }
0x3: {  	s1 =	sadd.s32 s0, s1  }
0x4: {  	s2 =	simm.s32 $0xA0;
	p0 =	slt.u32 s0, $0x9;
	s1 =	smul.u32 $0x50, s1  }
0x5: {  	s2 =	simm.s32 @!p0 $0x50  }
0x6: {  	s2 =	sadd.s32 s2, s1  }
0x7: {  	s3 =	smin.u32 s2, $0x7D0  }
0x8: {  	s7 =	ssub.s32 s3, s1  }
0x9: {  	p0 =	sgt.s32 s7, $0x0  }
0xa: {  	s7 =	simm.s32 @!p0 $0x0  }
0xb: {  	s4 =	rddreg [dreg:$0x0];
	s31 =	smul.u32 $0xCCCD, s7  }
0xc: {  	s5 =	rddreg [dreg:$0x1]  }
0xd: {  	s6 =	simm.s32 $0x1;
	s10 =	simm.s32 $0x3;
	s8 =	sshrl.u32 s31, $0x16  }
0xe: {  	s13 =	simm.s32 $0x0;
	s12 =	simm.s32 $0x0;
	s9 =	smul.u32 $0x50, s8  }
.Ltmp0:
0xf: {  	s11 =	smov.u32 s1;
	s2 =	rddreg [dreg:$0x2];
	(pc) =	sbr.rel .LBB2_1-.Ltmp0, $4  }
0x10: {  	_ =	strace $0x80000047;
	p0 =	sne.s32 s7, s9;
	s9 =	simm.s32 $0x1  }
0x11: {  	[sflag:s6] =	ssyncpa.u1 $0x0;
	s7 =	simm.s32 $0x2;
	s9 =	simm.s32 @!p0 $0x0  }
0x12: {  	[sflag:s7] =	ssyncpa.u1 $0x0;
	p0 =	por $0x0, $0x0;
	s8 =	sadd.s32 s8, s9  }
0x13: {  	vm0 =	vmmov $0xff;
	vm1 =	vcmask $0x3F20;
	s9 =	sadd.s32 $0x4E200, s4;
	[sflag:s10] =	ssyncpa.u1 $0x0;
	s10 =	sadd.s32 $0x1, s8  }
.LBB2_6:
0x14: {  	[hbm:s17] =	stream.linear.scatter [tilespmem:s14], [sflag:$0x3], $0x400, $0x38;
	[tilespmem:$0x50A0] =	vst v63  }
.LBB2_7:
0x15: {  	s13 =	sadd.s32 $0x50, s11  }
0x16: {  	s15 =	smov.u32 s1;
	p2 =	slt.s32 s13, s3  }
0x17: {  	s15 =	smov.u32 @p2 s13;
	p2 =	sne.s32 s12, s10  }
.Ltmp1:
0x18: {  	p1 =	slt.u32 s12, $0x2;
	(pc) =	sbr.rel @!p2 .LBB2_8-.Ltmp1, $4  }
0x19: {  	s14 =	simm.s32 @!p1 $0x3  }
0x1a: {  	s16 =	sadd.s32 $0x1, s12;
	_ =	swait.ge @!p1 [sflag:s14], $0x2800  }
0x1b: {  	p0 =	por !p0, !p0;
	s13 =	smov.u32 s11;
	[sflag:s14] =	ssyncset.done @!p1 $0x0  }
0x1c: {  	s12 =	smov.u32 s16;
	s11 =	smov.u32 s15;
	[sflag:s14] =	ssyncadd.s32 @!p1 $0xFFFFD800  }
.LBB2_1:
0x1d: {  	p1 =	sge.u32 s12, s8  }
0x1e: {  	s14 =	sxor.u32 @!p1 $0xFFFFFFFF, s12  }
0x1f: {  	s14 =	sand.u32 @!p1 $0x1, s14  }
0x20: {  	s14 =	smul.u32 @!p1 $0x140, s14  }
0x21: {  	s31 =	sadd.s32 $0xFFFFFFFF, s12;
	s15 =	sshrl.u32 @!p1 s11, $0x3  }
0x22: {  	s16 =	sand.u32 @!p1 $0x7, s11;
	s15 =	sadd.s32 @!p1 s5, s15;
	s14 =	sshrl.u32 @!p1 s14, $0x2  }
0x23: {  	[tilespmem:s14], [sflag:$0x2] =	stream.linear.gather @!p1 [hbm4b:s15+s16], $0x50, $0x38;
	[tilespmem:$0x50A0] =	vst v63  }
0x24: {  	p1 =	sge.u32 s31, s8  }
.Ltmp2:
0x25: {  	_ = 	snop;
	(pc) =	sbr.rel @p1 .LBB2_7-.Ltmp2, $1  }
0x26: {  	_ =	sdelay $0x3  }
0x27: {  	s14 =	simm.s32 $0x1  }
0x28: {  	s14 =	simm.s32 @!p0 $0x0  }
0x29: {  	s15 =	smul.u32 $0x140, s14  }
0x2a: {  	_ =	swait.ge [sflag:s7], $0x50  }
0x2b: {  	[sflag:s7] =	ssyncset.done $0x0;
	s16 =	sshrl.u32 s15, $0x2  }
0x2c: {  	[sflag:s7] =	ssyncadd.s32 $0xFFFFFFB0;
	s15 =	sadd.s32 $0x0, s16  }
0x2d: {  	v0 =	vld.msk [tilespmem:s15+$0x0 ss:$0x1], $0xffff;
	_ =	sdelay $0x4  }
0x2e: {  	vm2 =	vgt.s32 v0, $0x0  }
0x2f: {  	v0 =	vnsel vm2, $0x0, v0  }
0x30: {  	v0 =	vmin.u32 v0, $0x4E1F  }
0x31: {  	v0 =	vshll.u32 v0, $0x4  }
0x32: {  	s14 =	smul.u32 $0xA000, s14;
	_ =	sdelay $0x1  }
0x33: {  	s14 =	sshrl.u32 s14, $0x2  }
0x34: {  	s14 =	sor.u32 $0xA0, s14  }
0x35: {  	[tilespmem:s14], [sflag:$0x1] =	stream.indirect_vreg.gather [hbm:s4], $0x80, v0, vm0, $0x38;
	[tilespmem:$0x50A0] =	vst v63  }
0x36: {  	s17 =	sadd.s32 $0x10, s16;
	s15 =	sadd.s32 $0x400, s14  }
0x37: {  	[tilespmem:s15], [sflag:$0x1] =	stream.indirect_vreg.gather [hbm:s4], $0x80, v0, vm1, $0x38;
	[tilespmem:$0x50A0] =	vst v63  }
0x38: {  	s18 =	simm.s32 $0x80;
	v0 =	vld.msk [tilespmem:s17+$0x0 ss:$0x1], $0xffff;
	s17 =	smov.u32 s14  }
.LBB2_3:
0x39: {  	p1 =	sne.s32 s18, $0x100;
	_ =	sdelay $0x4  }
0x3a: {  	vm2 =	vgt.s32 v0, $0x0  }
0x3b: {  	v0 =	vnsel vm2, $0x0, v0  }
0x3c: {  	v0 =	vmin.u32 v0, $0x4E1F  }
0x3d: {  	v0 =	vshll.u32 v0, $0x4;
	_ =	sdelay $0x3  }
.Ltmp3:
0x3e: {  	s19 =	sshra.s32 s18, $0x2;
	s17 =	sadd.s32 $0x800, s17;
	(pc) =	sbr.rel @p1 .LBB2_3-.Ltmp3, $4  }
0x3f: {  	[tilespmem:s17], [sflag:$0x1] =	stream.indirect_vreg.gather [hbm:s4], $0x80, v0, vm0, $0x38;
	[tilespmem:$0x50A0] =	vst v63  }
0x40: {  	s19 =	sadd.s32 s19, s16;
	s20 =	sadd.s32 $0x400, s17  }
0x41: {  	[tilespmem:s20], [sflag:$0x1] =	stream.indirect_vreg.gather [hbm:s4], $0x80, v0, vm1, $0x38;
	[tilespmem:$0x50A0] =	vst v63  }
0x42: {  	s18 =	sadd.s32 $0x40, s18;
	v0 =	vld.msk [tilespmem:s19+$0x0 ss:$0x1], $0xffff  }
0x43: {  	_ =	sdelay $0x3  }
0x44: {  	vm2 =	vgt.s32 v0, $0x0  }
0x45: {  	v0 =	vnsel vm2, $0x0, v0  }
0x46: {  	v0 =	vmin.u32 v0, $0x4E1F  }
0x47: {  	v0 =	vshll.u32 v0, $0x4;
	_ =	sdelay $0x3  }
0x48: {  	s16 =	sadd.s32 $0x800, s17  }
0x49: {  	[tilespmem:s16], [sflag:$0x1] =	stream.indirect_vreg.gather [hbm:s4], $0x80, v0, vm0, $0x38;
	[tilespmem:$0x50A0] =	vst v63  }
0x4a: {  	s16 =	sadd.s32 $0x400, s16  }
0x4b: {  	[tilespmem:s16], [sflag:$0x1] =	stream.indirect_vreg.gather [hbm:s4], $0x80, v0, vm1, $0x38;
	[tilespmem:$0x50A0] =	vst v63  }
0x4c: {  	s13 =	sshll.u32 s13, $0x4;
	_ =	swait.ge [sflag:s6], $0x2800  }
0x4d: {  	s13 =	sadd.s32 s13, s9;
	[sflag:s6] =	ssyncset.done $0x0  }
0x4e: {  	s17 =	sadd.s32 $0x0, s13;
	s16 =	simm.s32 $0x80;
	[sflag:s6] =	ssyncadd.s32 $0xFFFFD800  }
.LBB2_5:
0x4f: {  	[hbm:s17] =	stream.linear.scatter [tilespmem:s14], [sflag:$0x3], $0x400, $0x38;
	[tilespmem:$0x50A0] =	vst v63  }
0x50: {  	s17 =	smov.u32 s16;
	s14 =	smov.u32 s15;
	p1 =	sne.s32 s16, $0x480  }
.Ltmp4:
0x51: {  	s16 =	sadd.s32 $0x80, s16;
	(pc) =	sbr.rel @p1 .LBB2_5-.Ltmp4, $2  }
0x52: {  	_ =	sdelay $0x2  }
0x53: {  	s15 =	sadd.s32 $0x400, s15;
	s17 =	sadd.s32 s17, s13  }
.Ltmp5:
0x54: {  	_ = 	snop;
	(pc) =	sbr.rel .LBB2_6-.Ltmp5, $1  }
0x55: {  	_ =	sdelay $0x3  }
.LBB2_8:
0x56: {  	_ =	sfence.sel $0x180000  }
0x57: {  	s1 =	simm.s32 $0x2;
	[bflag:$0x0] =	sbarrier.arrive $0xFFFF  }
0x58: {  	s30 =	simm.s32 $0x3;
	[sflag:s1] =	ssyncpa.u1 $0x1  }
0x59: {  	s31 =	simm.s32 $0x1;
	[sflag:s30] =	ssyncpa.u1 $0x1  }
0x5a: {  	[sflag:s31] =	ssyncpa.u1 $0x1  }
0x5b: {  	p0 =	sne.s32 s0, $0x0;
	_ =	strace $0x90000047  }
0x5c: {  	s0 =	sadd.s32 @!p0 $0x100000, s2;
	[bflag:$0x2] =	sbarrier.arrive $0xFFFF  }
0x5d: {  	[sflag:s0] =	ssyncadd.tile.s32 @!p0 $0x1;
	_ =	shalt  }
.Lfunc_end2:
_tile_overlayer_lowered:
.L_overlay_start_2:
0x5e: {  	(tag) =	ssettag $0x2  }
0x5f: {  	s0 =	rddreg [dreg:$0x0];
	s2 =	stileid.u32  }
0x60: {  	s1 =	rddreg [dreg:$0x1];
	p0 =	sne.s32 s2, $0x0  }
0x61: {  	s3 =	rddreg [dreg:$0x2];
	[bflag:$0x3] =	sbarrier.arrive $0xFFFF;
	s2 =	simm.s32 @!p0 $0x1C01  }
0x62: {  	[timem:s3], [sflag:s2] =	dma.local @!p0 [hbm:s0], s1  }
0x63: {  	s0 =	simm.s32 @!p0 $0x1  }
0x64: {  	_ =	swait.ge @!p0 [sflag:s0], s1  }
0x65: {  	s1 =	ssub.s32 @!p0 $0x0, s1;
	[sflag:s0] =	ssyncset.done @!p0 $0x0  }
0x66: {  	[sflag:s0] =	ssyncadd.s32 @!p0 s1  }
0x67: {  	[bflag:$0x3] =	sbarrier.arrive $0xFFFF  }
0x68: {  	_ =	shalt  }

</sc_bundles>
